<compile_context>
chip_gen: v7x
topology: tpu7x:2x2x1
jax: 0.10.2.dev20260603
libtpu: 0.0.44.dev20260713+nightly
codegen_flags: <defaults>
</compile_context>

<pallas_src>
import functools

import jax
import jax.numpy as jnp
from jax import lax
from jax.experimental import pallas as pl
from jax.experimental.pallas import tpu as pltpu
from jax.experimental.pallas import tpu_sc as plsc

_VOCAB = 1000
_BATCH = 16384
_FIELDS = 100

_INFO = plsc.get_sparse_core_info()
_NC = _INFO.num_cores
_NS = _INFO.num_subcores
_NW = _NC * _NS
_L = _INFO.num_lanes
_ROWS = _BATCH // _NW
_PIECE = 128

_COL_STARTS = (0, 16, 32, 48, 64, 80, _FIELDS - _L)


def _make_lookup():
    mesh = plsc.VectorSubcoreMesh(core_axis_name="c", subcore_axis_name="s")

    @functools.partial(
        pl.kernel,
        mesh=mesh,
        out_type=jax.ShapeDtypeStruct((_BATCH, _FIELDS), jnp.int32),
        compiler_params=pltpu.CompilerParams(needs_layout_passes=False),
        scratch_types=[
            pltpu.VMEM((_PIECE, _FIELDS), jnp.int32),
            pltpu.VMEM((_PIECE, _FIELDS), jnp.int32),
            pltpu.VMEM((_VOCAB,), jnp.int32),
            pltpu.VMEM((_VOCAB,), jnp.int32),
        ],
    )
    def lookup(in_hbm, keys_hbm, ids_hbm, out_hbm, x_v, o_v, keys_v, ids_v):
        wid = lax.axis_index("s") * _NC + lax.axis_index("c")
        row0 = wid * _ROWS
        pltpu.sync_copy(keys_hbm, keys_v)
        pltpu.sync_copy(ids_hbm, ids_v)

        for p in range(_ROWS // _PIECE):
            base = row0 + p * _PIECE
            pltpu.sync_copy(in_hbm.at[pl.ds(base, _PIECE), :], x_v)

            @plsc.parallel_loop(0, _PIECE, 1, unroll=2)
            def body(r):
                for c in _COL_STARTS:
                    x = x_v[r, pl.ds(c, _L)]
                    pos = jnp.clip(x, 0, _VOCAB - 1)
                    key = plsc.load_gather(keys_v, [pos])
                    val = plsc.load_gather(ids_v, [pos])
                    o_v[r, pl.ds(c, _L)] = jnp.where(key == x, val, 0)

            pltpu.sync_copy(o_v, out_hbm.at[pl.ds(base, _PIECE), :])

    return lookup


_lookup = _make_lookup()


@jax.jit
def kernel(inputs, vocab_keys, id_list):
    return _lookup(inputs, vocab_keys, id_list)

# --- scband reference (transcript-rebuilt; emitter-appended) ---
"""Pipeline reference for scband-vocab-layer-21638045237340 (READ-ONLY COPY).

The authoritative reference and input builder live on the scoring server;
editing this copy changes nothing except your own understanding.
"""

import jax, jax.numpy as jnp
import numpy as np

VOCAB = 1000
BATCH = 16384
FIELDS = 100


def setup_inputs(seed: int = 0) -> dict:
    key = jax.random.key(seed)
    # Raw feature keys (stand-in for string keys; use_hash=False so keys are plain ids)
    inputs = jax.random.randint(key, (BATCH, FIELDS), 0, VOCAB, dtype=jnp.int32)
    # StaticHashTable contents: vocab_list keys -> ids 1..len(vocab_list), default 0.
    # vocab_list is [0..VOCAB-1] (sorted), so we can emulate tf.lookup.StaticHashTable
    # with a searchsorted-based exact-match lookup.
    vocab_keys = jnp.arange(VOCAB, dtype=jnp.int32)
    id_list = jnp.arange(1, VOCAB + 1, dtype=jnp.int32)
    return {"inputs": inputs, "vocab_keys": vocab_keys, "id_list": id_list}


def reference(inputs, vocab_keys, id_list):
    # Emulates self.feat2id_table.lookup(inputs) with default_value=0.
    # vocab_keys is sorted, so exact-match lookup = searchsorted + equality check.
    pos = jnp.searchsorted(vocab_keys, inputs)
    pos = jnp.clip(pos, 0, vocab_keys.shape[0] - 1)
    match = vocab_keys[pos] == inputs
    ids = jnp.where(match, jnp.take(id_list, pos, axis=0), jnp.int32(0))
    return ids

if __name__ == "__main__":
    import jax
    _d = setup_inputs()
    print(jax.jit(kernel)(*tuple(_d.values())))

</pallas_src>

<mosaic_0001>
#map = affine_map<(d0, d1) -> (0, 0)>
#map1 = affine_map<(d0, d1) -> (0)>
module attributes {stable_mosaic.version = 14 : i64} {
  func.func @lookup(%arg0: i32, %arg1: i32, %arg2: memref<16384x100xi32, #tpu.memory_space<hbm>>, %arg3: memref<1000xi32, #tpu.memory_space<hbm>>, %arg4: memref<1000xi32, #tpu.memory_space<hbm>>, %arg5: memref<16384x100xi32, #tpu.memory_space<hbm>>, %arg6: memref<128x100xi32, #tpu.memory_space<vmem>>, %arg7: memref<128x100xi32, #tpu.memory_space<vmem>>, %arg8: memref<1000xi32, #tpu.memory_space<vmem>>, %arg9: memref<1000xi32, #tpu.memory_space<vmem>>) attributes {dimension_semantics = [#tpu.dimension_semantics<core_parallel>, #tpu.dimension_semantics<subcore_parallel>], iteration_bounds = array<i64: 2, 16>, scalar_prefetch = 0 : i64, scratch_operands = 4 : i64, tpu.core_type = #tpu.core_type<sc_vector_subcore>, window_params = [{transform_indices = #map}, {transform_indices = #map1}, {transform_indices = #map1}, {transform_indices = #map}]} {
    %mul3A = arith.constant 2 : i32
    %mul3A_0 = arith.muli %arg1, %mul3A : i32
    %add3A = arith.addi %mul3A_0, %arg0 : i32
    %mul3A_1 = arith.constant 512 : i32
    %mul3A_2 = arith.muli %add3A, %mul3A_1 : i32
    "tpu.region"() ({
      %run_scoped3A = tpu.sem_alloc : memref<!tpu.dma_semaphore, #tpu.memory_space<semaphore_mem>>
      tpu.enqueue_dma source(%arg3 : memref<1000xi32, #tpu.memory_space<hbm>>) target(%arg8 : memref<1000xi32, #tpu.memory_space<vmem>>) target_semaphore(%run_scoped3A : memref<!tpu.dma_semaphore, #tpu.memory_space<semaphore_mem>>)
      tpu.wait_dma2 semaphore(%run_scoped3A : memref<!tpu.dma_semaphore, #tpu.memory_space<semaphore_mem>>) src(%arg3 : memref<1000xi32, #tpu.memory_space<hbm>>) dst(%arg8 : memref<1000xi32, #tpu.memory_space<vmem>>)
      tpu.yield
    }) : () -> ()
    "tpu.region"() ({
      %run_scoped3A = tpu.sem_alloc : memref<!tpu.dma_semaphore, #tpu.memory_space<semaphore_mem>>
      tpu.enqueue_dma source(%arg4 : memref<1000xi32, #tpu.memory_space<hbm>>) target(%arg9 : memref<1000xi32, #tpu.memory_space<vmem>>) target_semaphore(%run_scoped3A : memref<!tpu.dma_semaphore, #tpu.memory_space<semaphore_mem>>)
      tpu.wait_dma2 semaphore(%run_scoped3A : memref<!tpu.dma_semaphore, #tpu.memory_space<semaphore_mem>>) src(%arg4 : memref<1000xi32, #tpu.memory_space<hbm>>) dst(%arg9 : memref<1000xi32, #tpu.memory_space<vmem>>)
      tpu.yield
    }) : () -> ()
    %add3A_3 = arith.constant 0 : i32
    %add3A_4 = arith.addi %mul3A_2, %add3A_3 : i32
    "tpu.region"() ({
      %run_scoped3A = tpu.sem_alloc : memref<!tpu.dma_semaphore, #tpu.memory_space<semaphore_mem>>
      %dma_start3A = arith.constant 0 : i32
      %dma_start3A_22 = tpu.memref_slice %arg2[%add3A_4, %dma_start3A] : memref<16384x100xi32, #tpu.memory_space<hbm>> -> memref<128x100xi32, #tpu.memory_space<hbm>>
      %dma_start3A_23 = arith.constant 0 : i32
      %dma_start3A_24 = tpu.memref_slice %arg2[%add3A_4, %dma_start3A_23] : memref<16384x100xi32, #tpu.memory_space<hbm>> -> memref<128x100xi32, #tpu.memory_space<hbm>>
      tpu.enqueue_dma source(%dma_start3A_24 : memref<128x100xi32, #tpu.memory_space<hbm>>) target(%arg6 : memref<128x100xi32, #tpu.memory_space<vmem>>) target_semaphore(%run_scoped3A : memref<!tpu.dma_semaphore, #tpu.memory_space<semaphore_mem>>)
      %dma_wait3A = arith.constant 0 : i32
      %dma_wait3A_25 = tpu.memref_slice %arg2[%add3A_4, %dma_wait3A] : memref<16384x100xi32, #tpu.memory_space<hbm>> -> memref<128x100xi32, #tpu.memory_space<hbm>>
      %dma_wait3A_26 = arith.constant 0 : i32
      %dma_wait3A_27 = tpu.memref_slice %arg2[%add3A_4, %dma_wait3A_26] : memref<16384x100xi32, #tpu.memory_space<hbm>> -> memref<128x100xi32, #tpu.memory_space<hbm>>
      tpu.wait_dma2 semaphore(%run_scoped3A : memref<!tpu.dma_semaphore, #tpu.memory_space<semaphore_mem>>) src(%dma_wait3A_27 : memref<128x100xi32, #tpu.memory_space<hbm>>) dst(%arg6 : memref<128x100xi32, #tpu.memory_space<vmem>>)
      tpu.yield
    }) : () -> ()
    %parallel_loop3A = arith.constant 0 : i32
    %parallel_loop3A_5 = arith.constant 128 : i32
    %parallel_loop3A_6 = arith.constant 1 : i32
    scf.for %parallel_loop3A_22 = %parallel_loop3A to %parallel_loop3A_5 step %parallel_loop3A_6  : i32 {
      %parallel_loop3A_23 = arith.index_cast %parallel_loop3A_22 : i32 to index
      %parallel_loop3A_24 = arith.constant 0 : index
      %parallel_loop3A_25 = tpu.vector_load %arg6[%parallel_loop3A_23, %parallel_loop3A_24] {strides = array<i32>} : memref<128x100xi32, #tpu.memory_space<vmem>>, vector<16xi32>,
      %parallel_loop3A_26 = arith.constant 0 : i32
      %parallel_loop3A_27 = arith.constant 999 : i32
      %parallel_loop3A_28 = vector.broadcast %parallel_loop3A_26 : i32 to vector<16xi32>
      %parallel_loop3A_29 = arith.maxsi %parallel_loop3A_28, %parallel_loop3A_25 : vector<16xi32>
      %parallel_loop3A_30 = vector.broadcast %parallel_loop3A_27 : i32 to vector<16xi32>
      %parallel_loop3A_31 = arith.minsi %parallel_loop3A_30, %parallel_loop3A_29 : vector<16xi32>
      %parallel_loop3A_32 = tpu.vector_load_idx %arg8[%parallel_loop3A_31] : memref<1000xi32, #tpu.memory_space<vmem>>[vector<16xi32>], vector<16xi32>,
      %parallel_loop3A_33 = tpu.vector_load_idx %arg9[%parallel_loop3A_31] : memref<1000xi32, #tpu.memory_space<vmem>>[vector<16xi32>], vector<16xi32>,
      %parallel_loop3A_34 = arith.cmpi eq, %parallel_loop3A_32, %parallel_loop3A_25 : vector<16xi32>
      %parallel_loop3A_35 = arith.constant 0 : i32
      %parallel_loop3A_36 = vector.broadcast %parallel_loop3A_35 : i32 to vector<16xi32>
      %parallel_loop3A_37 = arith.select %parallel_loop3A_34, %parallel_loop3A_33, %parallel_loop3A_36 : vector<16xi1>, vector<16xi32>
      %parallel_loop3A_38 = arith.index_cast %parallel_loop3A_22 : i32 to index
      %parallel_loop3A_39 = arith.constant 0 : index
      %parallel_loop3A_40 = tpu.vector_load %arg7[%parallel_loop3A_38, %parallel_loop3A_39] {strides = array<i32>} : memref<128x100xi32, #tpu.memory_space<vmem>>, vector<16xi32>,
      tpu.vector_store %arg7[%parallel_loop3A_38, %parallel_loop3A_39], %parallel_loop3A_37 {strides = array<i32>} : memref<128x100xi32, #tpu.memory_space<vmem>>, vector<16xi32>,
      %parallel_loop3A_41 = arith.index_cast %parallel_loop3A_22 : i32 to index
      %parallel_loop3A_42 = arith.constant 16 : index
      %parallel_loop3A_43 = tpu.vector_load %arg6[%parallel_loop3A_41, %parallel_loop3A_42] {strides = array<i32>} : memref<128x100xi32, #tpu.memory_space<vmem>>, vector<16xi32>,
      %parallel_loop3A_44 = arith.constant 0 : i32
      %parallel_loop3A_45 = arith.constant 999 : i32
      %parallel_loop3A_46 = vector.broadcast %parallel_loop3A_44 : i32 to vector<16xi32>
      %parallel_loop3A_47 = arith.maxsi %parallel_loop3A_46, %parallel_loop3A_43 : vector<16xi32>
      %parallel_loop3A_48 = vector.broadcast %parallel_loop3A_45 : i32 to vector<16xi32>
      %parallel_loop3A_49 = arith.minsi %parallel_loop3A_48, %parallel_loop3A_47 : vector<16xi32>
      %parallel_loop3A_50 = tpu.vector_load_idx %arg8[%parallel_loop3A_49] : memref<1000xi32, #tpu.memory_space<vmem>>[vector<16xi32>], vector<16xi32>,
      %parallel_loop3A_51 = tpu.vector_load_idx %arg9[%parallel_loop3A_49] : memref<1000xi32, #tpu.memory_space<vmem>>[vector<16xi32>], vector<16xi32>,
      %parallel_loop3A_52 = arith.cmpi eq, %parallel_loop3A_50, %parallel_loop3A_43 : vector<16xi32>
      %parallel_loop3A_53 = arith.constant 0 : i32
      %parallel_loop3A_54 = vector.broadcast %parallel_loop3A_53 : i32 to vector<16xi32>
      %parallel_loop3A_55 = arith.select %parallel_loop3A_52, %parallel_loop3A_51, %parallel_loop3A_54 : vector<16xi1>, vector<16xi32>
      %parallel_loop3A_56 = arith.index_cast %parallel_loop3A_22 : i32 to index
      %parallel_loop3A_57 = arith.constant 16 : index
      %parallel_loop3A_58 = tpu.vector_load %arg7[%parallel_loop3A_56, %parallel_loop3A_57] {strides = array<i32>} : memref<128x100xi32, #tpu.memory_space<vmem>>, vector<16xi32>,
      tpu.vector_store %arg7[%parallel_loop3A_56, %parallel_loop3A_57], %parallel_loop3A_55 {strides = array<i32>} : memref<128x100xi32, #tpu.memory_space<vmem>>, vector<16xi32>,
      %parallel_loop3A_59 = arith.index_cast %parallel_loop3A_22 : i32 to index
      %parallel_loop3A_60 = arith.constant 32 : index
      %parallel_loop3A_61 = tpu.vector_load %arg6[%parallel_loop3A_59, %parallel_loop3A_60] {strides = array<i32>} : memref<128x100xi32, #tpu.memory_space<vmem>>, vector<16xi32>,
      %parallel_loop3A_62 = arith.constant 0 : i32
      %parallel_loop3A_63 = arith.constant 999 : i32
      %parallel_loop3A_64 = vector.broadcast %parallel_loop3A_62 : i32 to vector<16xi32>
      %parallel_loop3A_65 = arith.maxsi %parallel_loop3A_64, %parallel_loop3A_61 : vector<16xi32>
      %parallel_loop3A_66 = vector.broadcast %parallel_loop3A_63 : i32 to vector<16xi32>
      %parallel_loop3A_67 = arith.minsi %parallel_loop3A_66, %parallel_loop3A_65 : vector<16xi32>
      %parallel_loop3A_68 = tpu.vector_load_idx %arg8[%parallel_loop3A_67] : memref<1000xi32, #tpu.memory_space<vmem>>[vector<16xi32>], vector<16xi32>,
      %parallel_loop3A_69 = tpu.vector_load_idx %arg9[%parallel_loop3A_67] : memref<1000xi32, #tpu.memory_space<vmem>>[vector<16xi32>], vector<16xi32>,
      %parallel_loop3A_70 = arith.cmpi eq, %parallel_loop3A_68, %parallel_loop3A_61 : vector<16xi32>
      %parallel_loop3A_71 = arith.constant 0 : i32
      %parallel_loop3A_72 = vector.broadcast %parallel_loop3A_71 : i32 to vector<16xi32>
      %parallel_loop3A_73 = arith.select %parallel_loop3A_70, %parallel_loop3A_69, %parallel_loop3A_72 : vector<16xi1>, vector<16xi32>
      %parallel_loop3A_74 = arith.index_cast %parallel_loop3A_22 : i32 to index
      %parallel_loop3A_75 = arith.constant 32 : index
      %parallel_loop3A_76 = tpu.vector_load %arg7[%parallel_loop3A_74, %parallel_loop3A_75] {strides = array<i32>} : memref<128x100xi32, #tpu.memory_space<vmem>>, vector<16xi32>,
      tpu.vector_store %arg7[%parallel_loop3A_74, %parallel_loop3A_75], %parallel_loop3A_73 {strides = array<i32>} : memref<128x100xi32, #tpu.memory_space<vmem>>, vector<16xi32>,
      %parallel_loop3A_77 = arith.index_cast %parallel_loop3A_22 : i32 to index
      %parallel_loop3A_78 = arith.constant 48 : index
      %parallel_loop3A_79 = tpu.vector_load %arg6[%parallel_loop3A_77, %parallel_loop3A_78] {strides = array<i32>} : memref<128x100xi32, #tpu.memory_space<vmem>>, vector<16xi32>,
      %parallel_loop3A_80 = arith.constant 0 : i32
      %parallel_loop3A_81 = arith.constant 999 : i32
      %parallel_loop3A_82 = vector.broadcast %parallel_loop3A_80 : i32 to vector<16xi32>
      %parallel_loop3A_83 = arith.maxsi %parallel_loop3A_82, %parallel_loop3A_79 : vector<16xi32>
      %parallel_loop3A_84 = vector.broadcast %parallel_loop3A_81 : i32 to vector<16xi32>
      %parallel_loop3A_85 = arith.minsi %parallel_loop3A_84, %parallel_loop3A_83 : vector<16xi32>
      %parallel_loop3A_86 = tpu.vector_load_idx %arg8[%parallel_loop3A_85] : memref<1000xi32, #tpu.memory_space<vmem>>[vector<16xi32>], vector<16xi32>,
      %parallel_loop3A_87 = tpu.vector_load_idx %arg9[%parallel_loop3A_85] : memref<1000xi32, #tpu.memory_space<vmem>>[vector<16xi32>], vector<16xi32>,
      %parallel_loop3A_88 = arith.cmpi eq, %parallel_loop3A_86, %parallel_loop3A_79 : vector<16xi32>
      %parallel_loop3A_89 = arith.constant 0 : i32
      %parallel_loop3A_90 = vector.broadcast %parallel_loop3A_89 : i32 to vector<16xi32>
      %parallel_loop3A_91 = arith.select %parallel_loop3A_88, %parallel_loop3A_87, %parallel_loop3A_90 : vector<16xi1>, vector<16xi32>
      %parallel_loop3A_92 = arith.index_cast %parallel_loop3A_22 : i32 to index
      %parallel_loop3A_93 = arith.constant 48 : index
      %parallel_loop3A_94 = tpu.vector_load %arg7[%parallel_loop3A_92, %parallel_loop3A_93] {strides = array<i32>} : memref<128x100xi32, #tpu.memory_space<vmem>>, vector<16xi32>,
      tpu.vector_store %arg7[%parallel_loop3A_92, %parallel_loop3A_93], %parallel_loop3A_91 {strides = array<i32>} : memref<128x100xi32, #tpu.memory_space<vmem>>, vector<16xi32>,
      %parallel_loop3A_95 = arith.index_cast %parallel_loop3A_22 : i32 to index
      %parallel_loop3A_96 = arith.constant 64 : index
      %parallel_loop3A_97 = tpu.vector_load %arg6[%parallel_loop3A_95, %parallel_loop3A_96] {strides = array<i32>} : memref<128x100xi32, #tpu.memory_space<vmem>>, vector<16xi32>,
      %parallel_loop3A_98 = arith.constant 0 : i32
      %parallel_loop3A_99 = arith.constant 999 : i32
      %parallel_loop3A_100 = vector.broadcast %parallel_loop3A_98 : i32 to vector<16xi32>
      %parallel_loop3A_101 = arith.maxsi %parallel_loop3A_100, %parallel_loop3A_97 : vector<16xi32>
      %parallel_loop3A_102 = vector.broadcast %parallel_loop3A_99 : i32 to vector<16xi32>
      %parallel_loop3A_103 = arith.minsi %parallel_loop3A_102, %parallel_loop3A_101 : vector<16xi32>
      %parallel_loop3A_104 = tpu.vector_load_idx %arg8[%parallel_loop3A_103] : memref<1000xi32, #tpu.memory_space<vmem>>[vector<16xi32>], vector<16xi32>,
      %parallel_loop3A_105 = tpu.vector_load_idx %arg9[%parallel_loop3A_103] : memref<1000xi32, #tpu.memory_space<vmem>>[vector<16xi32>], vector<16xi32>,
      %parallel_loop3A_106 = arith.cmpi eq, %parallel_loop3A_104, %parallel_loop3A_97 : vector<16xi32>
      %parallel_loop3A_107 = arith.constant 0 : i32
      %parallel_loop3A_108 = vector.broadcast %parallel_loop3A_107 : i32 to vector<16xi32>
      %parallel_loop3A_109 = arith.select %parallel_loop3A_106, %parallel_loop3A_105, %parallel_loop3A_108 : vector<16xi1>, vector<16xi32>
      %parallel_loop3A_110 = arith.index_cast %parallel_loop3A_22 : i32 to index
      %parallel_loop3A_111 = arith.constant 64 : index
      %parallel_loop3A_112 = tpu.vector_load %arg7[%parallel_loop3A_110, %parallel_loop3A_111] {strides = array<i32>} : memref<128x100xi32, #tpu.memory_space<vmem>>, vector<16xi32>,
      tpu.vector_store %arg7[%parallel_loop3A_110, %parallel_loop3A_111], %parallel_loop3A_109 {strides = array<i32>} : memref<128x100xi32, #tpu.memory_space<vmem>>, vector<16xi32>,
      %parallel_loop3A_113 = arith.index_cast %parallel_loop3A_22 : i32 to index
      %parallel_loop3A_114 = arith.constant 80 : index
      %parallel_loop3A_115 = tpu.vector_load %arg6[%parallel_loop3A_113, %parallel_loop3A_114] {strides = array<i32>} : memref<128x100xi32, #tpu.memory_space<vmem>>, vector<16xi32>,
      %parallel_loop3A_116 = arith.constant 0 : i32
      %parallel_loop3A_117 = arith.constant 999 : i32
      %parallel_loop3A_118 = vector.broadcast %parallel_loop3A_116 : i32 to vector<16xi32>
      %parallel_loop3A_119 = arith.maxsi %parallel_loop3A_118, %parallel_loop3A_115 : vector<16xi32>
      %parallel_loop3A_120 = vector.broadcast %parallel_loop3A_117 : i32 to vector<16xi32>
      %parallel_loop3A_121 = arith.minsi %parallel_loop3A_120, %parallel_loop3A_119 : vector<16xi32>
      %parallel_loop3A_122 = tpu.vector_load_idx %arg8[%parallel_loop3A_121] : memref<1000xi32, #tpu.memory_space<vmem>>[vector<16xi32>], vector<16xi32>,
      %parallel_loop3A_123 = tpu.vector_load_idx %arg9[%parallel_loop3A_121] : memref<1000xi32, #tpu.memory_space<vmem>>[vector<16xi32>], vector<16xi32>,
      %parallel_loop3A_124 = arith.cmpi eq, %parallel_loop3A_122, %parallel_loop3A_115 : vector<16xi32>
      %parallel_loop3A_125 = arith.constant 0 : i32
      %parallel_loop3A_126 = vector.broadcast %parallel_loop3A_125 : i32 to vector<16xi32>
      %parallel_loop3A_127 = arith.select %parallel_loop3A_124, %parallel_loop3A_123, %parallel_loop3A_126 : vector<16xi1>, vector<16xi32>
      %parallel_loop3A_128 = arith.index_cast %parallel_loop3A_22 : i32 to index
      %parallel_loop3A_129 = arith.constant 80 : index
      %parallel_loop3A_130 = tpu.vector_load %arg7[%parallel_loop3A_128, %parallel_loop3A_129] {strides = array<i32>} : memref<128x100xi32, #tpu.memory_space<vmem>>, vector<16xi32>,
      tpu.vector_store %arg7[%parallel_loop3A_128, %parallel_loop3A_129], %parallel_loop3A_127 {strides = array<i32>} : memref<128x100xi32, #tpu.memory_space<vmem>>, vector<16xi32>,
      %parallel_loop3A_131 = arith.index_cast %parallel_loop3A_22 : i32 to index
      %parallel_loop3A_132 = arith.constant 84 : index
      %parallel_loop3A_133 = tpu.vector_load %arg6[%parallel_loop3A_131, %parallel_loop3A_132] {strides = array<i32>} : memref<128x100xi32, #tpu.memory_space<vmem>>, vector<16xi32>,
      %parallel_loop3A_134 = arith.constant 0 : i32
      %parallel_loop3A_135 = arith.constant 999 : i32
      %parallel_loop3A_136 = vector.broadcast %parallel_loop3A_134 : i32 to vector<16xi32>
      %parallel_loop3A_137 = arith.maxsi %parallel_loop3A_136, %parallel_loop3A_133 : vector<16xi32>
      %parallel_loop3A_138 = vector.broadcast %parallel_loop3A_135 : i32 to vector<16xi32>
      %parallel_loop3A_139 = arith.minsi %parallel_loop3A_138, %parallel_loop3A_137 : vector<16xi32>
      %parallel_loop3A_140 = tpu.vector_load_idx %arg8[%parallel_loop3A_139] : memref<1000xi32, #tpu.memory_space<vmem>>[vector<16xi32>], vector<16xi32>,
      %parallel_loop3A_141 = tpu.vector_load_idx %arg9[%parallel_loop3A_139] : memref<1000xi32, #tpu.memory_space<vmem>>[vector<16xi32>], vector<16xi32>,
      %parallel_loop3A_142 = arith.cmpi eq, %parallel_loop3A_140, %parallel_loop3A_133 : vector<16xi32>
      %parallel_loop3A_143 = arith.constant 0 : i32
      %parallel_loop3A_144 = vector.broadcast %parallel_loop3A_143 : i32 to vector<16xi32>
      %parallel_loop3A_145 = arith.select %parallel_loop3A_142, %parallel_loop3A_141, %parallel_loop3A_144 : vector<16xi1>, vector<16xi32>
      %parallel_loop3A_146 = arith.index_cast %parallel_loop3A_22 : i32 to index
      %parallel_loop3A_147 = arith.constant 84 : index
      %parallel_loop3A_148 = tpu.vector_load %arg7[%parallel_loop3A_146, %parallel_loop3A_147] {strides = array<i32>} : memref<128x100xi32, #tpu.memory_space<vmem>>, vector<16xi32>,
      tpu.vector_store %arg7[%parallel_loop3A_146, %parallel_loop3A_147], %parallel_loop3A_145 {strides = array<i32>} : memref<128x100xi32, #tpu.memory_space<vmem>>, vector<16xi32>,
    } {sc.loop_unroll_factor = 2 : i64, sc.parallel_access}
    "tpu.region"() ({
      %run_scoped3A = tpu.sem_alloc : memref<!tpu.dma_semaphore, #tpu.memory_space<semaphore_mem>>
      %dma_start3A = arith.constant 0 : i32
      %dma_start3A_22 = tpu.memref_slice %arg5[%add3A_4, %dma_start3A] : memref<16384x100xi32, #tpu.memory_space<hbm>> -> memref<128x100xi32, #tpu.memory_space<hbm>>
      %dma_start3A_23 = arith.constant 0 : i32
      %dma_start3A_24 = tpu.memref_slice %arg5[%add3A_4, %dma_start3A_23] : memref<16384x100xi32, #tpu.memory_space<hbm>> -> memref<128x100xi32, #tpu.memory_space<hbm>>
      tpu.enqueue_dma source(%arg7 : memref<128x100xi32, #tpu.memory_space<vmem>>) target(%dma_start3A_24 : memref<128x100xi32, #tpu.memory_space<hbm>>) target_semaphore(%run_scoped3A : memref<!tpu.dma_semaphore, #tpu.memory_space<semaphore_mem>>)
      %dma_wait3A = arith.constant 0 : i32
      %dma_wait3A_25 = tpu.memref_slice %arg5[%add3A_4, %dma_wait3A] : memref<16384x100xi32, #tpu.memory_space<hbm>> -> memref<128x100xi32, #tpu.memory_space<hbm>>
      %dma_wait3A_26 = arith.constant 0 : i32
      %dma_wait3A_27 = tpu.memref_slice %arg5[%add3A_4, %dma_wait3A_26] : memref<16384x100xi32, #tpu.memory_space<hbm>> -> memref<128x100xi32, #tpu.memory_space<hbm>>
      tpu.wait_dma2 semaphore(%run_scoped3A : memref<!tpu.dma_semaphore, #tpu.memory_space<semaphore_mem>>) src(%arg7 : memref<128x100xi32, #tpu.memory_space<vmem>>) dst(%dma_wait3A_27 : memref<128x100xi32, #tpu.memory_space<hbm>>)
      tpu.yield
    }) : () -> ()
    %add3A_7 = arith.constant 128 : i32
    %add3A_8 = arith.addi %mul3A_2, %add3A_7 : i32
    "tpu.region"() ({
      %run_scoped3A = tpu.sem_alloc : memref<!tpu.dma_semaphore, #tpu.memory_space<semaphore_mem>>
      %dma_start3A = arith.constant 0 : i32
      %dma_start3A_22 = tpu.memref_slice %arg2[%add3A_8, %dma_start3A] : memref<16384x100xi32, #tpu.memory_space<hbm>> -> memref<128x100xi32, #tpu.memory_space<hbm>>
      %dma_start3A_23 = arith.constant 0 : i32
      %dma_start3A_24 = tpu.memref_slice %arg2[%add3A_8, %dma_start3A_23] : memref<16384x100xi32, #tpu.memory_space<hbm>> -> memref<128x100xi32, #tpu.memory_space<hbm>>
      tpu.enqueue_dma source(%dma_start3A_24 : memref<128x100xi32, #tpu.memory_space<hbm>>) target(%arg6 : memref<128x100xi32, #tpu.memory_space<vmem>>) target_semaphore(%run_scoped3A : memref<!tpu.dma_semaphore, #tpu.memory_space<semaphore_mem>>)
      %dma_wait3A = arith.constant 0 : i32
      %dma_wait3A_25 = tpu.memref_slice %arg2[%add3A_8, %dma_wait3A] : memref<16384x100xi32, #tpu.memory_space<hbm>> -> memref<128x100xi32, #tpu.memory_space<hbm>>
      %dma_wait3A_26 = arith.constant 0 : i32
      %dma_wait3A_27 = tpu.memref_slice %arg2[%add3A_8, %dma_wait3A_26] : memref<16384x100xi32, #tpu.memory_space<hbm>> -> memref<128x100xi32, #tpu.memory_space<hbm>>
      tpu.wait_dma2 semaphore(%run_scoped3A : memref<!tpu.dma_semaphore, #tpu.memory_space<semaphore_mem>>) src(%dma_wait3A_27 : memref<128x100xi32, #tpu.memory_space<hbm>>) dst(%arg6 : memref<128x100xi32, #tpu.memory_space<vmem>>)
      tpu.yield
    }) : () -> ()
    %parallel_loop3A_9 = arith.constant 0 : i32
    %parallel_loop3A_10 = arith.constant 128 : i32
    %parallel_loop3A_11 = arith.constant 1 : i32
    scf.for %parallel_loop3A_22 = %parallel_loop3A_9 to %parallel_loop3A_10 step %parallel_loop3A_11  : i32 {
      %parallel_loop3A_23 = arith.index_cast %parallel_loop3A_22 : i32 to index
      %parallel_loop3A_24 = arith.constant 0 : index
      %parallel_loop3A_25 = tpu.vector_load %arg6[%parallel_loop3A_23, %parallel_loop3A_24] {strides = array<i32>} : memref<128x100xi32, #tpu.memory_space<vmem>>, vector<16xi32>,
      %parallel_loop3A_26 = arith.constant 0 : i32
      %parallel_loop3A_27 = arith.constant 999 : i32
      %parallel_loop3A_28 = vector.broadcast %parallel_loop3A_26 : i32 to vector<16xi32>
      %parallel_loop3A_29 = arith.maxsi %parallel_loop3A_28, %parallel_loop3A_25 : vector<16xi32>
      %parallel_loop3A_30 = vector.broadcast %parallel_loop3A_27 : i32 to vector<16xi32>
      %parallel_loop3A_31 = arith.minsi %parallel_loop3A_30, %parallel_loop3A_29 : vector<16xi32>
      %parallel_loop3A_32 = tpu.vector_load_idx %arg8[%parallel_loop3A_31] : memref<1000xi32, #tpu.memory_space<vmem>>[vector<16xi32>], vector<16xi32>,
      %parallel_loop3A_33 = tpu.vector_load_idx %arg9[%parallel_loop3A_31] : memref<1000xi32, #tpu.memory_space<vmem>>[vector<16xi32>], vector<16xi32>,
      %parallel_loop3A_34 = arith.cmpi eq, %parallel_loop3A_32, %parallel_loop3A_25 : vector<16xi32>
      %parallel_loop3A_35 = arith.constant 0 : i32
      %parallel_loop3A_36 = vector.broadcast %parallel_loop3A_35 : i32 to vector<16xi32>
      %parallel_loop3A_37 = arith.select %parallel_loop3A_34, %parallel_loop3A_33, %parallel_loop3A_36 : vector<16xi1>, vector<16xi32>
      %parallel_loop3A_38 = arith.index_cast %parallel_loop3A_22 : i32 to index
      %parallel_loop3A_39 = arith.constant 0 : index
      %parallel_loop3A_40 = tpu.vector_load %arg7[%parallel_loop3A_38, %parallel_loop3A_39] {strides = array<i32>} : memref<128x100xi32, #tpu.memory_space<vmem>>, vector<16xi32>,
      tpu.vector_store %arg7[%parallel_loop3A_38, %parallel_loop3A_39], %parallel_loop3A_37 {strides = array<i32>} : memref<128x100xi32, #tpu.memory_space<vmem>>, vector<16xi32>,
      %parallel_loop3A_41 = arith.index_cast %parallel_loop3A_22 : i32 to index
      %parallel_loop3A_42 = arith.constant 16 : index
      %parallel_loop3A_43 = tpu.vector_load %arg6[%parallel_loop3A_41, %parallel_loop3A_42] {strides = array<i32>} : memref<128x100xi32, #tpu.memory_space<vmem>>, vector<16xi32>,
      %parallel_loop3A_44 = arith.constant 0 : i32
      %parallel_loop3A_45 = arith.constant 999 : i32
      %parallel_loop3A_46 = vector.broadcast %parallel_loop3A_44 : i32 to vector<16xi32>
      %parallel_loop3A_47 = arith.maxsi %parallel_loop3A_46, %parallel_loop3A_43 : vector<16xi32>
      %parallel_loop3A_48 = vector.broadcast %parallel_loop3A_45 : i32 to vector<16xi32>
      %parallel_loop3A_49 = arith.minsi %parallel_loop3A_48, %parallel_loop3A_47 : vector<16xi32>
      %parallel_loop3A_50 = tpu.vector_load_idx %arg8[%parallel_loop3A_49] : memref<1000xi32, #tpu.memory_space<vmem>>[vector<16xi32>], vector<16xi32>,
      %parallel_loop3A_51 = tpu.vector_load_idx %arg9[%parallel_loop3A_49] : memref<1000xi32, #tpu.memory_space<vmem>>[vector<16xi32>], vector<16xi32>,
      %parallel_loop3A_52 = arith.cmpi eq, %parallel_loop3A_50, %parallel_loop3A_43 : vector<16xi32>
      %parallel_loop3A_53 = arith.constant 0 : i32
      %parallel_loop3A_54 = vector.broadcast %parallel_loop3A_53 : i32 to vector<16xi32>
      %parallel_loop3A_55 = arith.select %parallel_loop3A_52, %parallel_loop3A_51, %parallel_loop3A_54 : vector<16xi1>, vector<16xi32>
      %parallel_loop3A_56 = arith.index_cast %parallel_loop3A_22 : i32 to index
      %parallel_loop3A_57 = arith.constant 16 : index
      %parallel_loop3A_58 = tpu.vector_load %arg7[%parallel_loop3A_56, %parallel_loop3A_57] {strides = array<i32>} : memref<128x100xi32, #tpu.memory_space<vmem>>, vector<16xi32>,
      tpu.vector_store %arg7[%parallel_loop3A_56, %parallel_loop3A_57], %parallel_loop3A_55 {strides = array<i32>} : memref<128x100xi32, #tpu.memory_space<vmem>>, vector<16xi32>,
      %parallel_loop3A_59 = arith.index_cast %parallel_loop3A_22 : i32 to index
      %parallel_loop3A_60 = arith.constant 32 : index
      %parallel_loop3A_61 = tpu.vector_load %arg6[%parallel_loop3A_59, %parallel_loop3A_60] {strides = array<i32>} : memref<128x100xi32, #tpu.memory_space<vmem>>, vector<16xi32>,
      %parallel_loop3A_62 = arith.constant 0 : i32
      %parallel_loop3A_63 = arith.constant 999 : i32
      %parallel_loop3A_64 = vector.broadcast %parallel_loop3A_62 : i32 to vector<16xi32>
      %parallel_loop3A_65 = arith.maxsi %parallel_loop3A_64, %parallel_loop3A_61 : vector<16xi32>
      %parallel_loop3A_66 = vector.broadcast %parallel_loop3A_63 : i32 to vector<16xi32>
      %parallel_loop3A_67 = arith.minsi %parallel_loop3A_66, %parallel_loop3A_65 : vector<16xi32>
      %parallel_loop3A_68 = tpu.vector_load_idx %arg8[%parallel_loop3A_67] : memref<1000xi32, #tpu.memory_space<vmem>>[vector<16xi32>], vector<16xi32>,
      %parallel_loop3A_69 = tpu.vector_load_idx %arg9[%parallel_loop3A_67] : memref<1000xi32, #tpu.memory_space<vmem>>[vector<16xi32>], vector<16xi32>,
      %parallel_loop3A_70 = arith.cmpi eq, %parallel_loop3A_68, %parallel_loop3A_61 : vector<16xi32>
      %parallel_loop3A_71 = arith.constant 0 : i32
      %parallel_loop3A_72 = vector.broadcast %parallel_loop3A_71 : i32 to vector<16xi32>
      %parallel_loop3A_73 = arith.select %parallel_loop3A_70, %parallel_loop3A_69, %parallel_loop3A_72 : vector<16xi1>, vector<16xi32>
      %parallel_loop3A_74 = arith.index_cast %parallel_loop3A_22 : i32 to index
      %parallel_loop3A_75 = arith.constant 32 : index
      %parallel_loop3A_76 = tpu.vector_load %arg7[%parallel_loop3A_74, %parallel_loop3A_75] {strides = array<i32>} : memref<128x100xi32, #tpu.memory_space<vmem>>, vector<16xi32>,
      tpu.vector_store %arg7[%parallel_loop3A_74, %parallel_loop3A_75], %parallel_loop3A_73 {strides = array<i32>} : memref<128x100xi32, #tpu.memory_space<vmem>>, vector<16xi32>,
      %parallel_loop3A_77 = arith.index_cast %parallel_loop3A_22 : i32 to index
      %parallel_loop3A_78 = arith.constant 48 : index
      %parallel_loop3A_79 = tpu.vector_load %arg6[%parallel_loop3A_77, %parallel_loop3A_78] {strides = array<i32>} : memref<128x100xi32, #tpu.memory_space<vmem>>, vector<16xi32>,
      %parallel_loop3A_80 = arith.constant 0 : i32
      %parallel_loop3A_81 = arith.constant 999 : i32
      %parallel_loop3A_82 = vector.broadcast %parallel_loop3A_80 : i32 to vector<16xi32>
      %parallel_loop3A_83 = arith.maxsi %parallel_loop3A_82, %parallel_loop3A_79 : vector<16xi32>
      %parallel_loop3A_84 = vector.broadcast %parallel_loop3A_81 : i32 to vector<16xi32>
      %parallel_loop3A_85 = arith.minsi %parallel_loop3A_84, %parallel_loop3A_83 : vector<16xi32>
      %parallel_loop3A_86 = tpu.vector_load_idx %arg8[%parallel_loop3A_85] : memref<1000xi32, #tpu.memory_space<vmem>>[vector<16xi32>], vector<16xi32>,
      %parallel_loop3A_87 = tpu.vector_load_idx %arg9[%parallel_loop3A_85] : memref<1000xi32, #tpu.memory_space<vmem>>[vector<16xi32>], vector<16xi32>,
      %parallel_loop3A_88 = arith.cmpi eq, %parallel_loop3A_86, %parallel_loop3A_79 : vector<16xi32>
      %parallel_loop3A_89 = arith.constant 0 : i32
      %parallel_loop3A_90 = vector.broadcast %parallel_loop3A_89 : i32 to vector<16xi32>
      %parallel_loop3A_91 = arith.select %parallel_loop3A_88, %parallel_loop3A_87, %parallel_loop3A_90 : vector<16xi1>, vector<16xi32>
      %parallel_loop3A_92 = arith.index_cast %parallel_loop3A_22 : i32 to index
      %parallel_loop3A_93 = arith.constant 48 : index
      %parallel_loop3A_94 = tpu.vector_load %arg7[%parallel_loop3A_92, %parallel_loop3A_93] {strides = array<i32>} : memref<128x100xi32, #tpu.memory_space<vmem>>, vector<16xi32>,
      tpu.vector_store %arg7[%parallel_loop3A_92, %parallel_loop3A_93], %parallel_loop3A_91 {strides = array<i32>} : memref<128x100xi32, #tpu.memory_space<vmem>>, vector<16xi32>,
      %parallel_loop3A_95 = arith.index_cast %parallel_loop3A_22 : i32 to index
      %parallel_loop3A_96 = arith.constant 64 : index
      %parallel_loop3A_97 = tpu.vector_load %arg6[%parallel_loop3A_95, %parallel_loop3A_96] {strides = array<i32>} : memref<128x100xi32, #tpu.memory_space<vmem>>, vector<16xi32>,
      %parallel_loop3A_98 = arith.constant 0 : i32
      %parallel_loop3A_99 = arith.constant 999 : i32
      %parallel_loop3A_100 = vector.broadcast %parallel_loop3A_98 : i32 to vector<16xi32>
      %parallel_loop3A_101 = arith.maxsi %parallel_loop3A_100, %parallel_loop3A_97 : vector<16xi32>
      %parallel_loop3A_102 = vector.broadcast %parallel_loop3A_99 : i32 to vector<16xi32>
      %parallel_loop3A_103 = arith.minsi %parallel_loop3A_102, %parallel_loop3A_101 : vector<16xi32>
      %parallel_loop3A_104 = tpu.vector_load_idx %arg8[%parallel_loop3A_103] : memref<1000xi32, #tpu.memory_space<vmem>>[vector<16xi32>], vector<16xi32>,
      %parallel_loop3A_105 = tpu.vector_load_idx %arg9[%parallel_loop3A_103] : memref<1000xi32, #tpu.memory_space<vmem>>[vector<16xi32>], vector<16xi32>,
      %parallel_loop3A_106 = arith.cmpi eq, %parallel_loop3A_104, %parallel_loop3A_97 : vector<16xi32>
      %parallel_loop3A_107 = arith.constant 0 : i32
      %parallel_loop3A_108 = vector.broadcast %parallel_loop3A_107 : i32 to vector<16xi32>
      %parallel_loop3A_109 = arith.select %parallel_loop3A_106, %parallel_loop3A_105, %parallel_loop3A_108 : vector<16xi1>, vector<16xi32>
      %parallel_loop3A_110 = arith.index_cast %parallel_loop3A_22 : i32 to index
      %parallel_loop3A_111 = arith.constant 64 : index
      %parallel_loop3A_112 = tpu.vector_load %arg7[%parallel_loop3A_110, %parallel_loop3A_111] {strides = array<i32>} : memref<128x100xi32, #tpu.memory_space<vmem>>, vector<16xi32>,
      tpu.vector_store %arg7[%parallel_loop3A_110, %parallel_loop3A_111], %parallel_loop3A_109 {strides = array<i32>} : memref<128x100xi32, #tpu.memory_space<vmem>>, vector<16xi32>,
      %parallel_loop3A_113 = arith.index_cast %parallel_loop3A_22 : i32 to index
      %parallel_loop3A_114 = arith.constant 80 : index
      %parallel_loop3A_115 = tpu.vector_load %arg6[%parallel_loop3A_113, %parallel_loop3A_114] {strides = array<i32>} : memref<128x100xi32, #tpu.memory_space<vmem>>, vector<16xi32>,
      %parallel_loop3A_116 = arith.constant 0 : i32
      %parallel_loop3A_117 = arith.constant 999 : i32
      %parallel_loop3A_118 = vector.broadcast %parallel_loop3A_116 : i32 to vector<16xi32>
      %parallel_loop3A_119 = arith.maxsi %parallel_loop3A_118, %parallel_loop3A_115 : vector<16xi32>
      %parallel_loop3A_120 = vector.broadcast %parallel_loop3A_117 : i32 to vector<16xi32>
      %parallel_loop3A_121 = arith.minsi %parallel_loop3A_120, %parallel_loop3A_119 : vector<16xi32>
      %parallel_loop3A_122 = tpu.vector_load_idx %arg8[%parallel_loop3A_121] : memref<1000xi32, #tpu.memory_space<vmem>>[vector<16xi32>], vector<16xi32>,
      %parallel_loop3A_123 = tpu.vector_load_idx %arg9[%parallel_loop3A_121] : memref<1000xi32, #tpu.memory_space<vmem>>[vector<16xi32>], vector<16xi32>,
      %parallel_loop3A_124 = arith.cmpi eq, %parallel_loop3A_122, %parallel_loop3A_115 : vector<16xi32>
      %parallel_loop3A_125 = arith.constant 0 : i32
      %parallel_loop3A_126 = vector.broadcast %parallel_loop3A_125 : i32 to vector<16xi32>
      %parallel_loop3A_127 = arith.select %parallel_loop3A_124, %parallel_loop3A_123, %parallel_loop3A_126 : vector<16xi1>, vector<16xi32>
      %parallel_loop3A_128 = arith.index_cast %parallel_loop3A_22 : i32 to index
      %parallel_loop3A_129 = arith.constant 80 : index
      %parallel_loop3A_130 = tpu.vector_load %arg7[%parallel_loop3A_128, %parallel_loop3A_129] {strides = array<i32>} : memref<128x100xi32, #tpu.memory_space<vmem>>, vector<16xi32>,
      tpu.vector_store %arg7[%parallel_loop3A_128, %parallel_loop3A_129], %parallel_loop3A_127 {strides = array<i32>} : memref<128x100xi32, #tpu.memory_space<vmem>>, vector<16xi32>,
      %parallel_loop3A_131 = arith.index_cast %parallel_loop3A_22 : i32 to index
      %parallel_loop3A_132 = arith.constant 84 : index
      %parallel_loop3A_133 = tpu.vector_load %arg6[%parallel_loop3A_131, %parallel_loop3A_132] {strides = array<i32>} : memref<128x100xi32, #tpu.memory_space<vmem>>, vector<16xi32>,
      %parallel_loop3A_134 = arith.constant 0 : i32
      %parallel_loop3A_135 = arith.constant 999 : i32
      %parallel_loop3A_136 = vector.broadcast %parallel_loop3A_134 : i32 to vector<16xi32>
      %parallel_loop3A_137 = arith.maxsi %parallel_loop3A_136, %parallel_loop3A_133 : vector<16xi32>
      %parallel_loop3A_138 = vector.broadcast %parallel_loop3A_135 : i32 to vector<16xi32>
      %parallel_loop3A_139 = arith.minsi %parallel_loop3A_138, %parallel_loop3A_137 : vector<16xi32>
      %parallel_loop3A_140 = tpu.vector_load_idx %arg8[%parallel_loop3A_139] : memref<1000xi32, #tpu.memory_space<vmem>>[vector<16xi32>], vector<16xi32>,
      %parallel_loop3A_141 = tpu.vector_load_idx %arg9[%parallel_loop3A_139] : memref<1000xi32, #tpu.memory_space<vmem>>[vector<16xi32>], vector<16xi32>,
      %parallel_loop3A_142 = arith.cmpi eq, %parallel_loop3A_140, %parallel_loop3A_133 : vector<16xi32>
      %parallel_loop3A_143 = arith.constant 0 : i32
      %parallel_loop3A_144 = vector.broadcast %parallel_loop3A_143 : i32 to vector<16xi32>
      %parallel_loop3A_145 = arith.select %parallel_loop3A_142, %parallel_loop3A_141, %parallel_loop3A_144 : vector<16xi1>, vector<16xi32>
      %parallel_loop3A_146 = arith.index_cast %parallel_loop3A_22 : i32 to index
      %parallel_loop3A_147 = arith.constant 84 : index
      %parallel_loop3A_148 = tpu.vector_load %arg7[%parallel_loop3A_146, %parallel_loop3A_147] {strides = array<i32>} : memref<128x100xi32, #tpu.memory_space<vmem>>, vector<16xi32>,
      tpu.vector_store %arg7[%parallel_loop3A_146, %parallel_loop3A_147], %parallel_loop3A_145 {strides = array<i32>} : memref<128x100xi32, #tpu.memory_space<vmem>>, vector<16xi32>,
    } {sc.loop_unroll_factor = 2 : i64, sc.parallel_access}
    "tpu.region"() ({
      %run_scoped3A = tpu.sem_alloc : memref<!tpu.dma_semaphore, #tpu.memory_space<semaphore_mem>>
      %dma_start3A = arith.constant 0 : i32
      %dma_start3A_22 = tpu.memref_slice %arg5[%add3A_8, %dma_start3A] : memref<16384x100xi32, #tpu.memory_space<hbm>> -> memref<128x100xi32, #tpu.memory_space<hbm>>
      %dma_start3A_23 = arith.constant 0 : i32
      %dma_start3A_24 = tpu.memref_slice %arg5[%add3A_8, %dma_start3A_23] : memref<16384x100xi32, #tpu.memory_space<hbm>> -> memref<128x100xi32, #tpu.memory_space<hbm>>
      tpu.enqueue_dma source(%arg7 : memref<128x100xi32, #tpu.memory_space<vmem>>) target(%dma_start3A_24 : memref<128x100xi32, #tpu.memory_space<hbm>>) target_semaphore(%run_scoped3A : memref<!tpu.dma_semaphore, #tpu.memory_space<semaphore_mem>>)
      %dma_wait3A = arith.constant 0 : i32
      %dma_wait3A_25 = tpu.memref_slice %arg5[%add3A_8, %dma_wait3A] : memref<16384x100xi32, #tpu.memory_space<hbm>> -> memref<128x100xi32, #tpu.memory_space<hbm>>
      %dma_wait3A_26 = arith.constant 0 : i32
      %dma_wait3A_27 = tpu.memref_slice %arg5[%add3A_8, %dma_wait3A_26] : memref<16384x100xi32, #tpu.memory_space<hbm>> -> memref<128x100xi32, #tpu.memory_space<hbm>>
      tpu.wait_dma2 semaphore(%run_scoped3A : memref<!tpu.dma_semaphore, #tpu.memory_space<semaphore_mem>>) src(%arg7 : memref<128x100xi32, #tpu.memory_space<vmem>>) dst(%dma_wait3A_27 : memref<128x100xi32, #tpu.memory_space<hbm>>)
      tpu.yield
    }) : () -> ()
    %add3A_12 = arith.constant 256 : i32
    %add3A_13 = arith.addi %mul3A_2, %add3A_12 : i32
    "tpu.region"() ({
      %run_scoped3A = tpu.sem_alloc : memref<!tpu.dma_semaphore, #tpu.memory_space<semaphore_mem>>
      %dma_start3A = arith.constant 0 : i32
      %dma_start3A_22 = tpu.memref_slice %arg2[%add3A_13, %dma_start3A] : memref<16384x100xi32, #tpu.memory_space<hbm>> -> memref<128x100xi32, #tpu.memory_space<hbm>>
      %dma_start3A_23 = arith.constant 0 : i32
      %dma_start3A_24 = tpu.memref_slice %arg2[%add3A_13, %dma_start3A_23] : memref<16384x100xi32, #tpu.memory_space<hbm>> -> memref<128x100xi32, #tpu.memory_space<hbm>>
      tpu.enqueue_dma source(%dma_start3A_24 : memref<128x100xi32, #tpu.memory_space<hbm>>) target(%arg6 : memref<128x100xi32, #tpu.memory_space<vmem>>) target_semaphore(%run_scoped3A : memref<!tpu.dma_semaphore, #tpu.memory_space<semaphore_mem>>)
      %dma_wait3A = arith.constant 0 : i32
      %dma_wait3A_25 = tpu.memref_slice %arg2[%add3A_13, %dma_wait3A] : memref<16384x100xi32, #tpu.memory_space<hbm>> -> memref<128x100xi32, #tpu.memory_space<hbm>>
      %dma_wait3A_26 = arith.constant 0 : i32
      %dma_wait3A_27 = tpu.memref_slice %arg2[%add3A_13, %dma_wait3A_26] : memref<16384x100xi32, #tpu.memory_space<hbm>> -> memref<128x100xi32, #tpu.memory_space<hbm>>
      tpu.wait_dma2 semaphore(%run_scoped3A : memref<!tpu.dma_semaphore, #tpu.memory_space<semaphore_mem>>) src(%dma_wait3A_27 : memref<128x100xi32, #tpu.memory_space<hbm>>) dst(%arg6 : memref<128x100xi32, #tpu.memory_space<vmem>>)
      tpu.yield
    }) : () -> ()
    %parallel_loop3A_14 = arith.constant 0 : i32
    %parallel_loop3A_15 = arith.constant 128 : i32
    %parallel_loop3A_16 = arith.constant 1 : i32
    scf.for %parallel_loop3A_22 = %parallel_loop3A_14 to %parallel_loop3A_15 step %parallel_loop3A_16  : i32 {
      %parallel_loop3A_23 = arith.index_cast %parallel_loop3A_22 : i32 to index
      %parallel_loop3A_24 = arith.constant 0 : index
      %parallel_loop3A_25 = tpu.vector_load %arg6[%parallel_loop3A_23, %parallel_loop3A_24] {strides = array<i32>} : memref<128x100xi32, #tpu.memory_space<vmem>>, vector<16xi32>,
      %parallel_loop3A_26 = arith.constant 0 : i32
      %parallel_loop3A_27 = arith.constant 999 : i32
      %parallel_loop3A_28 = vector.broadcast %parallel_loop3A_26 : i32 to vector<16xi32>
      %parallel_loop3A_29 = arith.maxsi %parallel_loop3A_28, %parallel_loop3A_25 : vector<16xi32>
      %parallel_loop3A_30 = vector.broadcast %parallel_loop3A_27 : i32 to vector<16xi32>
      %parallel_loop3A_31 = arith.minsi %parallel_loop3A_30, %parallel_loop3A_29 : vector<16xi32>
      %parallel_loop3A_32 = tpu.vector_load_idx %arg8[%parallel_loop3A_31] : memref<1000xi32, #tpu.memory_space<vmem>>[vector<16xi32>], vector<16xi32>,
      %parallel_loop3A_33 = tpu.vector_load_idx %arg9[%parallel_loop3A_31] : memref<1000xi32, #tpu.memory_space<vmem>>[vector<16xi32>], vector<16xi32>,
      %parallel_loop3A_34 = arith.cmpi eq, %parallel_loop3A_32, %parallel_loop3A_25 : vector<16xi32>
      %parallel_loop3A_35 = arith.constant 0 : i32
      %parallel_loop3A_36 = vector.broadcast %parallel_loop3A_35 : i32 to vector<16xi32>
      %parallel_loop3A_37 = arith.select %parallel_loop3A_34, %parallel_loop3A_33, %parallel_loop3A_36 : vector<16xi1>, vector<16xi32>
      %parallel_loop3A_38 = arith.index_cast %parallel_loop3A_22 : i32 to index
      %parallel_loop3A_39 = arith.constant 0 : index
      %parallel_loop3A_40 = tpu.vector_load %arg7[%parallel_loop3A_38, %parallel_loop3A_39] {strides = array<i32>} : memref<128x100xi32, #tpu.memory_space<vmem>>, vector<16xi32>,
      tpu.vector_store %arg7[%parallel_loop3A_38, %parallel_loop3A_39], %parallel_loop3A_37 {strides = array<i32>} : memref<128x100xi32, #tpu.memory_space<vmem>>, vector<16xi32>,
      %parallel_loop3A_41 = arith.index_cast %parallel_loop3A_22 : i32 to index
      %parallel_loop3A_42 = arith.constant 16 : index
      %parallel_loop3A_43 = tpu.vector_load %arg6[%parallel_loop3A_41, %parallel_loop3A_42] {strides = array<i32>} : memref<128x100xi32, #tpu.memory_space<vmem>>, vector<16xi32>,
      %parallel_loop3A_44 = arith.constant 0 : i32
      %parallel_loop3A_45 = arith.constant 999 : i32
      %parallel_loop3A_46 = vector.broadcast %parallel_loop3A_44 : i32 to vector<16xi32>
      %parallel_loop3A_47 = arith.maxsi %parallel_loop3A_46, %parallel_loop3A_43 : vector<16xi32>
      %parallel_loop3A_48 = vector.broadcast %parallel_loop3A_45 : i32 to vector<16xi32>
      %parallel_loop3A_49 = arith.minsi %parallel_loop3A_48, %parallel_loop3A_47 : vector<16xi32>
      %parallel_loop3A_50 = tpu.vector_load_idx %arg8[%parallel_loop3A_49] : memref<1000xi32, #tpu.memory_space<vmem>>[vector<16xi32>], vector<16xi32>,
      %parallel_loop3A_51 = tpu.vector_load_idx %arg9[%parallel_loop3A_49] : memref<1000xi32, #tpu.memory_space<vmem>>[vector<16xi32>], vector<16xi32>,
      %parallel_loop3A_52 = arith.cmpi eq, %parallel_loop3A_50, %parallel_loop3A_43 : vector<16xi32>
      %parallel_loop3A_53 = arith.constant 0 : i32
      %parallel_loop3A_54 = vector.broadcast %parallel_loop3A_53 : i32 to vector<16xi32>
      %parallel_loop3A_55 = arith.select %parallel_loop3A_52, %parallel_loop3A_51, %parallel_loop3A_54 : vector<16xi1>, vector<16xi32>
      %parallel_loop3A_56 = arith.index_cast %parallel_loop3A_22 : i32 to index
      %parallel_loop3A_57 = arith.constant 16 : index
      %parallel_loop3A_58 = tpu.vector_load %arg7[%parallel_loop3A_56, %parallel_loop3A_57] {strides = array<i32>} : memref<128x100xi32, #tpu.memory_space<vmem>>, vector<16xi32>,
      tpu.vector_store %arg7[%parallel_loop3A_56, %parallel_loop3A_57], %parallel_loop3A_55 {strides = array<i32>} : memref<128x100xi32, #tpu.memory_space<vmem>>, vector<16xi32>,
      %parallel_loop3A_59 = arith.index_cast %parallel_loop3A_22 : i32 to index
      %parallel_loop3A_60 = arith.constant 32 : index
      %parallel_loop3A_61 = tpu.vector_load %arg6[%parallel_loop3A_59, %parallel_loop3A_60] {strides = array<i32>} : memref<128x100xi32, #tpu.memory_space<vmem>>, vector<16xi32>,
      %parallel_loop3A_62 = arith.constant 0 : i32
      %parallel_loop3A_63 = arith.constant 999 : i32
      %parallel_loop3A_64 = vector.broadcast %parallel_loop3A_62 : i32 to vector<16xi32>
      %parallel_loop3A_65 = arith.maxsi %parallel_loop3A_64, %parallel_loop3A_61 : vector<16xi32>
      %parallel_loop3A_66 = vector.broadcast %parallel_loop3A_63 : i32 to vector<16xi32>
      %parallel_loop3A_67 = arith.minsi %parallel_loop3A_66, %parallel_loop3A_65 : vector<16xi32>
      %parallel_loop3A_68 = tpu.vector_load_idx %arg8[%parallel_loop3A_67] : memref<1000xi32, #tpu.memory_space<vmem>>[vector<16xi32>], vector<16xi32>,
      %parallel_loop3A_69 = tpu.vector_load_idx %arg9[%parallel_loop3A_67] : memref<1000xi32, #tpu.memory_space<vmem>>[vector<16xi32>], vector<16xi32>,
      %parallel_loop3A_70 = arith.cmpi eq, %parallel_loop3A_68, %parallel_loop3A_61 : vector<16xi32>
      %parallel_loop3A_71 = arith.constant 0 : i32
      %parallel_loop3A_72 = vector.broadcast %parallel_loop3A_71 : i32 to vector<16xi32>
      %parallel_loop3A_73 = arith.select %parallel_loop3A_70, %parallel_loop3A_69, %parallel_loop3A_72 : vector<16xi1>, vector<16xi32>
      %parallel_loop3A_74 = arith.index_cast %parallel_loop3A_22 : i32 to index
      %parallel_loop3A_75 = arith.constant 32 : index
      %parallel_loop3A_76 = tpu.vector_load %arg7[%parallel_loop3A_74, %parallel_loop3A_75] {strides = array<i32>} : memref<128x100xi32, #tpu.memory_space<vmem>>, vector<16xi32>,
      tpu.vector_store %arg7[%parallel_loop3A_74, %parallel_loop3A_75], %parallel_loop3A_73 {strides = array<i32>} : memref<128x100xi32, #tpu.memory_space<vmem>>, vector<16xi32>,
      %parallel_loop3A_77 = arith.index_cast %parallel_loop3A_22 : i32 to index
      %parallel_loop3A_78 = arith.constant 48 : index
      %parallel_loop3A_79 = tpu.vector_load %arg6[%parallel_loop3A_77, %parallel_loop3A_78] {strides = array<i32>} : memref<128x100xi32, #tpu.memory_space<vmem>>, vector<16xi32>,
      %parallel_loop3A_80 = arith.constant 0 : i32
      %parallel_loop3A_81 = arith.constant 999 : i32
      %parallel_loop3A_82 = vector.broadcast %parallel_loop3A_80 : i32 to vector<16xi32>
      %parallel_loop3A_83 = arith.maxsi %parallel_loop3A_82, %parallel_loop3A_79 : vector<16xi32>
      %parallel_loop3A_84 = vector.broadcast %parallel_loop3A_81 : i32 to vector<16xi32>
      %parallel_loop3A_85 = arith.minsi %parallel_loop3A_84, %parallel_loop3A_83 : vector<16xi32>
      %parallel_loop3A_86 = tpu.vector_load_idx %arg8[%parallel_loop3A_85] : memref<1000xi32, #tpu.memory_space<vmem>>[vector<16xi32>], vector<16xi32>,
      %parallel_loop3A_87 = tpu.vector_load_idx %arg9[%parallel_loop3A_85] : memref<1000xi32, #tpu.memory_space<vmem>>[vector<16xi32>], vector<16xi32>,
      %parallel_loop3A_88 = arith.cmpi eq, %parallel_loop3A_86, %parallel_loop3A_79 : vector<16xi32>
      %parallel_loop3A_89 = arith.constant 0 : i32
      %parallel_loop3A_90 = vector.broadcast %parallel_loop3A_89 : i32 to vector<16xi32>
      %parallel_loop3A_91 = arith.select %parallel_loop3A_88, %parallel_loop3A_87, %parallel_loop3A_90 : vector<16xi1>, vector<16xi32>
      %parallel_loop3A_92 = arith.index_cast %parallel_loop3A_22 : i32 to index
      %parallel_loop3A_93 = arith.constant 48 : index
      %parallel_loop3A_94 = tpu.vector_load %arg7[%parallel_loop3A_92, %parallel_loop3A_93] {strides = array<i32>} : memref<128x100xi32, #tpu.memory_space<vmem>>, vector<16xi32>,
      tpu.vector_store %arg7[%parallel_loop3A_92, %parallel_loop3A_93], %parallel_loop3A_91 {strides = array<i32>} : memref<128x100xi32, #tpu.memory_space<vmem>>, vector<16xi32>,
      %parallel_loop3A_95 = arith.index_cast %parallel_loop3A_22 : i32 to index
      %parallel_loop3A_96 = arith.constant 64 : index
      %parallel_loop3A_97 = tpu.vector_load %arg6[%parallel_loop3A_95, %parallel_loop3A_96] {strides = array<i32>} : memref<128x100xi32, #tpu.memory_space<vmem>>, vector<16xi32>,
      %parallel_loop3A_98 = arith.constant 0 : i32
      %parallel_loop3A_99 = arith.constant 999 : i32
      %parallel_loop3A_100 = vector.broadcast %parallel_loop3A_98 : i32 to vector<16xi32>
      %parallel_loop3A_101 = arith.maxsi %parallel_loop3A_100, %parallel_loop3A_97 : vector<16xi32>
      %parallel_loop3A_102 = vector.broadcast %parallel_loop3A_99 : i32 to vector<16xi32>
      %parallel_loop3A_103 = arith.minsi %parallel_loop3A_102, %parallel_loop3A_101 : vector<16xi32>
      %parallel_loop3A_104 = tpu.vector_load_idx %arg8[%parallel_loop3A_103] : memref<1000xi32, #tpu.memory_space<vmem>>[vector<16xi32>], vector<16xi32>,
      %parallel_loop3A_105 = tpu.vector_load_idx %arg9[%parallel_loop3A_103] : memref<1000xi32, #tpu.memory_space<vmem>>[vector<16xi32>], vector<16xi32>,
      %parallel_loop3A_106 = arith.cmpi eq, %parallel_loop3A_104, %parallel_loop3A_97 : vector<16xi32>
      %parallel_loop3A_107 = arith.constant 0 : i32
      %parallel_loop3A_108 = vector.broadcast %parallel_loop3A_107 : i32 to vector<16xi32>
      %parallel_loop3A_109 = arith.select %parallel_loop3A_106, %parallel_loop3A_105, %parallel_loop3A_108 : vector<16xi1>, vector<16xi32>
      %parallel_loop3A_110 = arith.index_cast %parallel_loop3A_22 : i32 to index
      %parallel_loop3A_111 = arith.constant 64 : index
      %parallel_loop3A_112 = tpu.vector_load %arg7[%parallel_loop3A_110, %parallel_loop3A_111] {strides = array<i32>} : memref<128x100xi32, #tpu.memory_space<vmem>>, vector<16xi32>,
      tpu.vector_store %arg7[%parallel_loop3A_110, %parallel_loop3A_111], %parallel_loop3A_109 {strides = array<i32>} : memref<128x100xi32, #tpu.memory_space<vmem>>, vector<16xi32>,
      %parallel_loop3A_113 = arith.index_cast %parallel_loop3A_22 : i32 to index
      %parallel_loop3A_114 = arith.constant 80 : index
      %parallel_loop3A_115 = tpu.vector_load %arg6[%parallel_loop3A_113, %parallel_loop3A_114] {strides = array<i32>} : memref<128x100xi32, #tpu.memory_space<vmem>>, vector<16xi32>,
      %parallel_loop3A_116 = arith.constant 0 : i32
      %parallel_loop3A_117 = arith.constant 999 : i32
      %parallel_loop3A_118 = vector.broadcast %parallel_loop3A_116 : i32 to vector<16xi32>
      %parallel_loop3A_119 = arith.maxsi %parallel_loop3A_118, %parallel_loop3A_115 : vector<16xi32>
      %parallel_loop3A_120 = vector.broadcast %parallel_loop3A_117 : i32 to vector<16xi32>
      %parallel_loop3A_121 = arith.minsi %parallel_loop3A_120, %parallel_loop3A_119 : vector<16xi32>
      %parallel_loop3A_122 = tpu.vector_load_idx %arg8[%parallel_loop3A_121] : memref<1000xi32, #tpu.memory_space<vmem>>[vector<16xi32>], vector<16xi32>,
      %parallel_loop3A_123 = tpu.vector_load_idx %arg9[%parallel_loop3A_121] : memref<1000xi32, #tpu.memory_space<vmem>>[vector<16xi32>], vector<16xi32>,
      %parallel_loop3A_124 = arith.cmpi eq, %parallel_loop3A_122, %parallel_loop3A_115 : vector<16xi32>
      %parallel_loop3A_125 = arith.constant 0 : i32
      %parallel_loop3A_126 = vector.broadcast %parallel_loop3A_125 : i32 to vector<16xi32>
      %parallel_loop3A_127 = arith.select %parallel_loop3A_124, %parallel_loop3A_123, %parallel_loop3A_126 : vector<16xi1>, vector<16xi32>
      %parallel_loop3A_128 = arith.index_cast %parallel_loop3A_22 : i32 to index
      %parallel_loop3A_129 = arith.constant 80 : index
      %parallel_loop3A_130 = tpu.vector_load %arg7[%parallel_loop3A_128, %parallel_loop3A_129] {strides = array<i32>} : memref<128x100xi32, #tpu.memory_space<vmem>>, vector<16xi32>,
      tpu.vector_store %arg7[%parallel_loop3A_128, %parallel_loop3A_129], %parallel_loop3A_127 {strides = array<i32>} : memref<128x100xi32, #tpu.memory_space<vmem>>, vector<16xi32>,
      %parallel_loop3A_131 = arith.index_cast %parallel_loop3A_22 : i32 to index
      %parallel_loop3A_132 = arith.constant 84 : index
      %parallel_loop3A_133 = tpu.vector_load %arg6[%parallel_loop3A_131, %parallel_loop3A_132] {strides = array<i32>} : memref<128x100xi32, #tpu.memory_space<vmem>>, vector<16xi32>,
      %parallel_loop3A_134 = arith.constant 0 : i32
      %parallel_loop3A_135 = arith.constant 999 : i32
      %parallel_loop3A_136 = vector.broadcast %parallel_loop3A_134 : i32 to vector<16xi32>
      %parallel_loop3A_137 = arith.maxsi %parallel_loop3A_136, %parallel_loop3A_133 : vector<16xi32>
      %parallel_loop3A_138 = vector.broadcast %parallel_loop3A_135 : i32 to vector<16xi32>
      %parallel_loop3A_139 = arith.minsi %parallel_loop3A_138, %parallel_loop3A_137 : vector<16xi32>
      %parallel_loop3A_140 = tpu.vector_load_idx %arg8[%parallel_loop3A_139] : memref<1000xi32, #tpu.memory_space<vmem>>[vector<16xi32>], vector<16xi32>,
      %parallel_loop3A_141 = tpu.vector_load_idx %arg9[%parallel_loop3A_139] : memref<1000xi32, #tpu.memory_space<vmem>>[vector<16xi32>], vector<16xi32>,
      %parallel_loop3A_142 = arith.cmpi eq, %parallel_loop3A_140, %parallel_loop3A_133 : vector<16xi32>
      %parallel_loop3A_143 = arith.constant 0 : i32
      %parallel_loop3A_144 = vector.broadcast %parallel_loop3A_143 : i32 to vector<16xi32>
      %parallel_loop3A_145 = arith.select %parallel_loop3A_142, %parallel_loop3A_141, %parallel_loop3A_144 : vector<16xi1>, vector<16xi32>
      %parallel_loop3A_146 = arith.index_cast %parallel_loop3A_22 : i32 to index
      %parallel_loop3A_147 = arith.constant 84 : index
      %parallel_loop3A_148 = tpu.vector_load %arg7[%parallel_loop3A_146, %parallel_loop3A_147] {strides = array<i32>} : memref<128x100xi32, #tpu.memory_space<vmem>>, vector<16xi32>,
      tpu.vector_store %arg7[%parallel_loop3A_146, %parallel_loop3A_147], %parallel_loop3A_145 {strides = array<i32>} : memref<128x100xi32, #tpu.memory_space<vmem>>, vector<16xi32>,
    } {sc.loop_unroll_factor = 2 : i64, sc.parallel_access}
    "tpu.region"() ({
      %run_scoped3A = tpu.sem_alloc : memref<!tpu.dma_semaphore, #tpu.memory_space<semaphore_mem>>
      %dma_start3A = arith.constant 0 : i32
      %dma_start3A_22 = tpu.memref_slice %arg5[%add3A_13, %dma_start3A] : memref<16384x100xi32, #tpu.memory_space<hbm>> -> memref<128x100xi32, #tpu.memory_space<hbm>>
      %dma_start3A_23 = arith.constant 0 : i32
      %dma_start3A_24 = tpu.memref_slice %arg5[%add3A_13, %dma_start3A_23] : memref<16384x100xi32, #tpu.memory_space<hbm>> -> memref<128x100xi32, #tpu.memory_space<hbm>>
      tpu.enqueue_dma source(%arg7 : memref<128x100xi32, #tpu.memory_space<vmem>>) target(%dma_start3A_24 : memref<128x100xi32, #tpu.memory_space<hbm>>) target_semaphore(%run_scoped3A : memref<!tpu.dma_semaphore, #tpu.memory_space<semaphore_mem>>)
      %dma_wait3A = arith.constant 0 : i32
      %dma_wait3A_25 = tpu.memref_slice %arg5[%add3A_13, %dma_wait3A] : memref<16384x100xi32, #tpu.memory_space<hbm>> -> memref<128x100xi32, #tpu.memory_space<hbm>>
      %dma_wait3A_26 = arith.constant 0 : i32
      %dma_wait3A_27 = tpu.memref_slice %arg5[%add3A_13, %dma_wait3A_26] : memref<16384x100xi32, #tpu.memory_space<hbm>> -> memref<128x100xi32, #tpu.memory_space<hbm>>
      tpu.wait_dma2 semaphore(%run_scoped3A : memref<!tpu.dma_semaphore, #tpu.memory_space<semaphore_mem>>) src(%arg7 : memref<128x100xi32, #tpu.memory_space<vmem>>) dst(%dma_wait3A_27 : memref<128x100xi32, #tpu.memory_space<hbm>>)
      tpu.yield
    }) : () -> ()
    %add3A_17 = arith.constant 384 : i32
    %add3A_18 = arith.addi %mul3A_2, %add3A_17 : i32
    "tpu.region"() ({
      %run_scoped3A = tpu.sem_alloc : memref<!tpu.dma_semaphore, #tpu.memory_space<semaphore_mem>>
      %dma_start3A = arith.constant 0 : i32
      %dma_start3A_22 = tpu.memref_slice %arg2[%add3A_18, %dma_start3A] : memref<16384x100xi32, #tpu.memory_space<hbm>> -> memref<128x100xi32, #tpu.memory_space<hbm>>
      %dma_start3A_23 = arith.constant 0 : i32
      %dma_start3A_24 = tpu.memref_slice %arg2[%add3A_18, %dma_start3A_23] : memref<16384x100xi32, #tpu.memory_space<hbm>> -> memref<128x100xi32, #tpu.memory_space<hbm>>
      tpu.enqueue_dma source(%dma_start3A_24 : memref<128x100xi32, #tpu.memory_space<hbm>>) target(%arg6 : memref<128x100xi32, #tpu.memory_space<vmem>>) target_semaphore(%run_scoped3A : memref<!tpu.dma_semaphore, #tpu.memory_space<semaphore_mem>>)
      %dma_wait3A = arith.constant 0 : i32
      %dma_wait3A_25 = tpu.memref_slice %arg2[%add3A_18, %dma_wait3A] : memref<16384x100xi32, #tpu.memory_space<hbm>> -> memref<128x100xi32, #tpu.memory_space<hbm>>
      %dma_wait3A_26 = arith.constant 0 : i32
      %dma_wait3A_27 = tpu.memref_slice %arg2[%add3A_18, %dma_wait3A_26] : memref<16384x100xi32, #tpu.memory_space<hbm>> -> memref<128x100xi32, #tpu.memory_space<hbm>>
      tpu.wait_dma2 semaphore(%run_scoped3A : memref<!tpu.dma_semaphore, #tpu.memory_space<semaphore_mem>>) src(%dma_wait3A_27 : memref<128x100xi32, #tpu.memory_space<hbm>>) dst(%arg6 : memref<128x100xi32, #tpu.memory_space<vmem>>)
      tpu.yield
    }) : () -> ()
    %parallel_loop3A_19 = arith.constant 0 : i32
    %parallel_loop3A_20 = arith.constant 128 : i32
    %parallel_loop3A_21 = arith.constant 1 : i32
    scf.for %parallel_loop3A_22 = %parallel_loop3A_19 to %parallel_loop3A_20 step %parallel_loop3A_21  : i32 {
      %parallel_loop3A_23 = arith.index_cast %parallel_loop3A_22 : i32 to index
      %parallel_loop3A_24 = arith.constant 0 : index
      %parallel_loop3A_25 = tpu.vector_load %arg6[%parallel_loop3A_23, %parallel_loop3A_24] {strides = array<i32>} : memref<128x100xi32, #tpu.memory_space<vmem>>, vector<16xi32>,
      %parallel_loop3A_26 = arith.constant 0 : i32
      %parallel_loop3A_27 = arith.constant 999 : i32
      %parallel_loop3A_28 = vector.broadcast %parallel_loop3A_26 : i32 to vector<16xi32>
      %parallel_loop3A_29 = arith.maxsi %parallel_loop3A_28, %parallel_loop3A_25 : vector<16xi32>
      %parallel_loop3A_30 = vector.broadcast %parallel_loop3A_27 : i32 to vector<16xi32>
      %parallel_loop3A_31 = arith.minsi %parallel_loop3A_30, %parallel_loop3A_29 : vector<16xi32>
      %parallel_loop3A_32 = tpu.vector_load_idx %arg8[%parallel_loop3A_31] : memref<1000xi32, #tpu.memory_space<vmem>>[vector<16xi32>], vector<16xi32>,
      %parallel_loop3A_33 = tpu.vector_load_idx %arg9[%parallel_loop3A_31] : memref<1000xi32, #tpu.memory_space<vmem>>[vector<16xi32>], vector<16xi32>,
      %parallel_loop3A_34 = arith.cmpi eq, %parallel_loop3A_32, %parallel_loop3A_25 : vector<16xi32>
      %parallel_loop3A_35 = arith.constant 0 : i32
      %parallel_loop3A_36 = vector.broadcast %parallel_loop3A_35 : i32 to vector<16xi32>
      %parallel_loop3A_37 = arith.select %parallel_loop3A_34, %parallel_loop3A_33, %parallel_loop3A_36 : vector<16xi1>, vector<16xi32>
      %parallel_loop3A_38 = arith.index_cast %parallel_loop3A_22 : i32 to index
      %parallel_loop3A_39 = arith.constant 0 : index
      %parallel_loop3A_40 = tpu.vector_load %arg7[%parallel_loop3A_38, %parallel_loop3A_39] {strides = array<i32>} : memref<128x100xi32, #tpu.memory_space<vmem>>, vector<16xi32>,
      tpu.vector_store %arg7[%parallel_loop3A_38, %parallel_loop3A_39], %parallel_loop3A_37 {strides = array<i32>} : memref<128x100xi32, #tpu.memory_space<vmem>>, vector<16xi32>,
      %parallel_loop3A_41 = arith.index_cast %parallel_loop3A_22 : i32 to index
      %parallel_loop3A_42 = arith.constant 16 : index
      %parallel_loop3A_43 = tpu.vector_load %arg6[%parallel_loop3A_41, %parallel_loop3A_42] {strides = array<i32>} : memref<128x100xi32, #tpu.memory_space<vmem>>, vector<16xi32>,
      %parallel_loop3A_44 = arith.constant 0 : i32
      %parallel_loop3A_45 = arith.constant 999 : i32
      %parallel_loop3A_46 = vector.broadcast %parallel_loop3A_44 : i32 to vector<16xi32>
      %parallel_loop3A_47 = arith.maxsi %parallel_loop3A_46, %parallel_loop3A_43 : vector<16xi32>
      %parallel_loop3A_48 = vector.broadcast %parallel_loop3A_45 : i32 to vector<16xi32>
      %parallel_loop3A_49 = arith.minsi %parallel_loop3A_48, %parallel_loop3A_47 : vector<16xi32>
      %parallel_loop3A_50 = tpu.vector_load_idx %arg8[%parallel_loop3A_49] : memref<1000xi32, #tpu.memory_space<vmem>>[vector<16xi32>], vector<16xi32>,
      %parallel_loop3A_51 = tpu.vector_load_idx %arg9[%parallel_loop3A_49] : memref<1000xi32, #tpu.memory_space<vmem>>[vector<16xi32>], vector<16xi32>,
      %parallel_loop3A_52 = arith.cmpi eq, %parallel_loop3A_50, %parallel_loop3A_43 : vector<16xi32>
      %parallel_loop3A_53 = arith.constant 0 : i32
      %parallel_loop3A_54 = vector.broadcast %parallel_loop3A_53 : i32 to vector<16xi32>
      %parallel_loop3A_55 = arith.select %parallel_loop3A_52, %parallel_loop3A_51, %parallel_loop3A_54 : vector<16xi1>, vector<16xi32>
      %parallel_loop3A_56 = arith.index_cast %parallel_loop3A_22 : i32 to index
      %parallel_loop3A_57 = arith.constant 16 : index
      %parallel_loop3A_58 = tpu.vector_load %arg7[%parallel_loop3A_56, %parallel_loop3A_57] {strides = array<i32>} : memref<128x100xi32, #tpu.memory_space<vmem>>, vector<16xi32>,
      tpu.vector_store %arg7[%parallel_loop3A_56, %parallel_loop3A_57], %parallel_loop3A_55 {strides = array<i32>} : memref<128x100xi32, #tpu.memory_space<vmem>>, vector<16xi32>,
      %parallel_loop3A_59 = arith.index_cast %parallel_loop3A_22 : i32 to index
      %parallel_loop3A_60 = arith.constant 32 : index
      %parallel_loop3A_61 = tpu.vector_load %arg6[%parallel_loop3A_59, %parallel_loop3A_60] {strides = array<i32>} : memref<128x100xi32, #tpu.memory_space<vmem>>, vector<16xi32>,
      %parallel_loop3A_62 = arith.constant 0 : i32
      %parallel_loop3A_63 = arith.constant 999 : i32
      %parallel_loop3A_64 = vector.broadcast %parallel_loop3A_62 : i32 to vector<16xi32>
      %parallel_loop3A_65 = arith.maxsi %parallel_loop3A_64, %parallel_loop3A_61 : vector<16xi32>
      %parallel_loop3A_66 = vector.broadcast %parallel_loop3A_63 : i32 to vector<16xi32>
      %parallel_loop3A_67 = arith.minsi %parallel_loop3A_66, %parallel_loop3A_65 : vector<16xi32>
      %parallel_loop3A_68 = tpu.vector_load_idx %arg8[%parallel_loop3A_67] : memref<1000xi32, #tpu.memory_space<vmem>>[vector<16xi32>], vector<16xi32>,
      %parallel_loop3A_69 = tpu.vector_load_idx %arg9[%parallel_loop3A_67] : memref<1000xi32, #tpu.memory_space<vmem>>[vector<16xi32>], vector<16xi32>,
      %parallel_loop3A_70 = arith.cmpi eq, %parallel_loop3A_68, %parallel_loop3A_61 : vector<16xi32>
      %parallel_loop3A_71 = arith.constant 0 : i32
      %parallel_loop3A_72 = vector.broadcast %parallel_loop3A_71 : i32 to vector<16xi32>
      %parallel_loop3A_73 = arith.select %parallel_loop3A_70, %parallel_loop3A_69, %parallel_loop3A_72 : vector<16xi1>, vector<16xi32>
      %parallel_loop3A_74 = arith.index_cast %parallel_loop3A_22 : i32 to index
      %parallel_loop3A_75 = arith.constant 32 : index
      %parallel_loop3A_76 = tpu.vector_load %arg7[%parallel_loop3A_74, %parallel_loop3A_75] {strides = array<i32>} : memref<128x100xi32, #tpu.memory_space<vmem>>, vector<16xi32>,
      tpu.vector_store %arg7[%parallel_loop3A_74, %parallel_loop3A_75], %parallel_loop3A_73 {strides = array<i32>} : memref<128x100xi32, #tpu.memory_space<vmem>>, vector<16xi32>,
      %parallel_loop3A_77 = arith.index_cast %parallel_loop3A_22 : i32 to index
      %parallel_loop3A_78 = arith.constant 48 : index
      %parallel_loop3A_79 = tpu.vector_load %arg6[%parallel_loop3A_77, %parallel_loop3A_78] {strides = array<i32>} : memref<128x100xi32, #tpu.memory_space<vmem>>, vector<16xi32>,
      %parallel_loop3A_80 = arith.constant 0 : i32
      %parallel_loop3A_81 = arith.constant 999 : i32
      %parallel_loop3A_82 = vector.broadcast %parallel_loop3A_80 : i32 to vector<16xi32>
      %parallel_loop3A_83 = arith.maxsi %parallel_loop3A_82, %parallel_loop3A_79 : vector<16xi32>
      %parallel_loop3A_84 = vector.broadcast %parallel_loop3A_81 : i32 to vector<16xi32>
      %parallel_loop3A_85 = arith.minsi %parallel_loop3A_84, %parallel_loop3A_83 : vector<16xi32>
      %parallel_loop3A_86 = tpu.vector_load_idx %arg8[%parallel_loop3A_85] : memref<1000xi32, #tpu.memory_space<vmem>>[vector<16xi32>], vector<16xi32>,
      %parallel_loop3A_87 = tpu.vector_load_idx %arg9[%parallel_loop3A_85] : memref<1000xi32, #tpu.memory_space<vmem>>[vector<16xi32>], vector<16xi32>,
      %parallel_loop3A_88 = arith.cmpi eq, %parallel_loop3A_86, %parallel_loop3A_79 : vector<16xi32>
      %parallel_loop3A_89 = arith.constant 0 : i32
      %parallel_loop3A_90 = vector.broadcast %parallel_loop3A_89 : i32 to vector<16xi32>
      %parallel_loop3A_91 = arith.select %parallel_loop3A_88, %parallel_loop3A_87, %parallel_loop3A_90 : vector<16xi1>, vector<16xi32>
      %parallel_loop3A_92 = arith.index_cast %parallel_loop3A_22 : i32 to index
      %parallel_loop3A_93 = arith.constant 48 : index
      %parallel_loop3A_94 = tpu.vector_load %arg7[%parallel_loop3A_92, %parallel_loop3A_93] {strides = array<i32>} : memref<128x100xi32, #tpu.memory_space<vmem>>, vector<16xi32>,
      tpu.vector_store %arg7[%parallel_loop3A_92, %parallel_loop3A_93], %parallel_loop3A_91 {strides = array<i32>} : memref<128x100xi32, #tpu.memory_space<vmem>>, vector<16xi32>,
      %parallel_loop3A_95 = arith.index_cast %parallel_loop3A_22 : i32 to index
      %parallel_loop3A_96 = arith.constant 64 : index
      %parallel_loop3A_97 = tpu.vector_load %arg6[%parallel_loop3A_95, %parallel_loop3A_96] {strides = array<i32>} : memref<128x100xi32, #tpu.memory_space<vmem>>, vector<16xi32>,
      %parallel_loop3A_98 = arith.constant 0 : i32
      %parallel_loop3A_99 = arith.constant 999 : i32
      %parallel_loop3A_100 = vector.broadcast %parallel_loop3A_98 : i32 to vector<16xi32>
      %parallel_loop3A_101 = arith.maxsi %parallel_loop3A_100, %parallel_loop3A_97 : vector<16xi32>
      %parallel_loop3A_102 = vector.broadcast %parallel_loop3A_99 : i32 to vector<16xi32>
      %parallel_loop3A_103 = arith.minsi %parallel_loop3A_102, %parallel_loop3A_101 : vector<16xi32>
      %parallel_loop3A_104 = tpu.vector_load_idx %arg8[%parallel_loop3A_103] : memref<1000xi32, #tpu.memory_space<vmem>>[vector<16xi32>], vector<16xi32>,
      %parallel_loop3A_105 = tpu.vector_load_idx %arg9[%parallel_loop3A_103] : memref<1000xi32, #tpu.memory_space<vmem>>[vector<16xi32>], vector<16xi32>,
      %parallel_loop3A_106 = arith.cmpi eq, %parallel_loop3A_104, %parallel_loop3A_97 : vector<16xi32>
      %parallel_loop3A_107 = arith.constant 0 : i32
      %parallel_loop3A_108 = vector.broadcast %parallel_loop3A_107 : i32 to vector<16xi32>
      %parallel_loop3A_109 = arith.select %parallel_loop3A_106, %parallel_loop3A_105, %parallel_loop3A_108 : vector<16xi1>, vector<16xi32>
      %parallel_loop3A_110 = arith.index_cast %parallel_loop3A_22 : i32 to index
      %parallel_loop3A_111 = arith.constant 64 : index
      %parallel_loop3A_112 = tpu.vector_load %arg7[%parallel_loop3A_110, %parallel_loop3A_111] {strides = array<i32>} : memref<128x100xi32, #tpu.memory_space<vmem>>, vector<16xi32>,
      tpu.vector_store %arg7[%parallel_loop3A_110, %parallel_loop3A_111], %parallel_loop3A_109 {strides = array<i32>} : memref<128x100xi32, #tpu.memory_space<vmem>>, vector<16xi32>,
      %parallel_loop3A_113 = arith.index_cast %parallel_loop3A_22 : i32 to index
      %parallel_loop3A_114 = arith.constant 80 : index
      %parallel_loop3A_115 = tpu.vector_load %arg6[%parallel_loop3A_113, %parallel_loop3A_114] {strides = array<i32>} : memref<128x100xi32, #tpu.memory_space<vmem>>, vector<16xi32>,
      %parallel_loop3A_116 = arith.constant 0 : i32
      %parallel_loop3A_117 = arith.constant 999 : i32
      %parallel_loop3A_118 = vector.broadcast %parallel_loop3A_116 : i32 to vector<16xi32>
      %parallel_loop3A_119 = arith.maxsi %parallel_loop3A_118, %parallel_loop3A_115 : vector<16xi32>
      %parallel_loop3A_120 = vector.broadcast %parallel_loop3A_117 : i32 to vector<16xi32>
      %parallel_loop3A_121 = arith.minsi %parallel_loop3A_120, %parallel_loop3A_119 : vector<16xi32>
      %parallel_loop3A_122 = tpu.vector_load_idx %arg8[%parallel_loop3A_121] : memref<1000xi32, #tpu.memory_space<vmem>>[vector<16xi32>], vector<16xi32>,
      %parallel_loop3A_123 = tpu.vector_load_idx %arg9[%parallel_loop3A_121] : memref<1000xi32, #tpu.memory_space<vmem>>[vector<16xi32>], vector<16xi32>,
      %parallel_loop3A_124 = arith.cmpi eq, %parallel_loop3A_122, %parallel_loop3A_115 : vector<16xi32>
      %parallel_loop3A_125 = arith.constant 0 : i32
      %parallel_loop3A_126 = vector.broadcast %parallel_loop3A_125 : i32 to vector<16xi32>
      %parallel_loop3A_127 = arith.select %parallel_loop3A_124, %parallel_loop3A_123, %parallel_loop3A_126 : vector<16xi1>, vector<16xi32>
      %parallel_loop3A_128 = arith.index_cast %parallel_loop3A_22 : i32 to index
      %parallel_loop3A_129 = arith.constant 80 : index
      %parallel_loop3A_130 = tpu.vector_load %arg7[%parallel_loop3A_128, %parallel_loop3A_129] {strides = array<i32>} : memref<128x100xi32, #tpu.memory_space<vmem>>, vector<16xi32>,
      tpu.vector_store %arg7[%parallel_loop3A_128, %parallel_loop3A_129], %parallel_loop3A_127 {strides = array<i32>} : memref<128x100xi32, #tpu.memory_space<vmem>>, vector<16xi32>,
      %parallel_loop3A_131 = arith.index_cast %parallel_loop3A_22 : i32 to index
      %parallel_loop3A_132 = arith.constant 84 : index
      %parallel_loop3A_133 = tpu.vector_load %arg6[%parallel_loop3A_131, %parallel_loop3A_132] {strides = array<i32>} : memref<128x100xi32, #tpu.memory_space<vmem>>, vector<16xi32>,
      %parallel_loop3A_134 = arith.constant 0 : i32
      %parallel_loop3A_135 = arith.constant 999 : i32
      %parallel_loop3A_136 = vector.broadcast %parallel_loop3A_134 : i32 to vector<16xi32>
      %parallel_loop3A_137 = arith.maxsi %parallel_loop3A_136, %parallel_loop3A_133 : vector<16xi32>
      %parallel_loop3A_138 = vector.broadcast %parallel_loop3A_135 : i32 to vector<16xi32>
      %parallel_loop3A_139 = arith.minsi %parallel_loop3A_138, %parallel_loop3A_137 : vector<16xi32>
      %parallel_loop3A_140 = tpu.vector_load_idx %arg8[%parallel_loop3A_139] : memref<1000xi32, #tpu.memory_space<vmem>>[vector<16xi32>], vector<16xi32>,
      %parallel_loop3A_141 = tpu.vector_load_idx %arg9[%parallel_loop3A_139] : memref<1000xi32, #tpu.memory_space<vmem>>[vector<16xi32>], vector<16xi32>,
      %parallel_loop3A_142 = arith.cmpi eq, %parallel_loop3A_140, %parallel_loop3A_133 : vector<16xi32>
      %parallel_loop3A_143 = arith.constant 0 : i32
      %parallel_loop3A_144 = vector.broadcast %parallel_loop3A_143 : i32 to vector<16xi32>
      %parallel_loop3A_145 = arith.select %parallel_loop3A_142, %parallel_loop3A_141, %parallel_loop3A_144 : vector<16xi1>, vector<16xi32>
      %parallel_loop3A_146 = arith.index_cast %parallel_loop3A_22 : i32 to index
      %parallel_loop3A_147 = arith.constant 84 : index
      %parallel_loop3A_148 = tpu.vector_load %arg7[%parallel_loop3A_146, %parallel_loop3A_147] {strides = array<i32>} : memref<128x100xi32, #tpu.memory_space<vmem>>, vector<16xi32>,
      tpu.vector_store %arg7[%parallel_loop3A_146, %parallel_loop3A_147], %parallel_loop3A_145 {strides = array<i32>} : memref<128x100xi32, #tpu.memory_space<vmem>>, vector<16xi32>,
    } {sc.loop_unroll_factor = 2 : i64, sc.parallel_access}
    "tpu.region"() ({
      %run_scoped3A = tpu.sem_alloc : memref<!tpu.dma_semaphore, #tpu.memory_space<semaphore_mem>>
      %dma_start3A = arith.constant 0 : i32
      %dma_start3A_22 = tpu.memref_slice %arg5[%add3A_18, %dma_start3A] : memref<16384x100xi32, #tpu.memory_space<hbm>> -> memref<128x100xi32, #tpu.memory_space<hbm>>
      %dma_start3A_23 = arith.constant 0 : i32
      %dma_start3A_24 = tpu.memref_slice %arg5[%add3A_18, %dma_start3A_23] : memref<16384x100xi32, #tpu.memory_space<hbm>> -> memref<128x100xi32, #tpu.memory_space<hbm>>
      tpu.enqueue_dma source(%arg7 : memref<128x100xi32, #tpu.memory_space<vmem>>) target(%dma_start3A_24 : memref<128x100xi32, #tpu.memory_space<hbm>>) target_semaphore(%run_scoped3A : memref<!tpu.dma_semaphore, #tpu.memory_space<semaphore_mem>>)
      %dma_wait3A = arith.constant 0 : i32
      %dma_wait3A_25 = tpu.memref_slice %arg5[%add3A_18, %dma_wait3A] : memref<16384x100xi32, #tpu.memory_space<hbm>> -> memref<128x100xi32, #tpu.memory_space<hbm>>
      %dma_wait3A_26 = arith.constant 0 : i32
      %dma_wait3A_27 = tpu.memref_slice %arg5[%add3A_18, %dma_wait3A_26] : memref<16384x100xi32, #tpu.memory_space<hbm>> -> memref<128x100xi32, #tpu.memory_space<hbm>>
      tpu.wait_dma2 semaphore(%run_scoped3A : memref<!tpu.dma_semaphore, #tpu.memory_space<semaphore_mem>>) src(%arg7 : memref<128x100xi32, #tpu.memory_space<vmem>>) dst(%dma_wait3A_27 : memref<128x100xi32, #tpu.memory_space<hbm>>)
      tpu.yield
    }) : () -> ()
    return
  }
}

</mosaic_0001>

<sc_bundles>
// kernel: kernel.3.cloned.1.call-start
scs
__scs_entry_jumppad:
0x0: {  	(pc) =	sbr.rel $0x88, $3  }
0x1: {  	(tag) =	ssettag $0x0;
	lr =	simm.s32 $0x1  }
0x2: {  	[smem:$0x3F9E] =	sst lr;
	_ =	strace $0xD0000000  }
0x3: {  	_ = 	snop  }
0x4: {  	_ = 	snop  }
0x5: {  	_ = 	snop  }
0x6: {  	_ = 	snop  }
0x7: {  	_ = 	snop  }
__scs_overlays_trampoline_lowered:
0x8: {  	[smem:$0x3FAD] =	sst s0  }
0x9: {  	[smem:$0x3FAE] =	sst s1  }
0xa: {  	[smem:$0x3FAF] =	sst s2  }
0xb: {  	[smem:$0x3FB0] =	sst s3  }
0xc: {  	[smem:$0x3FB1] =	sst s4  }
0xd: {  	[smem:$0x3FB2] =	sst s5  }
0xe: {  	[smem:$0x3FB3] =	sst s6  }
0xf: {  	[smem:$0x3FB4] =	sst s7  }
0x10: {  	[smem:$0x3FB5] =	sst s8  }
0x11: {  	[smem:$0x3FB6] =	sst s9;
	s0 =	simm.s32 @!p0 $0x0  }
0x12: {  	s1 =	sld [smem:$0x3F9C];
	s0 =	simm.s32 @p0 $0x1  }
0x13: {  	[smem:$0x3FB7] =	sst s0;
	s0 =	simm.s32 @!p1 $0x0  }
0x14: {  	s2 =	sld [smem:$0x3F9B];
	s0 =	simm.s32 @p1 $0x1  }
0x15: {  	[smem:$0x3FB8] =	sst s0;
	s0 =	simm.s32 @!p2 $0x0  }
0x16: {  	s3 =	sld [smem:$0x3FDB];
	s0 =	simm.s32 @p2 $0x1  }
0x17: {  	s4 =	simm.s32 $0x1BF5;
	[smem:$0x3FBA] =	sst s0  }
0x18: {  	s0 =	sld [smem:$0x3F9D];
	_ =	swait.ge [sflag:s4], $0x0  }
0x19: {  	s7 =	sld [smem:$0x3F9E]  }
0x1a: {  	s8 =	sadd.s32 $0xFFFFE003, lr  }
0x1b: {  	s9 =	sadd.s32 $0xFFFFFEF7, lr;
	s5 =	simm.s32 $0xFFFFFFFF;
	p2 =	slt.u32 s8, $0xFFFFF086  }
0x1c: {  	p1 =	slt.u32 s9, $0xF7A;
	s5 =	simm.s32 @!p2 $0x0  }
0x1d: {  	s5 =	simm.s32 @p1 $0x1;
	p0 =	seq.s32 s7, s2  }
0x1e: {  	s7 =	smul.u32 @!p0 $0xF7A, s2;
	p2 =	seq.s32 @!p0 s5, $0x0  }
0x1f: {  	s9 =	smul.u32 $0xF7A, s1;
	s8 =	simm.s32 @!p0 $0x1BF5;
	p2 =	por !p2, p0  }
0x20: {  	[sflag:s8] =	ssyncset.s32 @!p0 $0xFFFFF086;
	s6 =	sadd.s32 @!p0 s3, s7;
	s7 =	simm.s32 @!p0 $0x108  }
0x21: {  	s3 =	sadd.s32 s3, s9;
	s6 =	sadd.s32 @!p0 $0x88, s6;
	s7 =	simm.s32 @p2 $0x1082  }
0x22: {  	[simem:s7], [sflag:s8] =	dma.local @!p0 [hbm:s6], $0xF7A  }
0x23: {  	s9 =	sor.u32 $0xD0000000, s2;
	s6 =	simm.s32 $0x108;
	_ =	swait.ge @!p0 [sflag:s8], $0x0  }
0x24: {  	s3 =	sadd.s32 $0x88, s3;
	s6 =	simm.s32 @!p1 $0x1082;
	[sflag:s4] =	ssyncset.s32 $0xFFFFF086  }
0x25: {  	[simem:s6], [sflag:s4] =	dma.local [hbm:s3], $0xF7A  }
0x26: {  	[smem:$0x3F9E] =	sst s1;
	(tag) =	ssettag s2;
	_ =	strace s9  }
0x27: {  	s1 =	sld [smem:$0x3FAE]  }
0x28: {  	s2 =	sld [smem:$0x3FAF]  }
0x29: {  	s4 =	sld [smem:$0x3FB1]  }
0x2a: {  	p0 =	seq.s32 s5, $0x0;
	s5 =	sld [smem:$0x3FB2]  }
0x2b: {  	s6 =	sld [smem:$0x3FB3]  }
0x2c: {  	s7 =	sld [smem:$0x3FB4]  }
0x2d: {  	s3 =	simm.s32 $0x108;
	s8 =	sld [smem:$0x3FB5]  }
0x2e: {  	s3 =	simm.s32 @!p0 $0x1082;
	s9 =	sld [smem:$0x3FB6]  }
0x2f: {  	lr =	sadd.s32 s0, s3;
	s0 =	sld [smem:$0x3FAD]  }
0x30: {  	s3 =	sld [smem:$0x3FB0]  }
0x31: {  	[smem:$0x3FB9] =	sst s10  }
0x32: {  	s10 =	sld [smem:$0x3FB7];
	_ =	sdelay $0x3  }
0x33: {  	p0 =	seq.s32 s10, $0x1;
	s10 =	sld [smem:$0x3FB9];
	_ =	sdelay $0x3  }
0x34: {  	[smem:$0x3FB9] =	sst s10  }
0x35: {  	s10 =	sld [smem:$0x3FB8];
	_ =	sdelay $0x3  }
0x36: {  	p1 =	seq.s32 s10, $0x1;
	s10 =	sld [smem:$0x3FB9];
	_ =	sdelay $0x3  }
0x37: {  	[smem:$0x3FB9] =	sst s10  }
0x38: {  	s10 =	sld [smem:$0x3FBA]  }
0x39: {  	_ = 	snop;
	(pc) =	sbr.ind lr, $3  }
0x3a: {  	_ = 	snop  }
0x3b: {  	_ = 	snop  }
0x3c: {  	p2 =	seq.s32 s10, $0x1;
	s10 =	sld [smem:$0x3FB9]  }
0x3d: {  	_ =	shalt  }
0x3e: {  	_ =	shalt  }
0x3f: {  	_ =	shalt  }
0x40: {  	_ =	shalt  }
0x41: {  	_ =	shalt  }
0x42: {  	_ =	shalt  }
0x43: {  	_ =	shalt  }
0x44: {  	_ =	shalt  }
0x45: {  	_ =	shalt  }
0x46: {  	_ =	shalt  }
0x47: {  	_ =	shalt  }
0x48: {  	_ =	shalt  }
0x49: {  	_ =	shalt  }
0x4a: {  	_ =	shalt  }
0x4b: {  	_ =	shalt  }
0x4c: {  	_ =	shalt  }
0x4d: {  	_ =	shalt  }
0x4e: {  	_ =	shalt  }
0x4f: {  	_ =	shalt  }
0x50: {  	_ =	shalt  }
0x51: {  	_ =	shalt  }
0x52: {  	_ =	shalt  }
0x53: {  	_ =	shalt  }
0x54: {  	_ =	shalt  }
0x55: {  	_ =	shalt  }
0x56: {  	_ =	shalt  }
0x57: {  	_ =	shalt  }
0x58: {  	_ =	shalt  }
0x59: {  	_ =	shalt  }
0x5a: {  	_ =	shalt  }
0x5b: {  	_ =	shalt  }
0x5c: {  	_ =	shalt  }
0x5d: {  	_ =	shalt  }
0x5e: {  	_ =	shalt  }
0x5f: {  	_ =	shalt  }
0x60: {  	_ =	shalt  }
0x61: {  	_ =	shalt  }
0x62: {  	_ =	shalt  }
0x63: {  	_ =	shalt  }
0x64: {  	_ =	shalt  }
0x65: {  	_ =	shalt  }
0x66: {  	_ =	shalt  }
0x67: {  	_ =	shalt  }
0x68: {  	_ =	shalt  }
0x69: {  	_ =	shalt  }
0x6a: {  	_ =	shalt  }
0x6b: {  	_ =	shalt  }
0x6c: {  	_ =	shalt  }
0x6d: {  	_ =	shalt  }
0x6e: {  	_ =	shalt  }
0x6f: {  	_ =	shalt  }
0x70: {  	_ =	shalt  }
0x71: {  	_ =	shalt  }
0x72: {  	_ =	shalt  }
0x73: {  	_ =	shalt  }
0x74: {  	_ =	shalt  }
0x75: {  	_ =	shalt  }
0x76: {  	_ =	shalt  }
0x77: {  	_ =	shalt  }
0x78: {  	_ =	shalt  }
0x79: {  	_ =	shalt  }
0x7a: {  	_ =	shalt  }
0x7b: {  	_ =	shalt  }
0x7c: {  	_ =	shalt  }
0x7d: {  	_ =	shalt  }
0x7e: {  	_ =	shalt  }
0x7f: {  	_ =	shalt  }
0x80: {  	_ =	shalt  }
0x81: {  	_ =	shalt  }
0x82: {  	_ =	shalt  }
0x83: {  	_ =	shalt  }
0x84: {  	_ =	shalt  }
0x85: {  	_ =	shalt  }
0x86: {  	_ =	shalt  }
0x87: {  	_ =	shalt  }
.Lfunc_end0:
.L_simem_size_0:
called_computation_lowered:
.L_overlay_start_0:
0x88: {  	s2 =	sld [smem:$0x3FD9]  }
0x89: {  	s3 =	sld [smem:$0x3FFE];
	_ =	sdelay $0x1  }
0x8a: {  	s1 =	srdreg.scid  }
0x8b: {  	s0 =	sand.u32 $0x1, s1  }
0x8c: {  	s17 =	sshll.u32 s0, $0xA;
	s2 =	sadd.s32 s3, s2  }
0x8d: {  	s2 =	sadd.s32 s2, s17  }
0x8e: {  	[smem:$0x3FC5] =	sst s2  }
0x8f: {  	_ = 	snop  }
0x90: {  	s2 =	sld [smem:$0x3FC8]  }
0x91: {  	s18 =	sld [smem:$0x3FC7];
	(tm) =	ssettm $0x1  }
0x92: {  	s4 =	sld [smem:$0x3FFB];
	_ =	sdelay $0x3  }
0x93: {  	_ =	strace s4  }
0x94: {  	s4 =	sld [smem:$0x3FFC];
	_ =	sdelay $0x3  }
0x95: {  	_ =	strace s4  }
0x96: {  	s4 =	sld [smem:$0x3FFD];
	_ =	sdelay $0x3  }
0x97: {  	_ =	strace s4  }
0x98: {  	_ =	strace $0x8FFFFFFF  }
0x99: {  	s19 =	sld [smem:$0x3FDB];
	_ =	sdelay $0x1  }
0x9a: {  	s5 =	simm.s32 $_scs_section_size  }
0x9b: {  	s6 =	simm.s32 $_size__tile_overlayer_lowered;
	s7 =	simm.s32 $_tile_overlayer_lowered  }
0x9c: {  	s22 =	simm.s32 $0x1BFF;
	s21 =	sshll.u32 s7, $0x1;
	s4 =	sadd.s32 s5, s19  }
0x9d: {  	s8 =	simm.s32 $0x0;
	s20 =	sshll.u32 s6, $0x1;
	s6 =	sadd.s32 s21, s4  }
0x9e: {  	[timem:s8], [sflag:s22] =	dma.local [hbm:s6], s20  }
0x9f: {  	_ =	swait.ge [sflag:s22], s20  }
0xa0: {  	s5 =	ssub.s32 $0x0, s20;
	[sflag:s22] =	ssyncset.done $0x0  }
0xa1: {  	[sflag:s22] =	ssyncadd.s32 s5;
	_ =	sdelay $0x1  }
0xa2: {  	s23 =	simm.s32 $0x1B8B  }
0xa3: {  	_ =	swait.ge [sflag:s23], $0x1  }
0xa4: {  	[sflag:s23] =	ssyncset.done $0x0  }
0xa5: {  	s25 =	simm.s32 $0x1B8E;
	s24 =	sld [smem:$0x3FFE];
	[sflag:s23] =	ssyncadd.s32 $0xFFFFFFFF  }
0xa6: {  	s26 =	simm.s32 $execute0_lowered;
	[smem:$0x3FD2] =	sst s25  }
0xa7: {  	s6 =	sshll.u32 s26, $0x1;
	_ =	strace $0x80000046;
	[dreg:$0x1] =	wrdreg $0xFFFFFFFF  }
0xa8: {  	s28 =	simm.s32 $_size_execute0_lowered;
	s4 =	sadd.s32 s4, s6;
	[dreg:$0x0] =	wrdreg $0x0  }
0xa9: {  	s6 =	sshll.u32 s28, $0x1;
	[dreg:$0x2] =	wrdreg s4  }
0xaa: {  	[dreg:$0x3] =	wrdreg s6  }
0xab: {  	[dreg:$0x4] =	wrdreg $0xC0  }
0xac: {  	_ =	task [dreg:s8], $0x5FFFF  }
0xad: {  	[dreg:$0x1] =	wrdreg $0xFFFFFFFF  }
0xae: {  	[dreg:$0x0] =	wrdreg $0x60  }
0xaf: {  	[dreg:$0x2] =	wrdreg s24  }
0xb0: {  	[dreg:$0x3] =	wrdreg s2  }
0xb1: {  	[dreg:$0x4] =	wrdreg s18  }
0xb2: {  	[dreg:$0x5] =	wrdreg $0x9  }
0xb3: {  	_ =	task.clear_ibuf [dreg:s8], $0x6FFFF;
	_ =	strace $0x90000046  }
0xb4: {  	s29 =	simm.s32 $0x9;
	_ =	strace $0x80000048  }
0xb5: {  	_ =	swait.ge [sflag:s29], $0x1  }
0xb6: {  	[sflag:s29] =	ssyncadd.s32 $0xFFFFFFFF  }
0xb7: {  	_ =	strace $0x90000048  }
0xb8: {  	_ =	sfence  }
0xb9: {  	s30 =	sld [smem:$0x0];
	_ =	sdelay $0x2  }
0xba: {  	s31 =	sshll.u32 s1, $0xD;
	s1 =	sshrl.u32 s1, $0x2  }
0xbb: {  	s3 =	sand.u32 $0x4000, s31;
	s1 =	sadd.s32 s1, s30  }
0xbc: {  	s0 =	sor.u32 s3, s0;
	s1 =	sshll.u32 s1, $0x11  }
0xbd: {  	s0 =	sor.u32 s1, s0  }
0xbe: {  	s0 =	sadd.s32 $0x8F2B, s0  }
0xbf: {  	[sflag:s0] =	ssyncadd.remote.s32 $0x1  }
0xc0: {  	_ =	sfence.sel $0xFFFF  }
0xc1: {  	[dreg:$0x0] =	wrdreg $0xFFFFFFFF;
	(pc) =	sbr.abs _section_cstart, $3  }
0xc2: {  	[dreg:$0x1] =	wrdreg $0xFFFFFFFF  }
0xc3: {  	_ =	task.clear_ibuf [dreg:s8], $0x2FFFF;
	_ =	strace $0x9FFFFFFF  }
0xc4: {  	(tm) =	ssettm $0x7FFFFFFF  }
0xc5: {  	_ =	shalt  }
tec
execute0_lowered:
.L_overlay_start_1:
0x0: {  	(tag) =	ssettag $0x1  }
0x1: {  	s0 =	rddreg [dreg:$0x0]  }
0x2: {  	s1 =	rddreg [dreg:$0x1]  }
0x3: {  	s2 =	rddreg [dreg:$0x2];
	s3 =	simm.s32 $0x0  }
0x4: {  	s4 =	srdreg.scid;
	s6 =	stileid.u32;
	s14 =	simm.s32 $0x8000  }
0x5: {  	s15 =	simm.s32 $0x1;
	s16 =	simm.s32 $0x8400;
	s17 =	simm.s32 $0x4000  }
0x6: {  	s18 =	simm.s32 $0x0;
	[smem:$0x7FF] =	sst s3;
	s4 =	sand.u32 $0x1, s4  }
0x7: {  	s11 =	sadd.s32 $0x400, s0;
	s6 =	sshll.u32 s6, $0xE;
	s5 =	ssub.s32 $0x2, s4  }
0x8: {  	s0 =	sadd.s32 $0x40400, s0;
	s4 =	sshll.u32 s4, $0xD;
	s7 =	sshrl.u32 s5, $0x1  }
0x9: {  	_ =	strace $0x80000047;
	s4 =	sor.u32 s4, s6;
	s13 =	ssub.s32 s5, s7  }
0xa: {  	s5 =	sadd.s32 s11, s4;
	s8 =	sor.u32 $0x800, s4;
	s6 =	sadd.s32 s0, s4  }
0xb: {  	s10 =	sor.u32 $0x1000, s4;
	s4 =	sor.u32 $0x1800, s4;
	s7 =	sadd.s32 s11, s8  }
0xc: {  	s8 =	sadd.s32 s0, s8;
	s9 =	sadd.s32 s11, s10;
	s10 =	sadd.s32 s0, s10  }
0xd: {  	s11 =	sadd.s32 s11, s4;
	s12 =	sadd.s32 s0, s4;
	s13 =	smax.u32 s13, $0x1  }
.LBB2_1:
0xe: {  	[tilespmem:s14], [sflag:$0x1] =	stream.linear.gather [hbm4b:s1+s3], $0x400, $0x38;
	[tilespmem:$0x8800] =	vst v63  }
0xf: {  	_ =	swait.ge [sflag:s15], $0x400  }
0x10: {  	[sflag:s15] =	ssyncset.done $0x0  }
0x11: {  	[sflag:s15] =	ssyncadd.s32 $0xFFFFFC00  }
0x12: {  	[tilespmem:s16], [sflag:$0x1] =	stream.linear.gather [hbm4b:s2+s3], $0x400, $0x38;
	[tilespmem:$0x8800] =	vst v63  }
0x13: {  	_ =	swait.ge [sflag:s15], $0x400  }
0x14: {  	[sflag:s15] =	ssyncset.done $0x0  }
0x15: {  	[sflag:s15] =	ssyncadd.s32 $0xFFFFFC00  }
0x16: {  	[tilespmem:s3], [sflag:$0x1] =	stream.linear.gather [hbm4b:s5+s3], $0x4000, $0x38;
	[tilespmem:$0x8800] =	vst v63  }
0x17: {  	_ =	swait.ge [sflag:s15], $0x4000  }
0x18: {  	[sflag:s15] =	ssyncset.done $0x0  }
0x19: {  	s29 =	simm.s32 $0x80;
	[sflag:s15] =	ssyncadd.s32 $0xFFFFC000  }
0x1a: {  	v0 =	vld [tilespmem:s29+$0x0];
	_ =	sdelay $0x4  }
0x1b: {  	vm0 =	vgt.s32 v0, $0x0  }
0x1c: {  	v1 =	vnsel vm0, $0x0, v0  }
0x1d: {  	v1 =	vmin.u32 v1, $0x3E7;
	_ =	sdelay $0x4  }
0x1e: {  	v2 =	vld.idx.msk [tilespmem:v1+s14+$0x0], $0xffff  }
0x1f: {  	v1 =	vld.idx.msk [tilespmem:v1+s16+$0x0], $0xffff  }
0x20: {  	v3 =	vld [tilespmem:s29+$0xFFFFFF80];
	_ =	sdelay $0x2  }
0x21: {  	vm0 =	veq.s32 v2, v0  }
0x22: {  	s19 =	simm.s32 $0x4080;
	v0 =	vnsel vm0, $0x0, v1  }
0x23: {  	vm0 =	vgt.s32 v3, $0x0;
	[tilespmem:s19+$0x0] =	vst v0  }
0x24: {  	v0 =	vnsel vm0, $0x0, v3;
	v1 =	vld [tilespmem:s29+$0x10]  }
0x25: {  	v0 =	vmin.u32 v0, $0x3E7;
	_ =	sdelay $0x3  }
0x26: {  	vm0 =	vgt.s32 v1, $0x0  }
0x27: {  	v2 =	vld.idx.msk [tilespmem:v0+s14+$0x0], $0xffff;
	v4 =	vnsel vm0, $0x0, v1  }
0x28: {  	v0 =	vld.idx.msk [tilespmem:v0+s16+$0x0], $0xffff;
	v4 =	vmin.u32 v4, $0x3E7;
	_ =	sdelay $0x3  }
0x29: {  	vm0 =	veq.s32 v2, v3  }
0x2a: {  	v0 =	vnsel vm0, $0x0, v0;
	v2 =	vld.idx.msk [tilespmem:v4+s14+$0x0], $0xffff  }
0x2b: {  	[tilespmem:s19+$0xFFFFFF80] =	vst v0;
	v0 =	vld.idx.msk [tilespmem:v4+s16+$0x0], $0xffff  }
0x2c: {  	v3 =	vld [tilespmem:s29+$0xFFFFFF90];
	_ =	sdelay $0x2  }
0x2d: {  	s21 =	simm.s32 $0x180;
	vm0 =	veq.s32 v2, v1  }
0x2e: {  	v1 =	vld [tilespmem:s21+$0x0];
	v0 =	vnsel vm0, $0x0, v0  }
0x2f: {  	vm0 =	vgt.s32 v3, $0x0;
	[tilespmem:s19+$0x10] =	vst v0  }
0x30: {  	v0 =	vnsel vm0, $0x0, v3;
	v2 =	vld [tilespmem:s29+$0x20]  }
0x31: {  	v0 =	vmin.u32 v0, $0x3E7;
	_ =	sdelay $0x1  }
0x32: {  	vm0 =	vgt.s32 v1, $0x0  }
0x33: {  	v4 =	vld [tilespmem:s21+$0xFFFFFF80];
	v5 =	vnsel vm0, $0x0, v1  }
0x34: {  	v5 =	vmin.u32 v5, $0x3E7;
	vm0 =	vgt.s32 v2, $0x0  }
0x35: {  	v6 =	vld.idx.msk [tilespmem:v0+s14+$0x0], $0xffff;
	v7 =	vnsel vm0, $0x0, v2  }
0x36: {  	v0 =	vld.idx.msk [tilespmem:v0+s16+$0x0], $0xffff;
	v7 =	vmin.u32 v7, $0x3E7;
	_ =	sdelay $0x1  }
0x37: {  	vm0 =	vgt.s32 v4, $0x0  }
0x38: {  	v8 =	vnsel vm0, $0x0, v4;
	v9 =	vld.idx.msk [tilespmem:v5+s14+$0x0], $0xffff  }
0x39: {  	v8 =	vmin.u32 v8, $0x3E7;
	v5 =	vld.idx.msk [tilespmem:v5+s16+$0x0], $0xffff;
	vm0 =	veq.s32 v6, v3  }
0x3a: {  	v0 =	vnsel vm0, $0x0, v0;
	v3 =	vld.idx.msk [tilespmem:v7+s14+$0x0], $0xffff  }
0x3b: {  	[tilespmem:s19+$0xFFFFFF90] =	vst v0;
	v0 =	vld.idx.msk [tilespmem:v7+s16+$0x0], $0xffff  }
0x3c: {  	v6 =	vld [tilespmem:s29+$0xFFFFFFA0]  }
0x3d: {  	vm0 =	veq.s32 v9, v1  }
0x3e: {  	s20 =	simm.s32 $0x4180;
	v1 =	vld.idx.msk [tilespmem:v8+s14+$0x0], $0xffff;
	v5 =	vnsel vm0, $0x0, v5  }
0x3f: {  	v7 =	vld.idx.msk [tilespmem:v8+s16+$0x0], $0xffff;
	[tilespmem:s20+$0x0] =	vst v5;
	vm0 =	veq.s32 v3, v2  }
0x40: {  	v2 =	vld [tilespmem:s21+$0x10];
	v0 =	vnsel vm0, $0x0, v0  }
0x41: {  	vm0 =	vgt.s32 v6, $0x0;
	[tilespmem:s19+$0x20] =	vst v0  }
0x42: {  	v0 =	vnsel vm0, $0x0, v6;
	v3 =	vld [tilespmem:s29+$0x30]  }
0x43: {  	vm0 =	veq.s32 v1, v4;
	v0 =	vmin.u32 v0, $0x3E7  }
0x44: {  	v1 =	vnsel vm0, $0x0, v7  }
0x45: {  	[tilespmem:s20+$0xFFFFFF80] =	vst v1;
	vm0 =	vgt.s32 v2, $0x0  }
0x46: {  	v1 =	vld [tilespmem:s21+$0xFFFFFF90];
	v4 =	vnsel vm0, $0x0, v2  }
0x47: {  	v4 =	vmin.u32 v4, $0x3E7;
	vm0 =	vgt.s32 v3, $0x0  }
0x48: {  	v5 =	vld.idx.msk [tilespmem:v0+s14+$0x0], $0xffff;
	v7 =	vnsel vm0, $0x0, v3  }
0x49: {  	v0 =	vld.idx.msk [tilespmem:v0+s16+$0x0], $0xffff;
	v7 =	vmin.u32 v7, $0x3E7;
	_ =	sdelay $0x1  }
0x4a: {  	vm0 =	vgt.s32 v1, $0x0  }
0x4b: {  	v8 =	vnsel vm0, $0x0, v1;
	v9 =	vld.idx.msk [tilespmem:v4+s14+$0x0], $0xffff  }
0x4c: {  	v8 =	vmin.u32 v8, $0x3E7;
	v4 =	vld.idx.msk [tilespmem:v4+s16+$0x0], $0xffff;
	vm0 =	veq.s32 v5, v6  }
0x4d: {  	v0 =	vnsel vm0, $0x0, v0;
	v5 =	vld.idx.msk [tilespmem:v7+s14+$0x0], $0xffff  }
0x4e: {  	[tilespmem:s19+$0xFFFFFFA0] =	vst v0;
	v0 =	vld.idx.msk [tilespmem:v7+s16+$0x0], $0xffff  }
0x4f: {  	s23 =	simm.s32 $0x280;
	v6 =	vld [tilespmem:s29+$0xFFFFFFB0]  }
0x50: {  	v7 =	vld [tilespmem:s23+$0x0];
	vm0 =	veq.s32 v9, v2  }
0x51: {  	v2 =	vld.idx.msk [tilespmem:v8+s14+$0x0], $0xffff;
	v4 =	vnsel vm0, $0x0, v4  }
0x52: {  	[tilespmem:s20+$0x10] =	vst v4;
	v4 =	vld.idx.msk [tilespmem:v8+s16+$0x0], $0xffff;
	vm0 =	veq.s32 v5, v3  }
0x53: {  	v3 =	vld [tilespmem:s21+$0x20];
	v0 =	vnsel vm0, $0x0, v0  }
0x54: {  	vm0 =	vgt.s32 v6, $0x0;
	[tilespmem:s19+$0x30] =	vst v0  }
0x55: {  	v0 =	vnsel vm0, $0x0, v6;
	v5 =	vld [tilespmem:s29+$0x40]  }
0x56: {  	vm0 =	vgt.s32 v7, $0x0;
	v0 =	vmin.u32 v0, $0x3E7  }
0x57: {  	v8 =	vld [tilespmem:s23+$0xFFFFFF80];
	vm1 =	veq.s32 v2, v1;
	v1 =	vnsel vm0, $0x0, v7  }
0x58: {  	v1 =	vmin.u32 v1, $0x3E7;
	v2 =	vnsel vm1, $0x0, v4;
	vm0 =	vgt.s32 v3, $0x0  }
0x59: {  	[tilespmem:s20+$0xFFFFFF90] =	vst v2;
	v4 =	vnsel vm0, $0x0, v3  }
0x5a: {  	v2 =	vmin.u32 v4, $0x3E7;
	v4 =	vld [tilespmem:s21+$0xFFFFFFA0];
	vm0 =	vgt.s32 v5, $0x0  }
0x5b: {  	v9 =	vld.idx.msk [tilespmem:v0+s14+$0x0], $0xffff;
	v10 =	vnsel vm0, $0x0, v5  }
0x5c: {  	v0 =	vld.idx.msk [tilespmem:v0+s16+$0x0], $0xffff;
	vm0 =	vgt.s32 v8, $0x0;
	v10 =	vmin.u32 v10, $0x3E7  }
0x5d: {  	v12 =	vld.idx.msk [tilespmem:v1+s14+$0x0], $0xffff;
	v11 =	vnsel vm0, $0x0, v8  }
0x5e: {  	v1 =	vld.idx.msk [tilespmem:v1+s16+$0x0], $0xffff;
	v11 =	vmin.u32 v11, $0x3E7  }
0x5f: {  	v13 =	vld.idx.msk [tilespmem:v2+s14+$0x0], $0xffff;
	vm0 =	vgt.s32 v4, $0x0  }
0x60: {  	v2 =	vld.idx.msk [tilespmem:v2+s16+$0x0], $0xffff;
	v14 =	vnsel vm0, $0x0, v4  }
0x61: {  	v14 =	vmin.u32 v14, $0x3E7;
	v15 =	vld.idx.msk [tilespmem:v10+s14+$0x0], $0xffff  }
0x62: {  	vm0 =	veq.s32 v12, v7;
	v10 =	vld.idx.msk [tilespmem:v10+s16+$0x0], $0xffff  }
0x63: {  	s22 =	simm.s32 $0x4280;
	v1 =	vnsel vm0, $0x0, v1;
	v7 =	vld.idx.msk [tilespmem:v11+s14+$0x0], $0xffff  }
0x64: {  	v11 =	vld.idx.msk [tilespmem:v11+s16+$0x0], $0xffff;
	[tilespmem:s22+$0x0] =	vst v1;
	vm0 =	veq.s32 v13, v3  }
0x65: {  	v1 =	vld [tilespmem:s23+$0x10];
	v2 =	vnsel vm0, $0x0, v2  }
0x66: {  	v3 =	vld.idx.msk [tilespmem:v14+s14+$0x0], $0xffff;
	[tilespmem:s20+$0x20] =	vst v2;
	vm0 =	veq.s32 v15, v5  }
0x67: {  	v5 =	vld [tilespmem:s21+$0x30];
	v2 =	vnsel vm0, $0x0, v10  }
0x68: {  	vm0 =	veq.s32 v7, v8;
	[tilespmem:s19+$0x40] =	vst v2;
	v2 =	vld.idx.msk [tilespmem:v14+s16+$0x0], $0xffff  }
0x69: {  	v7 =	vnsel vm0, $0x0, v11;
	v8 =	vld [tilespmem:s29+$0x50]  }
0x6a: {  	vm0 =	vgt.s32 v1, $0x0;
	[tilespmem:s22+$0xFFFFFF80] =	vst v7  }
0x6b: {  	v10 =	vnsel vm0, $0x0, v1;
	v7 =	vld [tilespmem:s23+$0xFFFFFF90]  }
0x6c: {  	vm0 =	veq.s32 v9, v6;
	v6 =	vmin.u32 v10, $0x3E7;
	vm1 =	vgt.s32 v5, $0x0  }
0x6d: {  	s25 =	simm.s32 $0x380;
	v0 =	vnsel vm0, $0x0, v0;
	vm0 =	veq.s32 v3, v4;
	v3 =	vnsel vm1, $0x0, v5  }
0x6e: {  	v13 =	vld [tilespmem:s25+$0x0];
	[tilespmem:s19+$0xFFFFFFB0] =	vst v0;
	v0 =	vnsel vm0, $0x0, v2;
	v2 =	vmin.u32 v3, $0x3E7;
	vm0 =	vgt.s32 v8, $0x0  }
0x6f: {  	v3 =	vld [tilespmem:s29+$0xFFFFFFC0];
	[tilespmem:s20+$0xFFFFFFA0] =	vst v0;
	v0 =	vnsel vm0, $0x0, v8  }
0x70: {  	vm0 =	vgt.s32 v7, $0x0;
	v4 =	vld [tilespmem:s21+$0xFFFFFFB0];
	v0 =	vmin.u32 v0, $0x3E7  }
0x71: {  	v10 =	vld.idx.msk [tilespmem:v6+s14+$0x0], $0xffff;
	v9 =	vnsel vm0, $0x0, v7  }
0x72: {  	v6 =	vld.idx.msk [tilespmem:v6+s16+$0x0], $0xffff;
	v9 =	vmin.u32 v9, $0x3E7  }
0x73: {  	v11 =	vld.idx.msk [tilespmem:v2+s14+$0x0], $0xffff  }
0x74: {  	v2 =	vld.idx.msk [tilespmem:v2+s16+$0x0], $0xffff  }
0x75: {  	v12 =	vld.idx.msk [tilespmem:v0+s14+$0x0], $0xffff  }
0x76: {  	vm0 =	veq.s32 v10, v1;
	vm1 =	vgt.s32 v4, $0x0;
	v0 =	vld.idx.msk [tilespmem:v0+s16+$0x0], $0xffff  }
0x77: {  	v6 =	vnsel vm0, $0x0, v6;
	v10 =	vnsel vm1, $0x0, v4;
	v1 =	vld.idx.msk [tilespmem:v9+s14+$0x0], $0xffff  }
0x78: {  	[tilespmem:s22+$0x10] =	vst v6;
	v6 =	vmin.u32 v10, $0x3E7;
	v9 =	vld.idx.msk [tilespmem:v9+s16+$0x0], $0xffff;
	vm0 =	veq.s32 v11, v5  }
0x79: {  	s30 =	simm.s32 $0x580;
	v5 =	vld [tilespmem:s23+$0x20];
	v2 =	vnsel vm0, $0x0, v2  }
0x7a: {  	v53 =	vld [tilespmem:s30+$0x0];
	vm0 =	vgt.s32 v3, $0x0;
	[tilespmem:s20+$0x30] =	vst v2  }
0x7b: {  	v2 =	vnsel vm0, $0x0, v3;
	vm0 =	veq.s32 v12, v8;
	v8 =	vld [tilespmem:s21+$0x40]  }
0x7c: {  	v10 =	vld [tilespmem:s25+$0xFFFFFF80];
	v2 =	vmin.u32 v2, $0x3E7;
	v0 =	vnsel vm0, $0x0, v0;
	vm0 =	vgt.s32 v13, $0x0  }
0x7d: {  	vm1 =	veq.s32 v1, v7;
	v1 =	vld.idx.msk [tilespmem:v6+s14+$0x0], $0xffff;
	v7 =	vnsel vm0, $0x0, v13  }
0x7e: {  	v6 =	vld.idx.msk [tilespmem:v6+s16+$0x0], $0xffff;
	[tilespmem:s19+$0x50] =	vst v0;
	vm0 =	vgt.s32 v5, $0x0;
	v9 =	vnsel vm1, $0x0, v9;
	v7 =	vmin.u32 v7, $0x3E7  }
0x7f: {  	v0 =	vld [tilespmem:s29+$0x54];
	v11 =	vnsel vm0, $0x0, v5;
	[tilespmem:s22+$0xFFFFFF90] =	vst v9  }
0x80: {  	v9 =	vmin.u32 v11, $0x3E7;
	v11 =	vld [tilespmem:s23+$0xFFFFFFA0];
	vm0 =	vgt.s32 v8, $0x0  }
0x81: {  	v12 =	vld.idx.msk [tilespmem:v2+s14+$0x0], $0xffff;
	v14 =	vnsel vm0, $0x0, v8  }
0x82: {  	v2 =	vld.idx.msk [tilespmem:v2+s16+$0x0], $0xffff;
	vm0 =	vgt.s32 v10, $0x0;
	v14 =	vmin.u32 v14, $0x3E7  }
0x83: {  	v15 =	vnsel vm0, $0x0, v10;
	v16 =	vld.idx.msk [tilespmem:v7+s14+$0x0], $0xffff  }
0x84: {  	v15 =	vmin.u32 v15, $0x3E7;
	v7 =	vld.idx.msk [tilespmem:v7+s16+$0x0], $0xffff  }
0x85: {  	v17 =	vld.idx.msk [tilespmem:v9+s14+$0x0], $0xffff;
	vm0 =	vgt.s32 v11, $0x0  }
0x86: {  	v9 =	vld.idx.msk [tilespmem:v9+s16+$0x0], $0xffff;
	v18 =	vnsel vm0, $0x0, v11  }
0x87: {  	v18 =	vmin.u32 v18, $0x3E7;
	v19 =	vld.idx.msk [tilespmem:v14+s14+$0x0], $0xffff  }
0x88: {  	v14 =	vld.idx.msk [tilespmem:v14+s16+$0x0], $0xffff;
	vm0 =	veq.s32 v16, v13  }
0x89: {  	s24 =	simm.s32 $0x4380;
	v13 =	vld.idx.msk [tilespmem:v15+s14+$0x0], $0xffff;
	v7 =	vnsel vm0, $0x0, v7  }
0x8a: {  	v15 =	vld.idx.msk [tilespmem:v15+s16+$0x0], $0xffff;
	vm0 =	veq.s32 v17, v5;
	[tilespmem:s24+$0x0] =	vst v7  }
0x8b: {  	vm1 =	vgt.s32 v0, $0x0;
	v7 =	vnsel vm0, $0x0, v9;
	v5 =	vld [tilespmem:s25+$0x10]  }
0x8c: {  	v9 =	vnsel vm1, $0x0, v0;
	[tilespmem:s22+$0x20] =	vst v7;
	vm0 =	veq.s32 v19, v8;
	v8 =	vld.idx.msk [tilespmem:v18+s14+$0x0], $0xffff  }
0x8d: {  	v7 =	vmin.u32 v9, $0x3E7;
	v9 =	vnsel vm0, $0x0, v14;
	v14 =	vld [tilespmem:s23+$0x30]  }
0x8e: {  	vm0 =	veq.s32 v13, v10;
	[tilespmem:s20+$0x40] =	vst v9;
	v9 =	vld.idx.msk [tilespmem:v18+s16+$0x0], $0xffff  }
0x8f: {  	s28 =	simm.s32 $0x480;
	v10 =	vnsel vm0, $0x0, v15;
	v13 =	vld [tilespmem:s21+$0x50]  }
0x90: {  	v17 =	vld [tilespmem:s28+$0x0];
	vm0 =	veq.s32 v1, v4;
	[tilespmem:s24+$0xFFFFFF80] =	vst v10;
	vm1 =	vgt.s32 v5, $0x0  }
0x91: {  	v1 =	vnsel vm0, $0x0, v6;
	v6 =	vld [tilespmem:s25+$0xFFFFFF90];
	v10 =	vnsel vm1, $0x0, v5  }
0x92: {  	vm0 =	veq.s32 v12, v3;
	v4 =	vld.idx.msk [tilespmem:v7+s14+$0x0], $0xffff;
	v3 =	vmin.u32 v10, $0x3E7;
	vm1 =	vgt.s32 v14, $0x0  }
0x93: {  	[tilespmem:s20+$0xFFFFFFB0] =	vst v1;
	v1 =	vnsel vm0, $0x0, v2;
	v2 =	vld.idx.msk [tilespmem:v7+s16+$0x0], $0xffff;
	vm0 =	veq.s32 v8, v11;
	v7 =	vnsel vm1, $0x0, v14  }
0x94: {  	[tilespmem:s19+$0xFFFFFFC0] =	vst v1;
	v10 =	vld [tilespmem:s21+$0xFFFFFFC0];
	v8 =	vnsel vm0, $0x0, v9;
	v7 =	vmin.u32 v7, $0x3E7;
	vm0 =	vgt.s32 v13, $0x0  }
0x95: {  	v1 =	vld [tilespmem:s29+$0xFFFFFFD0];
	[tilespmem:s22+$0xFFFFFFA0] =	vst v8;
	v8 =	vnsel vm0, $0x0, v13  }
0x96: {  	vm0 =	vgt.s32 v6, $0x0;
	v9 =	vld [tilespmem:s23+$0xFFFFFFB0];
	v8 =	vmin.u32 v8, $0x3E7  }
0x97: {  	v11 =	vnsel vm0, $0x0, v6;
	v12 =	vld.idx.msk [tilespmem:v3+s14+$0x0], $0xffff  }
0x98: {  	v11 =	vmin.u32 v11, $0x3E7;
	v3 =	vld.idx.msk [tilespmem:v3+s16+$0x0], $0xffff  }
0x99: {  	v15 =	vld.idx.msk [tilespmem:v7+s14+$0x0], $0xffff  }
0x9a: {  	v7 =	vld.idx.msk [tilespmem:v7+s16+$0x0], $0xffff  }
0x9b: {  	v16 =	vld.idx.msk [tilespmem:v8+s14+$0x0], $0xffff  }
0x9c: {  	vm0 =	vgt.s32 v9, $0x0;
	v8 =	vld.idx.msk [tilespmem:v8+s16+$0x0], $0xffff;
	vm1 =	veq.s32 v12, v5  }
0x9d: {  	v5 =	vnsel vm0, $0x0, v9;
	v12 =	vld.idx.msk [tilespmem:v11+s14+$0x0], $0xffff;
	v3 =	vnsel vm1, $0x0, v3  }
0x9e: {  	v11 =	vld.idx.msk [tilespmem:v11+s16+$0x0], $0xffff;
	v5 =	vmin.u32 v5, $0x3E7;
	[tilespmem:s24+$0x10] =	vst v3;
	vm1 =	veq.s32 v15, v14  }
0x9f: {  	vm0 =	vgt.s32 v10, $0x0;
	v14 =	vld [tilespmem:s25+$0x20];
	v7 =	vnsel vm1, $0x0, v7  }
0xa0: {  	v54 =	vld [tilespmem:s30+$0xFFFFFF80];
	v3 =	vnsel vm0, $0x0, v10;
	[tilespmem:s22+$0x30] =	vst v7  }
0xa1: {  	v3 =	vmin.u32 v3, $0x3E7;
	vm0 =	veq.s32 v16, v13;
	v7 =	vld [tilespmem:s23+$0x40]  }
0xa2: {  	v15 =	vld [tilespmem:s28+$0xFFFFFF80];
	vm1 =	vgt.s32 v1, $0x0;
	v8 =	vnsel vm0, $0x0, v8;
	vm0 =	vgt.s32 v17, $0x0  }
0xa3: {  	v13 =	vnsel vm1, $0x0, v1;
	vm1 =	veq.s32 v12, v6;
	v16 =	vld.idx.msk [tilespmem:v5+s14+$0x0], $0xffff;
	[tilespmem:s20+$0x50] =	vst v8;
	v8 =	vnsel vm0, $0x0, v17  }
0xa4: {  	v5 =	vld.idx.msk [tilespmem:v5+s16+$0x0], $0xffff;
	v11 =	vnsel vm1, $0x0, v11;
	v8 =	vmin.u32 v8, $0x3E7;
	vm0 =	vgt.s32 v14, $0x0  }
0xa5: {  	v6 =	vld [tilespmem:s21+$0x54];
	[tilespmem:s24+$0xFFFFFF90] =	vst v11;
	v12 =	vnsel vm0, $0x0, v14  }
0xa6: {  	v11 =	vmin.u32 v12, $0x3E7;
	vm0 =	vgt.s32 v7, $0x0;
	v12 =	vld [tilespmem:s25+$0xFFFFFFA0]  }
0xa7: {  	v18 =	vld.idx.msk [tilespmem:v3+s14+$0x0], $0xffff;
	v20 =	vnsel vm0, $0x0, v7  }
0xa8: {  	v19 =	vld.idx.msk [tilespmem:v3+s16+$0x0], $0xffff;
	vm0 =	vgt.s32 v15, $0x0;
	v20 =	vmin.u32 v20, $0x3E7  }
0xa9: {  	v21 =	vnsel vm0, $0x0, v15;
	v22 =	vld.idx.msk [tilespmem:v8+s14+$0x0], $0xffff  }
0xaa: {  	v8 =	vld.idx.msk [tilespmem:v8+s16+$0x0], $0xffff;
	v21 =	vmin.u32 v21, $0x3E7  }
0xab: {  	v23 =	vld.idx.msk [tilespmem:v11+s14+$0x0], $0xffff;
	vm0 =	vgt.s32 v12, $0x0  }
0xac: {  	v11 =	vld.idx.msk [tilespmem:v11+s16+$0x0], $0xffff;
	v24 =	vnsel vm0, $0x0, v12  }
0xad: {  	v25 =	vld.idx.msk [tilespmem:v20+s14+$0x0], $0xffff;
	v24 =	vmin.u32 v24, $0x3E7  }
0xae: {  	v20 =	vld.idx.msk [tilespmem:v20+s16+$0x0], $0xffff;
	vm0 =	veq.s32 v22, v17  }
0xaf: {  	s26 =	simm.s32 $0x4480;
	vm1 =	vgt.s32 v6, $0x0;
	v17 =	vld.idx.msk [tilespmem:v21+s14+$0x0], $0xffff;
	v8 =	vnsel vm0, $0x0, v8  }
0xb0: {  	v47 =	vnsel vm1, $0x0, v6;
	v21 =	vld.idx.msk [tilespmem:v21+s16+$0x0], $0xffff;
	[tilespmem:s26+$0x0] =	vst v8;
	vm0 =	veq.s32 v23, v14  }
0xb1: {  	v14 =	vmin.u32 v47, $0x3E7;
	v48 =	vld [tilespmem:s28+$0x10];
	v8 =	vnsel vm0, $0x0, v11  }
0xb2: {  	vm0 =	veq.s32 v25, v7;
	v7 =	vld.idx.msk [tilespmem:v24+s14+$0x0], $0xffff;
	[tilespmem:s24+$0x20] =	vst v8  }
0xb3: {  	v8 =	vnsel vm0, $0x0, v20;
	v49 =	vld [tilespmem:s25+$0x30]  }
0xb4: {  	v13 =	vmin.u32 v13, $0x3E7;
	vm0 =	veq.s32 v17, v15;
	v15 =	vld.idx.msk [tilespmem:v24+s16+$0x0], $0xffff;
	[tilespmem:s22+$0x40] =	vst v8  }
0xb5: {  	v17 =	vld [tilespmem:s23+$0x50]  }
0xb6: {  	v11 =	vnsel vm0, $0x0, v21;
	vm0 =	veq.s32 v16, v9;
	v8 =	vld.idx.msk [tilespmem:v14+s14+$0x0], $0xffff;
	vm1 =	vgt.s32 v48, $0x0  }
0xb7: {  	[tilespmem:s26+$0xFFFFFF80] =	vst v11;
	v5 =	vnsel vm0, $0x0, v5;
	vm0 =	veq.s32 v18, v10;
	v10 =	vld.idx.msk [tilespmem:v14+s16+$0x0], $0xffff;
	v11 =	vnsel vm1, $0x0, v48  }
0xb8: {  	v9 =	vld [tilespmem:s28+$0xFFFFFF90];
	[tilespmem:s22+$0xFFFFFFB0] =	vst v5;
	v5 =	vnsel vm0, $0x0, v19;
	v14 =	vmin.u32 v11, $0x3E7;
	vm0 =	vgt.s32 v49, $0x0  }
0xb9: {  	v3 =	vld.idx.msk [tilespmem:v13+s14+$0x0], $0xffff;
	[tilespmem:s20+$0xFFFFFFC0] =	vst v5;
	vm1 =	veq.s32 v7, v12;
	v5 =	vnsel vm0, $0x0, v49  }
0xba: {  	v16 =	vld [tilespmem:s23+$0xFFFFFFC0];
	v7 =	vnsel vm1, $0x0, v15;
	v5 =	vmin.u32 v5, $0x3E7  }
0xbb: {  	v12 =	vld.idx.msk [tilespmem:v13+s16+$0x0], $0xffff;
	[tilespmem:s24+$0xFFFFFFA0] =	vst v7;
	vm0 =	vgt.s32 v17, $0x0  }
0xbc: {  	v13 =	vld [tilespmem:s25+$0xFFFFFFB0];
	v7 =	vnsel vm0, $0x0, v17  }
0xbd: {  	vm0 =	vgt.s32 v9, $0x0;
	v7 =	vmin.u32 v7, $0x3E7;
	v18 =	vld.idx.msk [tilespmem:v14+s14+$0x0], $0xffff  }
0xbe: {  	v15 =	vnsel vm0, $0x0, v9;
	v14 =	vld.idx.msk [tilespmem:v14+s16+$0x0], $0xffff  }
0xbf: {  	v15 =	vmin.u32 v15, $0x3E7;
	v19 =	vld.idx.msk [tilespmem:v5+s14+$0x0], $0xffff  }
0xc0: {  	v5 =	vld.idx.msk [tilespmem:v5+s16+$0x0], $0xffff  }
0xc1: {  	v11 =	vld [tilespmem:s21+$0xFFFFFFD0];
	vm0 =	vgt.s32 v13, $0x0  }
0xc2: {  	v51 =	vnsel vm0, $0x0, v13;
	v50 =	vld.idx.msk [tilespmem:v7+s14+$0x0], $0xffff;
	vm0 =	veq.s32 v18, v48  }
0xc3: {  	v7 =	vld.idx.msk [tilespmem:v7+s16+$0x0], $0xffff;
	v18 =	vmin.u32 v51, $0x3E7;
	v14 =	vnsel vm0, $0x0, v14  }
0xc4: {  	v52 =	vld.idx.msk [tilespmem:v15+s14+$0x0], $0xffff;
	vm0 =	vgt.s32 v16, $0x0;
	[tilespmem:s26+$0x10] =	vst v14;
	vm1 =	veq.s32 v19, v49  }
0xc5: {  	v14 =	vnsel vm0, $0x0, v16;
	v19 =	vld [tilespmem:s28+$0x20];
	v5 =	vnsel vm1, $0x0, v5  }
0xc6: {  	v15 =	vld.idx.msk [tilespmem:v15+s16+$0x0], $0xffff;
	v14 =	vmin.u32 v14, $0x3E7;
	[tilespmem:s24+$0x30] =	vst v5  }
0xc7: {  	vm1 =	vgt.s32 v11, $0x0;
	vm0 =	veq.s32 v50, v17;
	v5 =	vld [tilespmem:s25+$0x40]  }
0xc8: {  	v17 =	vnsel vm1, $0x0, v11;
	v55 =	vld.idx.msk [tilespmem:v18+s14+$0x0], $0xffff;
	v7 =	vnsel vm0, $0x0, v7;
	vm0 =	vgt.s32 v53, $0x0  }
0xc9: {  	v17 =	vmin.u32 v17, $0x3E7;
	[tilespmem:s22+$0x50] =	vst v7;
	v7 =	vnsel vm0, $0x0, v53;
	vm0 =	veq.s32 v52, v9;
	v9 =	vld.idx.msk [tilespmem:v18+s16+$0x0], $0xffff  }
0xca: {  	v56 =	vld [tilespmem:s23+$0x54];
	v7 =	vmin.u32 v7, $0x3E7;
	vm1 =	vgt.s32 v19, $0x0  }
0xcb: {  	v57 =	vld.idx.msk [tilespmem:v14+s14+$0x0], $0xffff;
	v15 =	vnsel vm0, $0x0, v15;
	v18 =	vnsel vm1, $0x0, v19  }
0xcc: {  	v14 =	vld.idx.msk [tilespmem:v14+s16+$0x0], $0xffff;
	[tilespmem:s26+$0xFFFFFF90] =	vst v15;
	v18 =	vmin.u32 v18, $0x3E7;
	vm0 =	vgt.s32 v5, $0x0  }
0xcd: {  	v58 =	vld [tilespmem:s28+$0xFFFFFFA0];
	v15 =	vnsel vm0, $0x0, v5  }
0xce: {  	v26 =	vld.idx.msk [tilespmem:v17+s14+$0x0], $0xffff;
	v15 =	vmin.u32 v15, $0x3E7  }
0xcf: {  	vm1 =	vgt.s32 v54, $0x0;
	v27 =	vld.idx.msk [tilespmem:v7+s16+$0x0], $0xffff  }
0xd0: {  	v29 =	vnsel vm1, $0x0, v54;
	v7 =	vld.idx.msk [tilespmem:v7+s14+$0x0], $0xffff  }
0xd1: {  	v29 =	vmin.u32 v29, $0x3E7;
	vm0 =	vgt.s32 v56, $0x0;
	v30 =	vld.idx.msk [tilespmem:v18+s16+$0x0], $0xffff  }
0xd2: {  	v28 =	vnsel vm0, $0x0, v56;
	v18 =	vld.idx.msk [tilespmem:v18+s14+$0x0], $0xffff;
	vm0 =	vgt.s32 v58, $0x0  }
0xd3: {  	v32 =	vnsel vm0, $0x0, v58;
	v31 =	vld.idx.msk [tilespmem:v15+s16+$0x0], $0xffff  }
0xd4: {  	v32 =	vmin.u32 v32, $0x3E7;
	v15 =	vld.idx.msk [tilespmem:v15+s14+$0x0], $0xffff  }
0xd5: {  	v17 =	vld.idx.msk [tilespmem:v17+s16+$0x0], $0xffff;
	vm0 =	veq.s32 v7, v53  }
0xd6: {  	s31 =	simm.s32 $0x4580;
	v60 =	vld.idx.msk [tilespmem:v29+s14+$0x0], $0xffff;
	v7 =	vnsel vm0, $0x0, v27  }
0xd7: {  	vm0 =	veq.s32 v18, v19;
	[tilespmem:s31+$0x0] =	vst v7;
	v18 =	vld.idx.msk [tilespmem:v29+s16+$0x0], $0xffff  }
0xd8: {  	v28 =	vmin.u32 v28, $0x3E7;
	v7 =	vnsel vm0, $0x0, v30;
	v19 =	vld [tilespmem:s30+$0x10]  }
0xd9: {  	[tilespmem:s26+$0x20] =	vst v7;
	v61 =	vld.idx.msk [tilespmem:v32+s16+$0x0], $0xffff;
	vm0 =	veq.s32 v15, v5  }
0xda: {  	v7 =	vld [tilespmem:s28+$0x30];
	v5 =	vnsel vm0, $0x0, v31  }
0xdb: {  	v15 =	vld.idx.msk [tilespmem:v32+s14+$0x0], $0xffff;
	vm0 =	veq.s32 v60, v54;
	[tilespmem:s24+$0x40] =	vst v5  }
0xdc: {  	vm1 =	veq.s32 v55, v13;
	v13 =	vnsel vm0, $0x0, v18;
	v5 =	vld [tilespmem:s25+$0x50]  }
0xdd: {  	v9 =	vnsel vm1, $0x0, v9;
	v59 =	vld.idx.msk [tilespmem:v28+s14+$0x0], $0xffff;
	vm0 =	veq.s32 v57, v16;
	[tilespmem:s31+$0xFFFFFF80] =	vst v13;
	vm1 =	vgt.s32 v19, $0x0  }
0xde: {  	[tilespmem:s24+$0xFFFFFFB0] =	vst v9;
	v13 =	vnsel vm0, $0x0, v14;
	v9 =	vld [tilespmem:s30+$0xFFFFFF90];
	v14 =	vnsel vm1, $0x0, v19  }
0xdf: {  	v18 =	vld.idx.msk [tilespmem:v28+s16+$0x0], $0xffff;
	vm0 =	veq.s32 v3, v1;
	[tilespmem:s22+$0xFFFFFFC0] =	vst v13;
	v13 =	vmin.u32 v14, $0x3E7;
	vm1 =	vgt.s32 v7, $0x0  }
0xe0: {  	v3 =	vld [tilespmem:s25+$0xFFFFFFC0];
	v12 =	vnsel vm0, $0x0, v12;
	vm0 =	veq.s32 v15, v58;
	v14 =	vnsel vm1, $0x0, v7  }
0xe1: {  	v1 =	vld [tilespmem:s23+$0xFFFFFFD0];
	[tilespmem:s19+$0xFFFFFFD0] =	vst v12;
	v12 =	vnsel vm0, $0x0, v61;
	v14 =	vmin.u32 v14, $0x3E7;
	vm0 =	vgt.s32 v5, $0x0  }
0xe2: {  	vm1 =	veq.s32 v4, v0;
	v0 =	vld [tilespmem:s29+$0xFFFFFFD4];
	[tilespmem:s26+$0xFFFFFFA0] =	vst v12;
	v4 =	vnsel vm0, $0x0, v5  }
0xe3: {  	vm0 =	veq.s32 v8, v6;
	vm2 =	vgt.s32 v9, $0x0;
	v8 =	vld [tilespmem:s28+$0xFFFFFFB0];
	v62 =	vmin.u32 v4, $0x3E7  }
0xe4: {  	v2 =	vnsel vm1, $0x0, v2;
	vm1 =	veq.s32 v26, v11;
	v4 =	vnsel vm2, $0x0, v9;
	v63 =	vld.idx.msk [tilespmem:v13+s14+$0x0], $0xffff  }
0xe5: {  	v10 =	vnsel vm0, $0x0, v10;
	vm0 =	vgt.s32 v3, $0x0;
	v16 =	vld.idx.msk [tilespmem:v13+s16+$0x0], $0xffff;
	v15 =	vmin.u32 v4, $0x3E7  }
0xe6: {  	vm2 =	veq.s32 v59, v56;
	v13 =	vnsel vm1, $0x0, v17;
	v4 =	vnsel vm0, $0x0, v3;
	v12 =	vld.idx.msk [tilespmem:v14+s14+$0x0], $0xffff  }
0xe7: {  	[tilespmem:s19+$0x54] =	vst v2;
	vm0 =	vgt.s32 v1, $0x0;
	v2 =	vnsel vm2, $0x0, v18;
	v6 =	vmin.u32 v4, $0x3E7;
	v14 =	vld.idx.msk [tilespmem:v14+s16+$0x0], $0xffff  }
0xe8: {  	[tilespmem:s20+$0x54] =	vst v10;
	v4 =	vnsel vm0, $0x0, v1;
	vm0 =	vgt.s32 v0, $0x0;
	vm1 =	vgt.s32 v8, $0x0;
	v10 =	vld.idx.msk [tilespmem:v62+s14+$0x0], $0xffff  }
0xe9: {  	[tilespmem:s22+$0x54] =	vst v2;
	v4 =	vmin.u32 v4, $0x3E7;
	v2 =	vnsel vm0, $0x0, v0;
	v18 =	vnsel vm1, $0x0, v8;
	v11 =	vld.idx.msk [tilespmem:v62+s16+$0x0], $0xffff  }
0xea: {  	s0 =	simm.s32 $0x680;
	s29 =	simm.s32 $0xA;
	[tilespmem:s20+$0xFFFFFFD0] =	vst v13;
	v2 =	vmin.u32 v2, $0x3E7;
	vm0 =	veq.s32 v63, v19;
	v17 =	vld.idx.msk [tilespmem:v15+s14+$0x0], $0xffff;
	v13 =	vmin.u32 v18, $0x3E7  }
.LBB2_2:
0xeb: {  	v18 =	vld [tilespmem:s0+$0x0];
	v16 =	vnsel vm0, $0x0, v16;
	s4 =	smov.u32 s31  }
0xec: {  	vm0 =	veq.s32 v12, v7;
	v19 =	vld [tilespmem:s0+$0xFFFFFF80];
	[tilespmem:s31+$0x10] =	vst v16  }
0xed: {  	v12 =	vnsel vm0, $0x0, v14;
	v7 =	vld [tilespmem:s30+$0x20]  }
0xee: {  	vm0 =	veq.s32 v10, v5;
	v14 =	vld.idx.msk [tilespmem:v15+s16+$0x0], $0xffff;
	[tilespmem:s26+$0x30] =	vst v12  }
0xef: {  	v10 =	vnsel vm0, $0x0, v11;
	v5 =	vld [tilespmem:s28+$0x40]  }
0xf0: {  	vm1 =	veq.s32 v17, v9;
	vm0 =	vgt.s32 v18, $0x0;
	v9 =	vld.idx.msk [tilespmem:v13+s14+$0x0], $0xffff;
	[tilespmem:s24+$0x50] =	vst v10  }
0xf1: {  	s29 =	sadd.s32 $0x2, s29;
	vm2 =	vgt.s32 v19, $0x0;
	v10 =	vnsel vm0, $0x0, v18;
	v11 =	vld [tilespmem:s25+$0x54]  }
0xf2: {  	p0 =	slt.u32 s29, $0x7E;
	v12 =	vnsel vm2, $0x0, v19;
	v10 =	vmin.u32 v10, $0x3E7;
	vm0 =	vgt.s32 v7, $0x0;
	v13 =	vld.idx.msk [tilespmem:v13+s16+$0x0], $0xffff  }
0xf3: {  	v12 =	vmin.u32 v12, $0x3E7;
	v15 =	vnsel vm0, $0x0, v7;
	v16 =	vld.idx.msk [tilespmem:v6+s14+$0x0], $0xffff  }
0xf4: {  	v14 =	vnsel vm1, $0x0, v14;
	v15 =	vmin.u32 v15, $0x3E7;
	vm0 =	vgt.s32 v5, $0x0;
	v6 =	vld.idx.msk [tilespmem:v6+s16+$0x0], $0xffff  }
0xf5: {  	[tilespmem:s31+$0xFFFFFF90] =	vst v14;
	v14 =	vnsel vm0, $0x0, v5;
	v17 =	vld.idx.msk [tilespmem:v4+s14+$0x0], $0xffff  }
0xf6: {  	vm0 =	veq.s32 v9, v8;
	v20 =	vld [tilespmem:s30+$0xFFFFFFA0];
	v8 =	vmin.u32 v14, $0x3E7;
	vm1 =	vgt.s32 v11, $0x0  }
0xf7: {  	v9 =	vld.idx.msk [tilespmem:v10+s16+$0x0], $0xffff;
	v14 =	vnsel vm1, $0x0, v11  }
0xf8: {  	v13 =	vnsel vm0, $0x0, v13;
	v10 =	vld.idx.msk [tilespmem:v10+s14+$0x0], $0xffff;
	v14 =	vmin.u32 v14, $0x3E7  }
0xf9: {  	vm0 =	veq.s32 v16, v3;
	v21 =	vld.idx.msk [tilespmem:v15+s16+$0x0], $0xffff;
	[tilespmem:s26+$0xFFFFFFB0] =	vst v13  }
0xfa: {  	v6 =	vnsel vm0, $0x0, v6;
	v3 =	vld.idx.msk [tilespmem:v15+s14+$0x0], $0xffff  }
0xfb: {  	vm0 =	veq.s32 v17, v1;
	vm1 =	vgt.s32 v20, $0x0;
	v13 =	vld.idx.msk [tilespmem:v8+s16+$0x0], $0xffff;
	[tilespmem:s24+$0xFFFFFFC0] =	vst v6  }
0xfc: {  	v1 =	vnsel vm1, $0x0, v20;
	v6 =	vld.idx.msk [tilespmem:v8+s14+$0x0], $0xffff  }
0xfd: {  	v1 =	vmin.u32 v1, $0x3E7;
	v8 =	vld.idx.msk [tilespmem:v14+s14+$0x0], $0xffff  }
0xfe: {  	v14 =	vld.idx.msk [tilespmem:v14+s16+$0x0], $0xffff  }
0xff: {  	vm1 =	veq.s32 v10, v18;
	v15 =	vld.idx.msk [tilespmem:v12+s14+$0x0], $0xffff  }
0x100: {  	s31 =	sadd.s32 $0x100, s31;
	v9 =	vnsel vm1, $0x0, v9;
	v10 =	vld.idx.msk [tilespmem:v12+s16+$0x0], $0xffff  }
0x101: {  	vm1 =	veq.s32 v3, v7;
	[tilespmem:s31+$0x0] =	vst v9;
	v3 =	vld [tilespmem:s28+$0xFFFFFFC0]  }
0x102: {  	v7 =	vnsel vm1, $0x0, v21;
	vm1 =	veq.s32 v6, v5;
	v18 =	vld [tilespmem:s0+$0x10]  }
0x103: {  	v5 =	vnsel vm1, $0x0, v13;
	vm1 =	veq.s32 v8, v11;
	v12 =	vld.idx.msk [tilespmem:v1+s14+$0x0], $0xffff;
	[tilespmem:s4+$0x20] =	vst v7  }
0x104: {  	v7 =	vld [tilespmem:s30+$0x30];
	[tilespmem:s26+$0x40] =	vst v5;
	v5 =	vnsel vm1, $0x0, v14  }
0x105: {  	vm1 =	veq.s32 v15, v19;
	v8 =	vld.idx.msk [tilespmem:v1+s16+$0x0], $0xffff;
	[tilespmem:s24+$0x54] =	vst v5  }
0x106: {  	v1 =	vnsel vm1, $0x0, v10;
	vm1 =	vgt.s32 v3, $0x0;
	v5 =	vld [tilespmem:s28+$0x50]  }
0x107: {  	[tilespmem:s31+$0xFFFFFF80] =	vst v1;
	vm2 =	vgt.s32 v18, $0x0;
	v6 =	vnsel vm1, $0x0, v3;
	v1 =	vld [tilespmem:s25+$0xFFFFFFD0]  }
0x108: {  	v9 =	vld [tilespmem:s0+$0xFFFFFF90];
	v10 =	vnsel vm2, $0x0, v18;
	v6 =	vmin.u32 v6, $0x3E7  }
0x109: {  	vm1 =	veq.s32 v12, v20;
	v10 =	vmin.u32 v10, $0x3E7;
	vm2 =	vgt.s32 v7, $0x0;
	v11 =	vld.idx.msk [tilespmem:v4+s16+$0x0], $0xffff  }
0x10a: {  	v4 =	vnsel vm2, $0x0, v7;
	v13 =	vld [tilespmem:s21+$0xFFFFFFD4];
	s21 =	smov.u32 s23;
	s23 =	smov.u32 s25;
	s25 =	smov.u32 s28  }
0x10b: {  	v8 =	vnsel vm1, $0x0, v8;
	s28 =	smov.u32 s30;
	s30 =	smov.u32 s0;
	v14 =	vmin.u32 v4, $0x3E7;
	vm1 =	vgt.s32 v5, $0x0;
	v17 =	vld.idx.msk [tilespmem:v2+s14+$0x0], $0xffff  }
0x10c: {  	[tilespmem:s4+$0xFFFFFFA0] =	vst v8;
	v4 =	vnsel vm1, $0x0, v5;
	vm1 =	vgt.s32 v1, $0x0;
	v19 =	vld.idx.msk [tilespmem:v2+s16+$0x0], $0xffff  }
0x10d: {  	vm2 =	vgt.s32 v9, $0x0;
	v8 =	vld [tilespmem:s28+$0xFFFFFFB0];
	v20 =	vmin.u32 v4, $0x3E7;
	v2 =	vnsel vm1, $0x0, v1  }
0x10e: {  	v12 =	vnsel vm2, $0x0, v9;
	v21 =	vld.idx.msk [tilespmem:v10+s14+$0x0], $0xffff;
	v4 =	vmin.u32 v2, $0x3E7  }
0x10f: {  	v2 =	vnsel vm0, $0x0, v11;
	v15 =	vmin.u32 v12, $0x3E7;
	v16 =	vld.idx.msk [tilespmem:v10+s16+$0x0], $0xffff;
	vm0 =	vgt.s32 v13, $0x0  }
.Ltmp0:
0x110: {  	v12 =	vld.idx.msk [tilespmem:v14+s14+$0x0], $0xffff;
	[tilespmem:s22+$0xFFFFFFD0] =	vst v2;
	v2 =	vnsel vm0, $0x0, v13;
	(pc) =	sbr.rel @p0 .LBB2_2-.Ltmp0, $4  }
0x111: {  	vm0 =	veq.s32 v17, v0;
	v0 =	vmov v13;
	v14 =	vld.idx.msk [tilespmem:v14+s16+$0x0], $0xffff;
	v2 =	vmin.u32 v2, $0x3E7  }
0x112: {  	v13 =	vnsel vm0, $0x0, v19;
	vm1 =	vgt.s32 v8, $0x0;
	v10 =	vld.idx.msk [tilespmem:v20+s14+$0x0], $0xffff  }
0x113: {  	v19 =	vnsel vm1, $0x0, v8;
	v11 =	vld.idx.msk [tilespmem:v20+s16+$0x0], $0xffff;
	[tilespmem:s19+$0xFFFFFFD4] =	vst v13;
	s19 =	smov.u32 s20;
	s20 =	smov.u32 s22;
	s22 =	smov.u32 s24  }
0x114: {  	s0 =	sadd.s32 $0x100, s0;
	vm0 =	veq.s32 v21, v18;
	s24 =	smov.u32 s26;
	s26 =	smov.u32 s4;
	v17 =	vld.idx.msk [tilespmem:v15+s14+$0x0], $0xffff;
	v13 =	vmin.u32 v19, $0x3E7  }
0x115: {  	v16 =	vnsel vm0, $0x0, v16  }
0x116: {  	[tilespmem:s31+$0x10] =	vst v16  }
0x117: {  	v16 =	vld [tilespmem:s30+$0x20];
	_ =	sdelay $0x3  }
0x118: {  	v15 =	vld.idx.msk [tilespmem:v15+s16+$0x0], $0xffff  }
0x119: {  	vm0 =	vgt.s32 v16, $0x0  }
0x11a: {  	v18 =	vnsel vm0, $0x0, v16  }
0x11b: {  	v18 =	vmin.u32 v18, $0x3E7  }
0x11c: {  	vm0 =	veq.s32 v17, v9  }
0x11d: {  	v9 =	vnsel vm0, $0x0, v15  }
0x11e: {  	[tilespmem:s31+$0xFFFFFF90] =	vst v9  }
0x11f: {  	v9 =	vld [tilespmem:s30+$0xFFFFFFA0]  }
0x120: {  	v15 =	vld.idx.msk [tilespmem:v18+s14+$0x0], $0xffff  }
0x121: {  	v17 =	vld.idx.msk [tilespmem:v18+s16+$0x0], $0xffff;
	_ =	sdelay $0x2  }
0x122: {  	vm0 =	vgt.s32 v9, $0x0  }
0x123: {  	v18 =	vnsel vm0, $0x0, v9;
	vm0 =	veq.s32 v15, v16  }
0x124: {  	v15 =	vmin.u32 v18, $0x3E7;
	v16 =	vnsel vm0, $0x0, v17  }
0x125: {  	[tilespmem:s31+$0x20] =	vst v16  }
0x126: {  	v16 =	vld [tilespmem:s30+$0x30];
	_ =	sdelay $0x2  }
0x127: {  	v17 =	vld.idx.msk [tilespmem:v15+s14+$0x0], $0xffff  }
0x128: {  	v15 =	vld.idx.msk [tilespmem:v15+s16+$0x0], $0xffff  }
0x129: {  	vm0 =	vgt.s32 v16, $0x0  }
0x12a: {  	v18 =	vnsel vm0, $0x0, v16  }
0x12b: {  	v18 =	vmin.u32 v18, $0x3E7  }
0x12c: {  	vm0 =	veq.s32 v17, v9  }
0x12d: {  	v9 =	vnsel vm0, $0x0, v15  }
0x12e: {  	[tilespmem:s31+$0xFFFFFFA0] =	vst v9  }
0x12f: {  	v9 =	vld [tilespmem:s30+$0xFFFFFFB0]  }
0x130: {  	vm0 =	veq.s32 v12, v7;
	v7 =	vld.idx.msk [tilespmem:v18+s14+$0x0], $0xffff  }
0x131: {  	v12 =	vnsel vm0, $0x0, v14;
	v14 =	vld.idx.msk [tilespmem:v18+s16+$0x0], $0xffff  }
0x132: {  	[tilespmem:s26+$0x30] =	vst v12  }
0x133: {  	v12 =	vld [tilespmem:s28+$0x40]  }
0x134: {  	vm0 =	vgt.s32 v9, $0x0  }
0x135: {  	v15 =	vnsel vm0, $0x0, v9;
	vm0 =	veq.s32 v7, v16  }
0x136: {  	v7 =	vmin.u32 v15, $0x3E7;
	v14 =	vnsel vm0, $0x0, v14  }
0x137: {  	[tilespmem:s31+$0x30] =	vst v14  }
0x138: {  	vm0 =	vgt.s32 v12, $0x0;
	v14 =	vld [tilespmem:s30+$0x40]  }
0x139: {  	v15 =	vld.idx.msk [tilespmem:v13+s14+$0x0], $0xffff;
	v16 =	vnsel vm0, $0x0, v12  }
0x13a: {  	v13 =	vld.idx.msk [tilespmem:v13+s16+$0x0], $0xffff;
	v16 =	vmin.u32 v16, $0x3E7  }
0x13b: {  	v17 =	vld.idx.msk [tilespmem:v7+s14+$0x0], $0xffff  }
0x13c: {  	v7 =	vld.idx.msk [tilespmem:v7+s16+$0x0], $0xffff  }
0x13d: {  	vm0 =	vgt.s32 v14, $0x0  }
0x13e: {  	vm1 =	veq.s32 v15, v8;
	v8 =	vnsel vm0, $0x0, v14  }
0x13f: {  	v13 =	vnsel vm1, $0x0, v13;
	v15 =	vld.idx.msk [tilespmem:v16+s16+$0x0], $0xffff;
	v8 =	vmin.u32 v8, $0x3E7  }
0x140: {  	[tilespmem:s26+$0xFFFFFFB0] =	vst v13;
	v13 =	vld.idx.msk [tilespmem:v16+s14+$0x0], $0xffff;
	vm0 =	veq.s32 v17, v9  }
0x141: {  	v9 =	vld [tilespmem:s28+$0xFFFFFFC0];
	v7 =	vnsel vm0, $0x0, v7  }
0x142: {  	[tilespmem:s31+$0xFFFFFFB0] =	vst v7  }
0x143: {  	v7 =	vld [tilespmem:s30+$0xFFFFFFC0]  }
0x144: {  	vm0 =	veq.s32 v10, v5;
	v5 =	vld.idx.msk [tilespmem:v8+s14+$0x0], $0xffff  }
0x145: {  	v10 =	vnsel vm0, $0x0, v11;
	vm0 =	veq.s32 v13, v12;
	v8 =	vld.idx.msk [tilespmem:v8+s16+$0x0], $0xffff  }
0x146: {  	[tilespmem:s24+$0x50] =	vst v10;
	v10 =	vnsel vm0, $0x0, v15;
	vm0 =	vgt.s32 v9, $0x0  }
0x147: {  	v11 =	vld [tilespmem:s25+$0x54];
	[tilespmem:s26+$0x40] =	vst v10;
	v10 =	vnsel vm0, $0x0, v9  }
0x148: {  	v12 =	vld [tilespmem:s28+$0x50];
	v10 =	vmin.u32 v10, $0x3E7;
	vm0 =	vgt.s32 v7, $0x0  }
0x149: {  	vm1 =	veq.s32 v5, v14;
	v5 =	vnsel vm0, $0x0, v7  }
0x14a: {  	v13 =	vld.idx.msk [tilespmem:v6+s14+$0x0], $0xffff;
	v8 =	vnsel vm1, $0x0, v8;
	v5 =	vmin.u32 v5, $0x3E7  }
0x14b: {  	v6 =	vld.idx.msk [tilespmem:v6+s16+$0x0], $0xffff;
	[tilespmem:s31+$0x40] =	vst v8  }
0x14c: {  	vm0 =	vgt.s32 v11, $0x0;
	v8 =	vld [tilespmem:s30+$0x50]  }
0x14d: {  	v14 =	vnsel vm0, $0x0, v11;
	vm0 =	vgt.s32 v12, $0x0;
	v15 =	vld.idx.msk [tilespmem:v10+s14+$0x0], $0xffff  }
0x14e: {  	v16 =	vnsel vm0, $0x0, v12;
	v10 =	vld.idx.msk [tilespmem:v10+s16+$0x0], $0xffff  }
0x14f: {  	vm0 =	veq.s32 v13, v3;
	v3 =	vmin.u32 v16, $0x3E7;
	v13 =	vld.idx.msk [tilespmem:v5+s14+$0x0], $0xffff  }
0x150: {  	v6 =	vnsel vm0, $0x0, v6;
	v5 =	vld.idx.msk [tilespmem:v5+s16+$0x0], $0xffff  }
0x151: {  	v16 =	vld.idx.msk [tilespmem:v4+s14+$0x0], $0xffff;
	[tilespmem:s24+$0xFFFFFFC0] =	vst v6;
	vm0 =	vgt.s32 v8, $0x0  }
0x152: {  	v6 =	vld [tilespmem:s25+$0xFFFFFFD0];
	vm1 =	veq.s32 v15, v9;
	v9 =	vnsel vm0, $0x0, v8  }
0x153: {  	v4 =	vld.idx.msk [tilespmem:v4+s16+$0x0], $0xffff;
	v10 =	vnsel vm1, $0x0, v10;
	v9 =	vmin.u32 v9, $0x3E7  }
0x154: {  	v17 =	vld.idx.msk [tilespmem:v3+s14+$0x0], $0xffff;
	[tilespmem:s26+$0xFFFFFFC0] =	vst v10;
	vm0 =	veq.s32 v13, v7  }
0x155: {  	v14 =	vmin.u32 v14, $0x3E7;
	v7 =	vld [tilespmem:s28+$0xFFFFFFD0];
	v5 =	vnsel vm0, $0x0, v5  }
0x156: {  	v3 =	vld.idx.msk [tilespmem:v3+s16+$0x0], $0xffff;
	[tilespmem:s31+$0xFFFFFFC0] =	vst v5  }
0x157: {  	vm0 =	vgt.s32 v6, $0x0;
	v5 =	vld [tilespmem:s30+$0xFFFFFFD0]  }
0x158: {  	v10 =	vnsel vm0, $0x0, v6;
	v13 =	vld.idx.msk [tilespmem:v9+s14+$0x0], $0xffff  }
0x159: {  	v10 =	vmin.u32 v10, $0x3E7;
	v9 =	vld.idx.msk [tilespmem:v9+s16+$0x0], $0xffff  }
0x15a: {  	v15 =	vld.idx.msk [tilespmem:v14+s14+$0x0], $0xffff;
	vm0 =	veq.s32 v17, v12;
	vm1 =	vgt.s32 v7, $0x0  }
0x15b: {  	v14 =	vld.idx.msk [tilespmem:v14+s16+$0x0], $0xffff;
	v3 =	vnsel vm0, $0x0, v3;
	v12 =	vnsel vm1, $0x0, v7  }
0x15c: {  	v17 =	vld [tilespmem:s21+$0xFFFFFFD4];
	[tilespmem:s26+$0x50] =	vst v3;
	v3 =	vmin.u32 v12, $0x3E7;
	vm0 =	vgt.s32 v5, $0x0  }
0x15d: {  	v12 =	vld [tilespmem:s28+$0x54];
	vm1 =	veq.s32 v13, v8;
	v8 =	vnsel vm0, $0x0, v5  }
0x15e: {  	v13 =	vld.idx.msk [tilespmem:v10+s14+$0x0], $0xffff;
	v9 =	vnsel vm1, $0x0, v9;
	v8 =	vmin.u32 v8, $0x3E7  }
0x15f: {  	v10 =	vld.idx.msk [tilespmem:v10+s16+$0x0], $0xffff;
	[tilespmem:s31+$0x50] =	vst v9  }
0x160: {  	v9 =	vld [tilespmem:s30+$0x54]  }
0x161: {  	v18 =	vld.idx.msk [tilespmem:v3+s14+$0x0], $0xffff  }
0x162: {  	vm0 =	veq.s32 v16, v1;
	v1 =	vld.idx.msk [tilespmem:v3+s16+$0x0], $0xffff  }
0x163: {  	v3 =	vnsel vm0, $0x0, v4;
	vm0 =	vgt.s32 v12, $0x0;
	v4 =	vld.idx.msk [tilespmem:v8+s14+$0x0], $0xffff  }
0x164: {  	[tilespmem:s22+$0xFFFFFFD0] =	vst v3;
	v3 =	vnsel vm0, $0x0, v12;
	vm0 =	veq.s32 v13, v6;
	v6 =	vld.idx.msk [tilespmem:v8+s16+$0x0], $0xffff  }
0x165: {  	v3 =	vmin.u32 v3, $0x3E7;
	v8 =	vld [tilespmem:s23+$0xFFFFFFD4];
	v10 =	vnsel vm0, $0x0, v10  }
0x166: {  	v13 =	vld.idx.msk [tilespmem:v2+s14+$0x0], $0xffff;
	vm0 =	vgt.s32 v17, $0x0;
	[tilespmem:s24+$0xFFFFFFD0] =	vst v10;
	vm1 =	veq.s32 v18, v7  }
0x167: {  	v7 =	vnsel vm0, $0x0, v17;
	v10 =	vld [tilespmem:s25+$0xFFFFFFD4];
	v1 =	vnsel vm1, $0x0, v1  }
0x168: {  	v2 =	vld.idx.msk [tilespmem:v2+s16+$0x0], $0xffff;
	vm0 =	vgt.s32 v9, $0x0;
	v7 =	vmin.u32 v7, $0x3E7;
	[tilespmem:s26+$0xFFFFFFD0] =	vst v1;
	vm1 =	veq.s32 v4, v5  }
0x169: {  	v1 =	vnsel vm0, $0x0, v9;
	v4 =	vld [tilespmem:s28+$0xFFFFFFD4];
	v5 =	vnsel vm1, $0x0, v6  }
0x16a: {  	vm0 =	vgt.s32 v8, $0x0;
	v1 =	vmin.u32 v1, $0x3E7;
	v6 =	vld.idx.msk [tilespmem:v3+s14+$0x0], $0xffff;
	[tilespmem:s31+$0xFFFFFFD0] =	vst v5  }
0x16b: {  	v5 =	vnsel vm0, $0x0, v8;
	v16 =	vld [tilespmem:s30+$0xFFFFFFD4]  }
0x16c: {  	v3 =	vld.idx.msk [tilespmem:v3+s16+$0x0], $0xffff;
	vm0 =	vgt.s32 v10, $0x0;
	v5 =	vmin.u32 v5, $0x3E7  }
0x16d: {  	v18 =	vld.idx.msk [tilespmem:v7+s14+$0x0], $0xffff;
	v19 =	vnsel vm0, $0x0, v10  }
0x16e: {  	v7 =	vld.idx.msk [tilespmem:v7+s16+$0x0], $0xffff;
	v19 =	vmin.u32 v19, $0x3E7;
	vm0 =	vgt.s32 v4, $0x0  }
0x16f: {  	v20 =	vld.idx.msk [tilespmem:v1+s14+$0x0], $0xffff;
	v21 =	vnsel vm0, $0x0, v4  }
0x170: {  	v1 =	vld.idx.msk [tilespmem:v1+s16+$0x0], $0xffff;
	v21 =	vmin.u32 v21, $0x3E7;
	vm0 =	vgt.s32 v16, $0x0  }
0x171: {  	v22 =	vld.idx.msk [tilespmem:v5+s14+$0x0], $0xffff;
	v23 =	vnsel vm0, $0x0, v16  }
0x172: {  	v5 =	vld.idx.msk [tilespmem:v5+s16+$0x0], $0xffff;
	v23 =	vmin.u32 v23, $0x3E7  }
0x173: {  	v24 =	vld.idx.msk [tilespmem:v19+s14+$0x0], $0xffff  }
0x174: {  	vm0 =	veq.s32 v15, v11;
	v11 =	vld.idx.msk [tilespmem:v19+s16+$0x0], $0xffff  }
0x175: {  	v14 =	vnsel vm0, $0x0, v14;
	vm0 =	veq.s32 v13, v0;
	v0 =	vld.idx.msk [tilespmem:v21+s14+$0x0], $0xffff  }
0x176: {  	[tilespmem:s24+$0x54] =	vst v14;
	v2 =	vnsel vm0, $0x0, v2;
	vm0 =	veq.s32 v6, v12;
	v6 =	vld.idx.msk [tilespmem:v21+s16+$0x0], $0xffff  }
0x177: {  	[tilespmem:s19+$0xFFFFFFD4] =	vst v2;
	v2 =	vnsel vm0, $0x0, v3;
	vm0 =	veq.s32 v18, v17;
	v3 =	vld.idx.msk [tilespmem:v23+s14+$0x0], $0xffff  }
0x178: {  	[tilespmem:s26+$0x54] =	vst v2;
	v2 =	vnsel vm0, $0x0, v7;
	vm0 =	veq.s32 v20, v9;
	v7 =	vld.idx.msk [tilespmem:v23+s16+$0x0], $0xffff  }
0x179: {  	[tilespmem:s20+$0xFFFFFFD4] =	vst v2;
	v1 =	vnsel vm0, $0x0, v1;
	vm0 =	veq.s32 v22, v8  }
0x17a: {  	[tilespmem:s31+$0x54] =	vst v1;
	v1 =	vnsel vm0, $0x0, v5;
	vm0 =	veq.s32 v24, v10  }
0x17b: {  	[tilespmem:s22+$0xFFFFFFD4] =	vst v1;
	v1 =	vnsel vm0, $0x0, v11;
	vm0 =	veq.s32 v0, v4  }
0x17c: {  	[tilespmem:s24+$0xFFFFFFD4] =	vst v1;
	v0 =	vnsel vm0, $0x0, v6;
	vm0 =	veq.s32 v3, v16  }
0x17d: {  	[tilespmem:s26+$0xFFFFFFD4] =	vst v0;
	v0 =	vnsel vm0, $0x0, v7  }
0x17e: {  	[tilespmem:s31+$0xFFFFFFD4] =	vst v0  }
0x17f: {  	[hbm4b:s6+s3] =	stream.linear.scatter [tilespmem:s17], [sflag:$0x1], $0x4000, $0x38;
	[tilespmem:$0x8800] =	vst v63  }
0x180: {  	_ =	swait.ge [sflag:s15], $0x4000  }
0x181: {  	[sflag:s15] =	ssyncset.done $0x0  }
0x182: {  	[sflag:s15] =	ssyncadd.s32 $0xFFFFC000  }
0x183: {  	[tilespmem:s3], [sflag:$0x1] =	stream.linear.gather [hbm4b:s7+s3], $0x4000, $0x38;
	[tilespmem:$0x8800] =	vst v63  }
0x184: {  	_ =	swait.ge [sflag:s15], $0x4000  }
0x185: {  	[sflag:s15] =	ssyncset.done $0x0  }
0x186: {  	s29 =	simm.s32 $0x80;
	[sflag:s15] =	ssyncadd.s32 $0xFFFFC000  }
0x187: {  	v0 =	vld [tilespmem:s29+$0x0];
	_ =	sdelay $0x4  }
0x188: {  	vm0 =	vgt.s32 v0, $0x0  }
0x189: {  	v1 =	vnsel vm0, $0x0, v0  }
0x18a: {  	v1 =	vmin.u32 v1, $0x3E7;
	_ =	sdelay $0x4  }
0x18b: {  	v2 =	vld.idx.msk [tilespmem:v1+s14+$0x0], $0xffff  }
0x18c: {  	v1 =	vld.idx.msk [tilespmem:v1+s16+$0x0], $0xffff  }
0x18d: {  	v3 =	vld [tilespmem:s29+$0xFFFFFF80];
	_ =	sdelay $0x2  }
0x18e: {  	vm0 =	veq.s32 v2, v0  }
0x18f: {  	s19 =	simm.s32 $0x4080;
	v0 =	vnsel vm0, $0x0, v1  }
0x190: {  	vm0 =	vgt.s32 v3, $0x0;
	[tilespmem:s19+$0x0] =	vst v0  }
0x191: {  	v0 =	vnsel vm0, $0x0, v3;
	v1 =	vld [tilespmem:s29+$0x10]  }
0x192: {  	v0 =	vmin.u32 v0, $0x3E7;
	_ =	sdelay $0x3  }
0x193: {  	vm0 =	vgt.s32 v1, $0x0  }
0x194: {  	v2 =	vld.idx.msk [tilespmem:v0+s14+$0x0], $0xffff;
	v4 =	vnsel vm0, $0x0, v1  }
0x195: {  	v0 =	vld.idx.msk [tilespmem:v0+s16+$0x0], $0xffff;
	v4 =	vmin.u32 v4, $0x3E7;
	_ =	sdelay $0x3  }
0x196: {  	vm0 =	veq.s32 v2, v3  }
0x197: {  	v0 =	vnsel vm0, $0x0, v0;
	v2 =	vld.idx.msk [tilespmem:v4+s14+$0x0], $0xffff  }
0x198: {  	[tilespmem:s19+$0xFFFFFF80] =	vst v0;
	v0 =	vld.idx.msk [tilespmem:v4+s16+$0x0], $0xffff  }
0x199: {  	v3 =	vld [tilespmem:s29+$0xFFFFFF90];
	_ =	sdelay $0x2  }
0x19a: {  	s21 =	simm.s32 $0x180;
	vm0 =	veq.s32 v2, v1  }
0x19b: {  	v1 =	vld [tilespmem:s21+$0x0];
	v0 =	vnsel vm0, $0x0, v0  }
0x19c: {  	vm0 =	vgt.s32 v3, $0x0;
	[tilespmem:s19+$0x10] =	vst v0  }
0x19d: {  	v0 =	vnsel vm0, $0x0, v3;
	v2 =	vld [tilespmem:s29+$0x20]  }
0x19e: {  	v0 =	vmin.u32 v0, $0x3E7;
	_ =	sdelay $0x1  }
0x19f: {  	vm0 =	vgt.s32 v1, $0x0  }
0x1a0: {  	v4 =	vld [tilespmem:s21+$0xFFFFFF80];
	v5 =	vnsel vm0, $0x0, v1  }
0x1a1: {  	v5 =	vmin.u32 v5, $0x3E7;
	vm0 =	vgt.s32 v2, $0x0  }
0x1a2: {  	v6 =	vld.idx.msk [tilespmem:v0+s14+$0x0], $0xffff;
	v7 =	vnsel vm0, $0x0, v2  }
0x1a3: {  	v0 =	vld.idx.msk [tilespmem:v0+s16+$0x0], $0xffff;
	v7 =	vmin.u32 v7, $0x3E7;
	_ =	sdelay $0x1  }
0x1a4: {  	vm0 =	vgt.s32 v4, $0x0  }
0x1a5: {  	v8 =	vnsel vm0, $0x0, v4;
	v9 =	vld.idx.msk [tilespmem:v5+s14+$0x0], $0xffff  }
0x1a6: {  	v8 =	vmin.u32 v8, $0x3E7;
	v5 =	vld.idx.msk [tilespmem:v5+s16+$0x0], $0xffff;
	vm0 =	veq.s32 v6, v3  }
0x1a7: {  	v0 =	vnsel vm0, $0x0, v0;
	v3 =	vld.idx.msk [tilespmem:v7+s14+$0x0], $0xffff  }
0x1a8: {  	[tilespmem:s19+$0xFFFFFF90] =	vst v0;
	v0 =	vld.idx.msk [tilespmem:v7+s16+$0x0], $0xffff  }
0x1a9: {  	v6 =	vld [tilespmem:s29+$0xFFFFFFA0]  }
0x1aa: {  	vm0 =	veq.s32 v9, v1  }
0x1ab: {  	s20 =	simm.s32 $0x4180;
	v1 =	vld.idx.msk [tilespmem:v8+s14+$0x0], $0xffff;
	v5 =	vnsel vm0, $0x0, v5  }
0x1ac: {  	v7 =	vld.idx.msk [tilespmem:v8+s16+$0x0], $0xffff;
	[tilespmem:s20+$0x0] =	vst v5;
	vm0 =	veq.s32 v3, v2  }
0x1ad: {  	v2 =	vld [tilespmem:s21+$0x10];
	v0 =	vnsel vm0, $0x0, v0  }
0x1ae: {  	vm0 =	vgt.s32 v6, $0x0;
	[tilespmem:s19+$0x20] =	vst v0  }
0x1af: {  	v0 =	vnsel vm0, $0x0, v6;
	v3 =	vld [tilespmem:s29+$0x30]  }
0x1b0: {  	vm0 =	veq.s32 v1, v4;
	v0 =	vmin.u32 v0, $0x3E7  }
0x1b1: {  	v1 =	vnsel vm0, $0x0, v7  }
0x1b2: {  	[tilespmem:s20+$0xFFFFFF80] =	vst v1;
	vm0 =	vgt.s32 v2, $0x0  }
0x1b3: {  	v1 =	vld [tilespmem:s21+$0xFFFFFF90];
	v4 =	vnsel vm0, $0x0, v2  }
0x1b4: {  	v4 =	vmin.u32 v4, $0x3E7;
	vm0 =	vgt.s32 v3, $0x0  }
0x1b5: {  	v5 =	vld.idx.msk [tilespmem:v0+s14+$0x0], $0xffff;
	v7 =	vnsel vm0, $0x0, v3  }
0x1b6: {  	v0 =	vld.idx.msk [tilespmem:v0+s16+$0x0], $0xffff;
	v7 =	vmin.u32 v7, $0x3E7;
	_ =	sdelay $0x1  }
0x1b7: {  	vm0 =	vgt.s32 v1, $0x0  }
0x1b8: {  	v8 =	vnsel vm0, $0x0, v1;
	v9 =	vld.idx.msk [tilespmem:v4+s14+$0x0], $0xffff  }
0x1b9: {  	v8 =	vmin.u32 v8, $0x3E7;
	v4 =	vld.idx.msk [tilespmem:v4+s16+$0x0], $0xffff;
	vm0 =	veq.s32 v5, v6  }
0x1ba: {  	v0 =	vnsel vm0, $0x0, v0;
	v5 =	vld.idx.msk [tilespmem:v7+s14+$0x0], $0xffff  }
0x1bb: {  	[tilespmem:s19+$0xFFFFFFA0] =	vst v0;
	v0 =	vld.idx.msk [tilespmem:v7+s16+$0x0], $0xffff  }
0x1bc: {  	s23 =	simm.s32 $0x280;
	v6 =	vld [tilespmem:s29+$0xFFFFFFB0]  }
0x1bd: {  	v7 =	vld [tilespmem:s23+$0x0];
	vm0 =	veq.s32 v9, v2  }
0x1be: {  	v2 =	vld.idx.msk [tilespmem:v8+s14+$0x0], $0xffff;
	v4 =	vnsel vm0, $0x0, v4  }
0x1bf: {  	[tilespmem:s20+$0x10] =	vst v4;
	v4 =	vld.idx.msk [tilespmem:v8+s16+$0x0], $0xffff;
	vm0 =	veq.s32 v5, v3  }
0x1c0: {  	v3 =	vld [tilespmem:s21+$0x20];
	v0 =	vnsel vm0, $0x0, v0  }
0x1c1: {  	vm0 =	vgt.s32 v6, $0x0;
	[tilespmem:s19+$0x30] =	vst v0  }
0x1c2: {  	v0 =	vnsel vm0, $0x0, v6;
	v5 =	vld [tilespmem:s29+$0x40]  }
0x1c3: {  	vm0 =	vgt.s32 v7, $0x0;
	v0 =	vmin.u32 v0, $0x3E7  }
0x1c4: {  	v8 =	vld [tilespmem:s23+$0xFFFFFF80];
	vm1 =	veq.s32 v2, v1;
	v1 =	vnsel vm0, $0x0, v7  }
0x1c5: {  	v1 =	vmin.u32 v1, $0x3E7;
	v2 =	vnsel vm1, $0x0, v4;
	vm0 =	vgt.s32 v3, $0x0  }
0x1c6: {  	[tilespmem:s20+$0xFFFFFF90] =	vst v2;
	v4 =	vnsel vm0, $0x0, v3  }
0x1c7: {  	v2 =	vmin.u32 v4, $0x3E7;
	v4 =	vld [tilespmem:s21+$0xFFFFFFA0];
	vm0 =	vgt.s32 v5, $0x0  }
0x1c8: {  	v9 =	vld.idx.msk [tilespmem:v0+s14+$0x0], $0xffff;
	v10 =	vnsel vm0, $0x0, v5  }
0x1c9: {  	v0 =	vld.idx.msk [tilespmem:v0+s16+$0x0], $0xffff;
	vm0 =	vgt.s32 v8, $0x0;
	v10 =	vmin.u32 v10, $0x3E7  }
0x1ca: {  	v12 =	vld.idx.msk [tilespmem:v1+s14+$0x0], $0xffff;
	v11 =	vnsel vm0, $0x0, v8  }
0x1cb: {  	v1 =	vld.idx.msk [tilespmem:v1+s16+$0x0], $0xffff;
	v11 =	vmin.u32 v11, $0x3E7  }
0x1cc: {  	v13 =	vld.idx.msk [tilespmem:v2+s14+$0x0], $0xffff;
	vm0 =	vgt.s32 v4, $0x0  }
0x1cd: {  	v2 =	vld.idx.msk [tilespmem:v2+s16+$0x0], $0xffff;
	v14 =	vnsel vm0, $0x0, v4  }
0x1ce: {  	v14 =	vmin.u32 v14, $0x3E7;
	v15 =	vld.idx.msk [tilespmem:v10+s14+$0x0], $0xffff  }
0x1cf: {  	vm0 =	veq.s32 v12, v7;
	v10 =	vld.idx.msk [tilespmem:v10+s16+$0x0], $0xffff  }
0x1d0: {  	s22 =	simm.s32 $0x4280;
	v1 =	vnsel vm0, $0x0, v1;
	v7 =	vld.idx.msk [tilespmem:v11+s14+$0x0], $0xffff  }
0x1d1: {  	v11 =	vld.idx.msk [tilespmem:v11+s16+$0x0], $0xffff;
	[tilespmem:s22+$0x0] =	vst v1;
	vm0 =	veq.s32 v13, v3  }
0x1d2: {  	v1 =	vld [tilespmem:s23+$0x10];
	v2 =	vnsel vm0, $0x0, v2  }
0x1d3: {  	v3 =	vld.idx.msk [tilespmem:v14+s14+$0x0], $0xffff;
	[tilespmem:s20+$0x20] =	vst v2;
	vm0 =	veq.s32 v15, v5  }
0x1d4: {  	v5 =	vld [tilespmem:s21+$0x30];
	v2 =	vnsel vm0, $0x0, v10  }
0x1d5: {  	vm0 =	veq.s32 v7, v8;
	[tilespmem:s19+$0x40] =	vst v2;
	v2 =	vld.idx.msk [tilespmem:v14+s16+$0x0], $0xffff  }
0x1d6: {  	v7 =	vnsel vm0, $0x0, v11;
	v8 =	vld [tilespmem:s29+$0x50]  }
0x1d7: {  	vm0 =	vgt.s32 v1, $0x0;
	[tilespmem:s22+$0xFFFFFF80] =	vst v7  }
0x1d8: {  	v10 =	vnsel vm0, $0x0, v1;
	v7 =	vld [tilespmem:s23+$0xFFFFFF90]  }
0x1d9: {  	vm0 =	veq.s32 v9, v6;
	v6 =	vmin.u32 v10, $0x3E7;
	vm1 =	vgt.s32 v5, $0x0  }
0x1da: {  	s25 =	simm.s32 $0x380;
	v0 =	vnsel vm0, $0x0, v0;
	vm0 =	veq.s32 v3, v4;
	v3 =	vnsel vm1, $0x0, v5  }
0x1db: {  	v13 =	vld [tilespmem:s25+$0x0];
	[tilespmem:s19+$0xFFFFFFB0] =	vst v0;
	v0 =	vnsel vm0, $0x0, v2;
	v2 =	vmin.u32 v3, $0x3E7;
	vm0 =	vgt.s32 v8, $0x0  }
0x1dc: {  	v3 =	vld [tilespmem:s29+$0xFFFFFFC0];
	[tilespmem:s20+$0xFFFFFFA0] =	vst v0;
	v0 =	vnsel vm0, $0x0, v8  }
0x1dd: {  	vm0 =	vgt.s32 v7, $0x0;
	v4 =	vld [tilespmem:s21+$0xFFFFFFB0];
	v0 =	vmin.u32 v0, $0x3E7  }
0x1de: {  	v10 =	vld.idx.msk [tilespmem:v6+s14+$0x0], $0xffff;
	v9 =	vnsel vm0, $0x0, v7  }
0x1df: {  	v6 =	vld.idx.msk [tilespmem:v6+s16+$0x0], $0xffff;
	v9 =	vmin.u32 v9, $0x3E7  }
0x1e0: {  	v11 =	vld.idx.msk [tilespmem:v2+s14+$0x0], $0xffff  }
0x1e1: {  	v2 =	vld.idx.msk [tilespmem:v2+s16+$0x0], $0xffff  }
0x1e2: {  	v12 =	vld.idx.msk [tilespmem:v0+s14+$0x0], $0xffff  }
0x1e3: {  	vm0 =	veq.s32 v10, v1;
	vm1 =	vgt.s32 v4, $0x0;
	v0 =	vld.idx.msk [tilespmem:v0+s16+$0x0], $0xffff  }
0x1e4: {  	v6 =	vnsel vm0, $0x0, v6;
	v10 =	vnsel vm1, $0x0, v4;
	v1 =	vld.idx.msk [tilespmem:v9+s14+$0x0], $0xffff  }
0x1e5: {  	[tilespmem:s22+$0x10] =	vst v6;
	v6 =	vmin.u32 v10, $0x3E7;
	v9 =	vld.idx.msk [tilespmem:v9+s16+$0x0], $0xffff;
	vm0 =	veq.s32 v11, v5  }
0x1e6: {  	s30 =	simm.s32 $0x580;
	v5 =	vld [tilespmem:s23+$0x20];
	v2 =	vnsel vm0, $0x0, v2  }
0x1e7: {  	v53 =	vld [tilespmem:s30+$0x0];
	vm0 =	vgt.s32 v3, $0x0;
	[tilespmem:s20+$0x30] =	vst v2  }
0x1e8: {  	v2 =	vnsel vm0, $0x0, v3;
	vm0 =	veq.s32 v12, v8;
	v8 =	vld [tilespmem:s21+$0x40]  }
0x1e9: {  	v10 =	vld [tilespmem:s25+$0xFFFFFF80];
	v2 =	vmin.u32 v2, $0x3E7;
	v0 =	vnsel vm0, $0x0, v0;
	vm0 =	vgt.s32 v13, $0x0  }
0x1ea: {  	vm1 =	veq.s32 v1, v7;
	v1 =	vld.idx.msk [tilespmem:v6+s14+$0x0], $0xffff;
	v7 =	vnsel vm0, $0x0, v13  }
0x1eb: {  	v6 =	vld.idx.msk [tilespmem:v6+s16+$0x0], $0xffff;
	[tilespmem:s19+$0x50] =	vst v0;
	vm0 =	vgt.s32 v5, $0x0;
	v9 =	vnsel vm1, $0x0, v9;
	v7 =	vmin.u32 v7, $0x3E7  }
0x1ec: {  	v0 =	vld [tilespmem:s29+$0x54];
	v11 =	vnsel vm0, $0x0, v5;
	[tilespmem:s22+$0xFFFFFF90] =	vst v9  }
0x1ed: {  	v9 =	vmin.u32 v11, $0x3E7;
	v11 =	vld [tilespmem:s23+$0xFFFFFFA0];
	vm0 =	vgt.s32 v8, $0x0  }
0x1ee: {  	v12 =	vld.idx.msk [tilespmem:v2+s14+$0x0], $0xffff;
	v14 =	vnsel vm0, $0x0, v8  }
0x1ef: {  	v2 =	vld.idx.msk [tilespmem:v2+s16+$0x0], $0xffff;
	vm0 =	vgt.s32 v10, $0x0;
	v14 =	vmin.u32 v14, $0x3E7  }
0x1f0: {  	v15 =	vnsel vm0, $0x0, v10;
	v16 =	vld.idx.msk [tilespmem:v7+s14+$0x0], $0xffff  }
0x1f1: {  	v15 =	vmin.u32 v15, $0x3E7;
	v7 =	vld.idx.msk [tilespmem:v7+s16+$0x0], $0xffff  }
0x1f2: {  	v17 =	vld.idx.msk [tilespmem:v9+s14+$0x0], $0xffff;
	vm0 =	vgt.s32 v11, $0x0  }
0x1f3: {  	v9 =	vld.idx.msk [tilespmem:v9+s16+$0x0], $0xffff;
	v18 =	vnsel vm0, $0x0, v11  }
0x1f4: {  	v18 =	vmin.u32 v18, $0x3E7;
	v19 =	vld.idx.msk [tilespmem:v14+s14+$0x0], $0xffff  }
0x1f5: {  	v14 =	vld.idx.msk [tilespmem:v14+s16+$0x0], $0xffff;
	vm0 =	veq.s32 v16, v13  }
0x1f6: {  	s24 =	simm.s32 $0x4380;
	v13 =	vld.idx.msk [tilespmem:v15+s14+$0x0], $0xffff;
	v7 =	vnsel vm0, $0x0, v7  }
0x1f7: {  	v15 =	vld.idx.msk [tilespmem:v15+s16+$0x0], $0xffff;
	vm0 =	veq.s32 v17, v5;
	[tilespmem:s24+$0x0] =	vst v7  }
0x1f8: {  	vm1 =	vgt.s32 v0, $0x0;
	v7 =	vnsel vm0, $0x0, v9;
	v5 =	vld [tilespmem:s25+$0x10]  }
0x1f9: {  	v9 =	vnsel vm1, $0x0, v0;
	[tilespmem:s22+$0x20] =	vst v7;
	vm0 =	veq.s32 v19, v8;
	v8 =	vld.idx.msk [tilespmem:v18+s14+$0x0], $0xffff  }
0x1fa: {  	v7 =	vmin.u32 v9, $0x3E7;
	v9 =	vnsel vm0, $0x0, v14;
	v14 =	vld [tilespmem:s23+$0x30]  }
0x1fb: {  	vm0 =	veq.s32 v13, v10;
	[tilespmem:s20+$0x40] =	vst v9;
	v9 =	vld.idx.msk [tilespmem:v18+s16+$0x0], $0xffff  }
0x1fc: {  	s28 =	simm.s32 $0x480;
	v10 =	vnsel vm0, $0x0, v15;
	v13 =	vld [tilespmem:s21+$0x50]  }
0x1fd: {  	v17 =	vld [tilespmem:s28+$0x0];
	vm0 =	veq.s32 v1, v4;
	[tilespmem:s24+$0xFFFFFF80] =	vst v10;
	vm1 =	vgt.s32 v5, $0x0  }
0x1fe: {  	v1 =	vnsel vm0, $0x0, v6;
	v6 =	vld [tilespmem:s25+$0xFFFFFF90];
	v10 =	vnsel vm1, $0x0, v5  }
0x1ff: {  	vm0 =	veq.s32 v12, v3;
	v4 =	vld.idx.msk [tilespmem:v7+s14+$0x0], $0xffff;
	v3 =	vmin.u32 v10, $0x3E7;
	vm1 =	vgt.s32 v14, $0x0  }
0x200: {  	[tilespmem:s20+$0xFFFFFFB0] =	vst v1;
	v1 =	vnsel vm0, $0x0, v2;
	v2 =	vld.idx.msk [tilespmem:v7+s16+$0x0], $0xffff;
	vm0 =	veq.s32 v8, v11;
	v7 =	vnsel vm1, $0x0, v14  }
0x201: {  	[tilespmem:s19+$0xFFFFFFC0] =	vst v1;
	v10 =	vld [tilespmem:s21+$0xFFFFFFC0];
	v8 =	vnsel vm0, $0x0, v9;
	v7 =	vmin.u32 v7, $0x3E7;
	vm0 =	vgt.s32 v13, $0x0  }
0x202: {  	v1 =	vld [tilespmem:s29+$0xFFFFFFD0];
	[tilespmem:s22+$0xFFFFFFA0] =	vst v8;
	v8 =	vnsel vm0, $0x0, v13  }
0x203: {  	vm0 =	vgt.s32 v6, $0x0;
	v9 =	vld [tilespmem:s23+$0xFFFFFFB0];
	v8 =	vmin.u32 v8, $0x3E7  }
0x204: {  	v11 =	vnsel vm0, $0x0, v6;
	v12 =	vld.idx.msk [tilespmem:v3+s14+$0x0], $0xffff  }
0x205: {  	v11 =	vmin.u32 v11, $0x3E7;
	v3 =	vld.idx.msk [tilespmem:v3+s16+$0x0], $0xffff  }
0x206: {  	v15 =	vld.idx.msk [tilespmem:v7+s14+$0x0], $0xffff  }
0x207: {  	v7 =	vld.idx.msk [tilespmem:v7+s16+$0x0], $0xffff  }
0x208: {  	v16 =	vld.idx.msk [tilespmem:v8+s14+$0x0], $0xffff  }
0x209: {  	vm0 =	vgt.s32 v9, $0x0;
	v8 =	vld.idx.msk [tilespmem:v8+s16+$0x0], $0xffff;
	vm1 =	veq.s32 v12, v5  }
0x20a: {  	v5 =	vnsel vm0, $0x0, v9;
	v12 =	vld.idx.msk [tilespmem:v11+s14+$0x0], $0xffff;
	v3 =	vnsel vm1, $0x0, v3  }
0x20b: {  	v11 =	vld.idx.msk [tilespmem:v11+s16+$0x0], $0xffff;
	v5 =	vmin.u32 v5, $0x3E7;
	[tilespmem:s24+$0x10] =	vst v3;
	vm1 =	veq.s32 v15, v14  }
0x20c: {  	vm0 =	vgt.s32 v10, $0x0;
	v14 =	vld [tilespmem:s25+$0x20];
	v7 =	vnsel vm1, $0x0, v7  }
0x20d: {  	v54 =	vld [tilespmem:s30+$0xFFFFFF80];
	v3 =	vnsel vm0, $0x0, v10;
	[tilespmem:s22+$0x30] =	vst v7  }
0x20e: {  	v3 =	vmin.u32 v3, $0x3E7;
	vm0 =	veq.s32 v16, v13;
	v7 =	vld [tilespmem:s23+$0x40]  }
0x20f: {  	v15 =	vld [tilespmem:s28+$0xFFFFFF80];
	vm1 =	vgt.s32 v1, $0x0;
	v8 =	vnsel vm0, $0x0, v8;
	vm0 =	vgt.s32 v17, $0x0  }
0x210: {  	v13 =	vnsel vm1, $0x0, v1;
	vm1 =	veq.s32 v12, v6;
	v16 =	vld.idx.msk [tilespmem:v5+s14+$0x0], $0xffff;
	[tilespmem:s20+$0x50] =	vst v8;
	v8 =	vnsel vm0, $0x0, v17  }
0x211: {  	v5 =	vld.idx.msk [tilespmem:v5+s16+$0x0], $0xffff;
	v11 =	vnsel vm1, $0x0, v11;
	v8 =	vmin.u32 v8, $0x3E7;
	vm0 =	vgt.s32 v14, $0x0  }
0x212: {  	v6 =	vld [tilespmem:s21+$0x54];
	[tilespmem:s24+$0xFFFFFF90] =	vst v11;
	v12 =	vnsel vm0, $0x0, v14  }
0x213: {  	v11 =	vmin.u32 v12, $0x3E7;
	vm0 =	vgt.s32 v7, $0x0;
	v12 =	vld [tilespmem:s25+$0xFFFFFFA0]  }
0x214: {  	v18 =	vld.idx.msk [tilespmem:v3+s14+$0x0], $0xffff;
	v42 =	vnsel vm0, $0x0, v7  }
0x215: {  	v19 =	vld.idx.msk [tilespmem:v3+s16+$0x0], $0xffff;
	vm0 =	vgt.s32 v15, $0x0;
	v20 =	vmin.u32 v42, $0x3E7  }
0x216: {  	v43 =	vnsel vm0, $0x0, v15;
	v44 =	vld.idx.msk [tilespmem:v8+s14+$0x0], $0xffff  }
0x217: {  	v8 =	vld.idx.msk [tilespmem:v8+s16+$0x0], $0xffff;
	v21 =	vmin.u32 v43, $0x3E7  }
0x218: {  	v45 =	vld.idx.msk [tilespmem:v11+s14+$0x0], $0xffff;
	vm0 =	vgt.s32 v12, $0x0  }
0x219: {  	v11 =	vld.idx.msk [tilespmem:v11+s16+$0x0], $0xffff;
	v46 =	vnsel vm0, $0x0, v12  }
0x21a: {  	v25 =	vld.idx.msk [tilespmem:v20+s14+$0x0], $0xffff;
	v24 =	vmin.u32 v46, $0x3E7  }
0x21b: {  	v20 =	vld.idx.msk [tilespmem:v20+s16+$0x0], $0xffff;
	vm0 =	veq.s32 v44, v17  }
0x21c: {  	s26 =	simm.s32 $0x4480;
	vm1 =	vgt.s32 v6, $0x0;
	v17 =	vld.idx.msk [tilespmem:v21+s14+$0x0], $0xffff;
	v8 =	vnsel vm0, $0x0, v8  }
0x21d: {  	v47 =	vnsel vm1, $0x0, v6;
	v21 =	vld.idx.msk [tilespmem:v21+s16+$0x0], $0xffff;
	[tilespmem:s26+$0x0] =	vst v8;
	vm0 =	veq.s32 v45, v14  }
0x21e: {  	v14 =	vmin.u32 v47, $0x3E7;
	v48 =	vld [tilespmem:s28+$0x10];
	v8 =	vnsel vm0, $0x0, v11  }
0x21f: {  	vm0 =	veq.s32 v25, v7;
	v7 =	vld.idx.msk [tilespmem:v24+s14+$0x0], $0xffff;
	[tilespmem:s24+$0x20] =	vst v8  }
0x220: {  	v8 =	vnsel vm0, $0x0, v20;
	v49 =	vld [tilespmem:s25+$0x30]  }
0x221: {  	v13 =	vmin.u32 v13, $0x3E7;
	vm0 =	veq.s32 v17, v15;
	v15 =	vld.idx.msk [tilespmem:v24+s16+$0x0], $0xffff;
	[tilespmem:s22+$0x40] =	vst v8  }
0x222: {  	v17 =	vld [tilespmem:s23+$0x50]  }
0x223: {  	v11 =	vnsel vm0, $0x0, v21;
	vm0 =	veq.s32 v16, v9;
	v8 =	vld.idx.msk [tilespmem:v14+s14+$0x0], $0xffff;
	vm1 =	vgt.s32 v48, $0x0  }
0x224: {  	[tilespmem:s26+$0xFFFFFF80] =	vst v11;
	v5 =	vnsel vm0, $0x0, v5;
	vm0 =	veq.s32 v18, v10;
	v10 =	vld.idx.msk [tilespmem:v14+s16+$0x0], $0xffff;
	v11 =	vnsel vm1, $0x0, v48  }
0x225: {  	v9 =	vld [tilespmem:s28+$0xFFFFFF90];
	[tilespmem:s22+$0xFFFFFFB0] =	vst v5;
	v5 =	vnsel vm0, $0x0, v19;
	v14 =	vmin.u32 v11, $0x3E7;
	vm0 =	vgt.s32 v49, $0x0  }
0x226: {  	v3 =	vld.idx.msk [tilespmem:v13+s14+$0x0], $0xffff;
	[tilespmem:s20+$0xFFFFFFC0] =	vst v5;
	vm1 =	veq.s32 v7, v12;
	v5 =	vnsel vm0, $0x0, v49  }
0x227: {  	v16 =	vld [tilespmem:s23+$0xFFFFFFC0];
	v7 =	vnsel vm1, $0x0, v15;
	v5 =	vmin.u32 v5, $0x3E7  }
0x228: {  	v12 =	vld.idx.msk [tilespmem:v13+s16+$0x0], $0xffff;
	[tilespmem:s24+$0xFFFFFFA0] =	vst v7;
	vm0 =	vgt.s32 v17, $0x0  }
0x229: {  	v13 =	vld [tilespmem:s25+$0xFFFFFFB0];
	v7 =	vnsel vm0, $0x0, v17  }
0x22a: {  	vm0 =	vgt.s32 v9, $0x0;
	v7 =	vmin.u32 v7, $0x3E7;
	v18 =	vld.idx.msk [tilespmem:v14+s14+$0x0], $0xffff  }
0x22b: {  	v15 =	vnsel vm0, $0x0, v9;
	v14 =	vld.idx.msk [tilespmem:v14+s16+$0x0], $0xffff  }
0x22c: {  	v15 =	vmin.u32 v15, $0x3E7;
	v19 =	vld.idx.msk [tilespmem:v5+s14+$0x0], $0xffff  }
0x22d: {  	v5 =	vld.idx.msk [tilespmem:v5+s16+$0x0], $0xffff  }
0x22e: {  	v11 =	vld [tilespmem:s21+$0xFFFFFFD0];
	vm0 =	vgt.s32 v13, $0x0  }
0x22f: {  	v51 =	vnsel vm0, $0x0, v13;
	v50 =	vld.idx.msk [tilespmem:v7+s14+$0x0], $0xffff;
	vm0 =	veq.s32 v18, v48  }
0x230: {  	v7 =	vld.idx.msk [tilespmem:v7+s16+$0x0], $0xffff;
	v18 =	vmin.u32 v51, $0x3E7;
	v14 =	vnsel vm0, $0x0, v14  }
0x231: {  	v52 =	vld.idx.msk [tilespmem:v15+s14+$0x0], $0xffff;
	vm0 =	vgt.s32 v16, $0x0;
	[tilespmem:s26+$0x10] =	vst v14;
	vm1 =	veq.s32 v19, v49  }
0x232: {  	v14 =	vnsel vm0, $0x0, v16;
	v19 =	vld [tilespmem:s28+$0x20];
	v5 =	vnsel vm1, $0x0, v5  }
0x233: {  	v15 =	vld.idx.msk [tilespmem:v15+s16+$0x0], $0xffff;
	v14 =	vmin.u32 v14, $0x3E7;
	[tilespmem:s24+$0x30] =	vst v5  }
0x234: {  	vm1 =	vgt.s32 v11, $0x0;
	vm0 =	veq.s32 v50, v17;
	v5 =	vld [tilespmem:s25+$0x40]  }
0x235: {  	v17 =	vnsel vm1, $0x0, v11;
	v55 =	vld.idx.msk [tilespmem:v18+s14+$0x0], $0xffff;
	v7 =	vnsel vm0, $0x0, v7;
	vm0 =	vgt.s32 v53, $0x0  }
0x236: {  	v17 =	vmin.u32 v17, $0x3E7;
	[tilespmem:s22+$0x50] =	vst v7;
	v7 =	vnsel vm0, $0x0, v53;
	vm0 =	veq.s32 v52, v9;
	v9 =	vld.idx.msk [tilespmem:v18+s16+$0x0], $0xffff  }
0x237: {  	v56 =	vld [tilespmem:s23+$0x54];
	v7 =	vmin.u32 v7, $0x3E7;
	vm1 =	vgt.s32 v19, $0x0  }
0x238: {  	v57 =	vld.idx.msk [tilespmem:v14+s14+$0x0], $0xffff;
	v15 =	vnsel vm0, $0x0, v15;
	v18 =	vnsel vm1, $0x0, v19  }
0x239: {  	v14 =	vld.idx.msk [tilespmem:v14+s16+$0x0], $0xffff;
	[tilespmem:s26+$0xFFFFFF90] =	vst v15;
	v18 =	vmin.u32 v18, $0x3E7;
	vm0 =	vgt.s32 v5, $0x0  }
0x23a: {  	v58 =	vld [tilespmem:s28+$0xFFFFFFA0];
	v15 =	vnsel vm0, $0x0, v5  }
0x23b: {  	v26 =	vld.idx.msk [tilespmem:v17+s14+$0x0], $0xffff;
	v15 =	vmin.u32 v15, $0x3E7  }
0x23c: {  	vm1 =	vgt.s32 v54, $0x0;
	v27 =	vld.idx.msk [tilespmem:v7+s16+$0x0], $0xffff  }
0x23d: {  	v29 =	vnsel vm1, $0x0, v54;
	v7 =	vld.idx.msk [tilespmem:v7+s14+$0x0], $0xffff  }
0x23e: {  	v29 =	vmin.u32 v29, $0x3E7;
	vm0 =	vgt.s32 v56, $0x0;
	v30 =	vld.idx.msk [tilespmem:v18+s16+$0x0], $0xffff  }
0x23f: {  	v28 =	vnsel vm0, $0x0, v56;
	v18 =	vld.idx.msk [tilespmem:v18+s14+$0x0], $0xffff;
	vm0 =	vgt.s32 v58, $0x0  }
0x240: {  	v32 =	vnsel vm0, $0x0, v58;
	v31 =	vld.idx.msk [tilespmem:v15+s16+$0x0], $0xffff  }
0x241: {  	v32 =	vmin.u32 v32, $0x3E7;
	v15 =	vld.idx.msk [tilespmem:v15+s14+$0x0], $0xffff  }
0x242: {  	v17 =	vld.idx.msk [tilespmem:v17+s16+$0x0], $0xffff;
	vm0 =	veq.s32 v7, v53  }
0x243: {  	s31 =	simm.s32 $0x4580;
	v60 =	vld.idx.msk [tilespmem:v29+s14+$0x0], $0xffff;
	v7 =	vnsel vm0, $0x0, v27  }
0x244: {  	vm0 =	veq.s32 v18, v19;
	[tilespmem:s31+$0x0] =	vst v7;
	v18 =	vld.idx.msk [tilespmem:v29+s16+$0x0], $0xffff  }
0x245: {  	v28 =	vmin.u32 v28, $0x3E7;
	v7 =	vnsel vm0, $0x0, v30;
	v19 =	vld [tilespmem:s30+$0x10]  }
0x246: {  	[tilespmem:s26+$0x20] =	vst v7;
	v61 =	vld.idx.msk [tilespmem:v32+s16+$0x0], $0xffff;
	vm0 =	veq.s32 v15, v5  }
0x247: {  	v7 =	vld [tilespmem:s28+$0x30];
	v5 =	vnsel vm0, $0x0, v31  }
0x248: {  	v15 =	vld.idx.msk [tilespmem:v32+s14+$0x0], $0xffff;
	vm0 =	veq.s32 v60, v54;
	[tilespmem:s24+$0x40] =	vst v5  }
0x249: {  	vm1 =	veq.s32 v55, v13;
	v13 =	vnsel vm0, $0x0, v18;
	v5 =	vld [tilespmem:s25+$0x50]  }
0x24a: {  	v9 =	vnsel vm1, $0x0, v9;
	v59 =	vld.idx.msk [tilespmem:v28+s14+$0x0], $0xffff;
	vm0 =	veq.s32 v57, v16;
	[tilespmem:s31+$0xFFFFFF80] =	vst v13;
	vm1 =	vgt.s32 v19, $0x0  }
0x24b: {  	[tilespmem:s24+$0xFFFFFFB0] =	vst v9;
	v13 =	vnsel vm0, $0x0, v14;
	v9 =	vld [tilespmem:s30+$0xFFFFFF90];
	v14 =	vnsel vm1, $0x0, v19  }
0x24c: {  	v18 =	vld.idx.msk [tilespmem:v28+s16+$0x0], $0xffff;
	vm0 =	veq.s32 v3, v1;
	[tilespmem:s22+$0xFFFFFFC0] =	vst v13;
	v13 =	vmin.u32 v14, $0x3E7;
	vm1 =	vgt.s32 v7, $0x0  }
0x24d: {  	v3 =	vld [tilespmem:s25+$0xFFFFFFC0];
	v12 =	vnsel vm0, $0x0, v12;
	vm0 =	veq.s32 v15, v58;
	v14 =	vnsel vm1, $0x0, v7  }
0x24e: {  	v1 =	vld [tilespmem:s23+$0xFFFFFFD0];
	[tilespmem:s19+$0xFFFFFFD0] =	vst v12;
	v12 =	vnsel vm0, $0x0, v61;
	v14 =	vmin.u32 v14, $0x3E7;
	vm0 =	vgt.s32 v5, $0x0  }
0x24f: {  	vm1 =	veq.s32 v4, v0;
	v0 =	vld [tilespmem:s29+$0xFFFFFFD4];
	[tilespmem:s26+$0xFFFFFFA0] =	vst v12;
	v4 =	vnsel vm0, $0x0, v5  }
0x250: {  	vm0 =	veq.s32 v8, v6;
	vm2 =	vgt.s32 v9, $0x0;
	v8 =	vld [tilespmem:s28+$0xFFFFFFB0];
	v62 =	vmin.u32 v4, $0x3E7  }
0x251: {  	v2 =	vnsel vm1, $0x0, v2;
	vm1 =	veq.s32 v26, v11;
	v4 =	vnsel vm2, $0x0, v9;
	v63 =	vld.idx.msk [tilespmem:v13+s14+$0x0], $0xffff  }
0x252: {  	v10 =	vnsel vm0, $0x0, v10;
	vm0 =	vgt.s32 v3, $0x0;
	v16 =	vld.idx.msk [tilespmem:v13+s16+$0x0], $0xffff;
	v15 =	vmin.u32 v4, $0x3E7  }
0x253: {  	vm2 =	veq.s32 v59, v56;
	v13 =	vnsel vm1, $0x0, v17;
	v4 =	vnsel vm0, $0x0, v3;
	v12 =	vld.idx.msk [tilespmem:v14+s14+$0x0], $0xffff  }
0x254: {  	[tilespmem:s19+$0x54] =	vst v2;
	vm0 =	vgt.s32 v1, $0x0;
	v2 =	vnsel vm2, $0x0, v18;
	v6 =	vmin.u32 v4, $0x3E7;
	v14 =	vld.idx.msk [tilespmem:v14+s16+$0x0], $0xffff  }
0x255: {  	[tilespmem:s20+$0x54] =	vst v10;
	v4 =	vnsel vm0, $0x0, v1;
	vm0 =	vgt.s32 v0, $0x0;
	vm1 =	vgt.s32 v8, $0x0;
	v10 =	vld.idx.msk [tilespmem:v62+s14+$0x0], $0xffff  }
0x256: {  	[tilespmem:s22+$0x54] =	vst v2;
	v4 =	vmin.u32 v4, $0x3E7;
	v2 =	vnsel vm0, $0x0, v0;
	v18 =	vnsel vm1, $0x0, v8;
	v11 =	vld.idx.msk [tilespmem:v62+s16+$0x0], $0xffff  }
0x257: {  	s0 =	simm.s32 $0x680;
	s29 =	simm.s32 $0xA;
	[tilespmem:s20+$0xFFFFFFD0] =	vst v13;
	v2 =	vmin.u32 v2, $0x3E7;
	vm0 =	veq.s32 v63, v19;
	v17 =	vld.idx.msk [tilespmem:v15+s14+$0x0], $0xffff;
	v13 =	vmin.u32 v18, $0x3E7  }
.LBB2_4:
0x258: {  	v18 =	vld [tilespmem:s0+$0x0];
	v16 =	vnsel vm0, $0x0, v16;
	s4 =	smov.u32 s31  }
0x259: {  	vm0 =	veq.s32 v12, v7;
	v19 =	vld [tilespmem:s0+$0xFFFFFF80];
	[tilespmem:s31+$0x10] =	vst v16  }
0x25a: {  	v12 =	vnsel vm0, $0x0, v14;
	v7 =	vld [tilespmem:s30+$0x20]  }
0x25b: {  	vm0 =	veq.s32 v10, v5;
	v14 =	vld.idx.msk [tilespmem:v15+s16+$0x0], $0xffff;
	[tilespmem:s26+$0x30] =	vst v12  }
0x25c: {  	v10 =	vnsel vm0, $0x0, v11;
	v5 =	vld [tilespmem:s28+$0x40]  }
0x25d: {  	vm1 =	veq.s32 v17, v9;
	vm0 =	vgt.s32 v18, $0x0;
	v9 =	vld.idx.msk [tilespmem:v13+s14+$0x0], $0xffff;
	[tilespmem:s24+$0x50] =	vst v10  }
0x25e: {  	s29 =	sadd.s32 $0x2, s29;
	vm2 =	vgt.s32 v19, $0x0;
	v10 =	vnsel vm0, $0x0, v18;
	v11 =	vld [tilespmem:s25+$0x54]  }
0x25f: {  	p0 =	slt.u32 s29, $0x7E;
	v12 =	vnsel vm2, $0x0, v19;
	v10 =	vmin.u32 v10, $0x3E7;
	vm0 =	vgt.s32 v7, $0x0;
	v13 =	vld.idx.msk [tilespmem:v13+s16+$0x0], $0xffff  }
0x260: {  	v12 =	vmin.u32 v12, $0x3E7;
	v15 =	vnsel vm0, $0x0, v7;
	v16 =	vld.idx.msk [tilespmem:v6+s14+$0x0], $0xffff  }
0x261: {  	v14 =	vnsel vm1, $0x0, v14;
	v15 =	vmin.u32 v15, $0x3E7;
	vm0 =	vgt.s32 v5, $0x0;
	v6 =	vld.idx.msk [tilespmem:v6+s16+$0x0], $0xffff  }
0x262: {  	[tilespmem:s31+$0xFFFFFF90] =	vst v14;
	v14 =	vnsel vm0, $0x0, v5;
	v17 =	vld.idx.msk [tilespmem:v4+s14+$0x0], $0xffff  }
0x263: {  	vm0 =	veq.s32 v9, v8;
	v20 =	vld [tilespmem:s30+$0xFFFFFFA0];
	v8 =	vmin.u32 v14, $0x3E7;
	vm1 =	vgt.s32 v11, $0x0  }
0x264: {  	v9 =	vld.idx.msk [tilespmem:v10+s16+$0x0], $0xffff;
	v14 =	vnsel vm1, $0x0, v11  }
0x265: {  	v13 =	vnsel vm0, $0x0, v13;
	v10 =	vld.idx.msk [tilespmem:v10+s14+$0x0], $0xffff;
	v14 =	vmin.u32 v14, $0x3E7  }
0x266: {  	vm0 =	veq.s32 v16, v3;
	v21 =	vld.idx.msk [tilespmem:v15+s16+$0x0], $0xffff;
	[tilespmem:s26+$0xFFFFFFB0] =	vst v13  }
0x267: {  	v6 =	vnsel vm0, $0x0, v6;
	v3 =	vld.idx.msk [tilespmem:v15+s14+$0x0], $0xffff  }
0x268: {  	vm0 =	veq.s32 v17, v1;
	vm1 =	vgt.s32 v20, $0x0;
	v13 =	vld.idx.msk [tilespmem:v8+s16+$0x0], $0xffff;
	[tilespmem:s24+$0xFFFFFFC0] =	vst v6  }
0x269: {  	v1 =	vnsel vm1, $0x0, v20;
	v6 =	vld.idx.msk [tilespmem:v8+s14+$0x0], $0xffff  }
0x26a: {  	v1 =	vmin.u32 v1, $0x3E7;
	v8 =	vld.idx.msk [tilespmem:v14+s14+$0x0], $0xffff  }
0x26b: {  	v14 =	vld.idx.msk [tilespmem:v14+s16+$0x0], $0xffff  }
0x26c: {  	vm1 =	veq.s32 v10, v18;
	v15 =	vld.idx.msk [tilespmem:v12+s14+$0x0], $0xffff  }
0x26d: {  	s31 =	sadd.s32 $0x100, s31;
	v9 =	vnsel vm1, $0x0, v9;
	v10 =	vld.idx.msk [tilespmem:v12+s16+$0x0], $0xffff  }
0x26e: {  	vm1 =	veq.s32 v3, v7;
	[tilespmem:s31+$0x0] =	vst v9;
	v3 =	vld [tilespmem:s28+$0xFFFFFFC0]  }
0x26f: {  	v7 =	vnsel vm1, $0x0, v21;
	vm1 =	veq.s32 v6, v5;
	v18 =	vld [tilespmem:s0+$0x10]  }
0x270: {  	v5 =	vnsel vm1, $0x0, v13;
	vm1 =	veq.s32 v8, v11;
	v12 =	vld.idx.msk [tilespmem:v1+s14+$0x0], $0xffff;
	[tilespmem:s4+$0x20] =	vst v7  }
0x271: {  	v7 =	vld [tilespmem:s30+$0x30];
	[tilespmem:s26+$0x40] =	vst v5;
	v5 =	vnsel vm1, $0x0, v14  }
0x272: {  	vm1 =	veq.s32 v15, v19;
	v8 =	vld.idx.msk [tilespmem:v1+s16+$0x0], $0xffff;
	[tilespmem:s24+$0x54] =	vst v5  }
0x273: {  	v1 =	vnsel vm1, $0x0, v10;
	vm1 =	vgt.s32 v3, $0x0;
	v5 =	vld [tilespmem:s28+$0x50]  }
0x274: {  	[tilespmem:s31+$0xFFFFFF80] =	vst v1;
	vm2 =	vgt.s32 v18, $0x0;
	v6 =	vnsel vm1, $0x0, v3;
	v1 =	vld [tilespmem:s25+$0xFFFFFFD0]  }
0x275: {  	v9 =	vld [tilespmem:s0+$0xFFFFFF90];
	v10 =	vnsel vm2, $0x0, v18;
	v6 =	vmin.u32 v6, $0x3E7  }
0x276: {  	vm1 =	veq.s32 v12, v20;
	v10 =	vmin.u32 v10, $0x3E7;
	vm2 =	vgt.s32 v7, $0x0;
	v11 =	vld.idx.msk [tilespmem:v4+s16+$0x0], $0xffff  }
0x277: {  	v4 =	vnsel vm2, $0x0, v7;
	v13 =	vld [tilespmem:s21+$0xFFFFFFD4];
	s21 =	smov.u32 s23;
	s23 =	smov.u32 s25;
	s25 =	smov.u32 s28  }
0x278: {  	v8 =	vnsel vm1, $0x0, v8;
	s28 =	smov.u32 s30;
	s30 =	smov.u32 s0;
	v14 =	vmin.u32 v4, $0x3E7;
	vm1 =	vgt.s32 v5, $0x0;
	v17 =	vld.idx.msk [tilespmem:v2+s14+$0x0], $0xffff  }
0x279: {  	[tilespmem:s4+$0xFFFFFFA0] =	vst v8;
	v4 =	vnsel vm1, $0x0, v5;
	vm1 =	vgt.s32 v1, $0x0;
	v19 =	vld.idx.msk [tilespmem:v2+s16+$0x0], $0xffff  }
0x27a: {  	vm2 =	vgt.s32 v9, $0x0;
	v8 =	vld [tilespmem:s28+$0xFFFFFFB0];
	v20 =	vmin.u32 v4, $0x3E7;
	v2 =	vnsel vm1, $0x0, v1  }
0x27b: {  	v12 =	vnsel vm2, $0x0, v9;
	v21 =	vld.idx.msk [tilespmem:v10+s14+$0x0], $0xffff;
	v4 =	vmin.u32 v2, $0x3E7  }
0x27c: {  	v2 =	vnsel vm0, $0x0, v11;
	v15 =	vmin.u32 v12, $0x3E7;
	v16 =	vld.idx.msk [tilespmem:v10+s16+$0x0], $0xffff;
	vm0 =	vgt.s32 v13, $0x0  }
.Ltmp1:
0x27d: {  	v12 =	vld.idx.msk [tilespmem:v14+s14+$0x0], $0xffff;
	[tilespmem:s22+$0xFFFFFFD0] =	vst v2;
	v2 =	vnsel vm0, $0x0, v13;
	(pc) =	sbr.rel @p0 .LBB2_4-.Ltmp1, $4  }
0x27e: {  	vm0 =	veq.s32 v17, v0;
	v0 =	vmov v13;
	v14 =	vld.idx.msk [tilespmem:v14+s16+$0x0], $0xffff;
	v2 =	vmin.u32 v2, $0x3E7  }
0x27f: {  	v13 =	vnsel vm0, $0x0, v19;
	vm1 =	vgt.s32 v8, $0x0;
	v10 =	vld.idx.msk [tilespmem:v20+s14+$0x0], $0xffff  }
0x280: {  	v19 =	vnsel vm1, $0x0, v8;
	v11 =	vld.idx.msk [tilespmem:v20+s16+$0x0], $0xffff;
	[tilespmem:s19+$0xFFFFFFD4] =	vst v13;
	s19 =	smov.u32 s20;
	s20 =	smov.u32 s22;
	s22 =	smov.u32 s24  }
0x281: {  	s0 =	sadd.s32 $0x100, s0;
	vm0 =	veq.s32 v21, v18;
	s24 =	smov.u32 s26;
	s26 =	smov.u32 s4;
	v17 =	vld.idx.msk [tilespmem:v15+s14+$0x0], $0xffff;
	v13 =	vmin.u32 v19, $0x3E7  }
0x282: {  	v16 =	vnsel vm0, $0x0, v16  }
0x283: {  	[tilespmem:s31+$0x10] =	vst v16  }
0x284: {  	v16 =	vld [tilespmem:s30+$0x20];
	_ =	sdelay $0x3  }
0x285: {  	v15 =	vld.idx.msk [tilespmem:v15+s16+$0x0], $0xffff  }
0x286: {  	vm0 =	vgt.s32 v16, $0x0  }
0x287: {  	v18 =	vnsel vm0, $0x0, v16  }
0x288: {  	v18 =	vmin.u32 v18, $0x3E7  }
0x289: {  	vm0 =	veq.s32 v17, v9  }
0x28a: {  	v9 =	vnsel vm0, $0x0, v15  }
0x28b: {  	[tilespmem:s31+$0xFFFFFF90] =	vst v9  }
0x28c: {  	v9 =	vld [tilespmem:s30+$0xFFFFFFA0]  }
0x28d: {  	v15 =	vld.idx.msk [tilespmem:v18+s14+$0x0], $0xffff  }
0x28e: {  	v17 =	vld.idx.msk [tilespmem:v18+s16+$0x0], $0xffff;
	_ =	sdelay $0x2  }
0x28f: {  	vm0 =	vgt.s32 v9, $0x0  }
0x290: {  	v18 =	vnsel vm0, $0x0, v9;
	vm0 =	veq.s32 v15, v16  }
0x291: {  	v15 =	vmin.u32 v18, $0x3E7;
	v16 =	vnsel vm0, $0x0, v17  }
0x292: {  	[tilespmem:s31+$0x20] =	vst v16  }
0x293: {  	v16 =	vld [tilespmem:s30+$0x30];
	_ =	sdelay $0x2  }
0x294: {  	v17 =	vld.idx.msk [tilespmem:v15+s14+$0x0], $0xffff  }
0x295: {  	v15 =	vld.idx.msk [tilespmem:v15+s16+$0x0], $0xffff  }
0x296: {  	vm0 =	vgt.s32 v16, $0x0  }
0x297: {  	v18 =	vnsel vm0, $0x0, v16  }
0x298: {  	v18 =	vmin.u32 v18, $0x3E7  }
0x299: {  	vm0 =	veq.s32 v17, v9  }
0x29a: {  	v9 =	vnsel vm0, $0x0, v15  }
0x29b: {  	[tilespmem:s31+$0xFFFFFFA0] =	vst v9  }
0x29c: {  	v9 =	vld [tilespmem:s30+$0xFFFFFFB0]  }
0x29d: {  	vm0 =	veq.s32 v12, v7;
	v7 =	vld.idx.msk [tilespmem:v18+s14+$0x0], $0xffff  }
0x29e: {  	v12 =	vnsel vm0, $0x0, v14;
	v14 =	vld.idx.msk [tilespmem:v18+s16+$0x0], $0xffff  }
0x29f: {  	[tilespmem:s26+$0x30] =	vst v12  }
0x2a0: {  	v12 =	vld [tilespmem:s28+$0x40]  }
0x2a1: {  	vm0 =	vgt.s32 v9, $0x0  }
0x2a2: {  	v15 =	vnsel vm0, $0x0, v9;
	vm0 =	veq.s32 v7, v16  }
0x2a3: {  	v7 =	vmin.u32 v15, $0x3E7;
	v14 =	vnsel vm0, $0x0, v14  }
0x2a4: {  	[tilespmem:s31+$0x30] =	vst v14  }
0x2a5: {  	vm0 =	vgt.s32 v12, $0x0;
	v14 =	vld [tilespmem:s30+$0x40]  }
0x2a6: {  	v15 =	vld.idx.msk [tilespmem:v13+s14+$0x0], $0xffff;
	v16 =	vnsel vm0, $0x0, v12  }
0x2a7: {  	v13 =	vld.idx.msk [tilespmem:v13+s16+$0x0], $0xffff;
	v16 =	vmin.u32 v16, $0x3E7  }
0x2a8: {  	v17 =	vld.idx.msk [tilespmem:v7+s14+$0x0], $0xffff  }
0x2a9: {  	v7 =	vld.idx.msk [tilespmem:v7+s16+$0x0], $0xffff  }
0x2aa: {  	vm0 =	vgt.s32 v14, $0x0  }
0x2ab: {  	vm1 =	veq.s32 v15, v8;
	v8 =	vnsel vm0, $0x0, v14  }
0x2ac: {  	v13 =	vnsel vm1, $0x0, v13;
	v15 =	vld.idx.msk [tilespmem:v16+s16+$0x0], $0xffff;
	v8 =	vmin.u32 v8, $0x3E7  }
0x2ad: {  	[tilespmem:s26+$0xFFFFFFB0] =	vst v13;
	v13 =	vld.idx.msk [tilespmem:v16+s14+$0x0], $0xffff;
	vm0 =	veq.s32 v17, v9  }
0x2ae: {  	v9 =	vld [tilespmem:s28+$0xFFFFFFC0];
	v7 =	vnsel vm0, $0x0, v7  }
0x2af: {  	[tilespmem:s31+$0xFFFFFFB0] =	vst v7  }
0x2b0: {  	v7 =	vld [tilespmem:s30+$0xFFFFFFC0]  }
0x2b1: {  	vm0 =	veq.s32 v10, v5;
	v5 =	vld.idx.msk [tilespmem:v8+s14+$0x0], $0xffff  }
0x2b2: {  	v10 =	vnsel vm0, $0x0, v11;
	vm0 =	veq.s32 v13, v12;
	v8 =	vld.idx.msk [tilespmem:v8+s16+$0x0], $0xffff  }
0x2b3: {  	[tilespmem:s24+$0x50] =	vst v10;
	v10 =	vnsel vm0, $0x0, v15;
	vm0 =	vgt.s32 v9, $0x0  }
0x2b4: {  	v11 =	vld [tilespmem:s25+$0x54];
	[tilespmem:s26+$0x40] =	vst v10;
	v10 =	vnsel vm0, $0x0, v9  }
0x2b5: {  	v12 =	vld [tilespmem:s28+$0x50];
	v10 =	vmin.u32 v10, $0x3E7;
	vm0 =	vgt.s32 v7, $0x0  }
0x2b6: {  	vm1 =	veq.s32 v5, v14;
	v5 =	vnsel vm0, $0x0, v7  }
0x2b7: {  	v13 =	vld.idx.msk [tilespmem:v6+s14+$0x0], $0xffff;
	v8 =	vnsel vm1, $0x0, v8;
	v5 =	vmin.u32 v5, $0x3E7  }
0x2b8: {  	v6 =	vld.idx.msk [tilespmem:v6+s16+$0x0], $0xffff;
	[tilespmem:s31+$0x40] =	vst v8  }
0x2b9: {  	vm0 =	vgt.s32 v11, $0x0;
	v8 =	vld [tilespmem:s30+$0x50]  }
0x2ba: {  	v14 =	vnsel vm0, $0x0, v11;
	vm0 =	vgt.s32 v12, $0x0;
	v15 =	vld.idx.msk [tilespmem:v10+s14+$0x0], $0xffff  }
0x2bb: {  	v16 =	vnsel vm0, $0x0, v12;
	v10 =	vld.idx.msk [tilespmem:v10+s16+$0x0], $0xffff  }
0x2bc: {  	vm0 =	veq.s32 v13, v3;
	v3 =	vmin.u32 v16, $0x3E7;
	v13 =	vld.idx.msk [tilespmem:v5+s14+$0x0], $0xffff  }
0x2bd: {  	v6 =	vnsel vm0, $0x0, v6;
	v5 =	vld.idx.msk [tilespmem:v5+s16+$0x0], $0xffff  }
0x2be: {  	v16 =	vld.idx.msk [tilespmem:v4+s14+$0x0], $0xffff;
	[tilespmem:s24+$0xFFFFFFC0] =	vst v6;
	vm0 =	vgt.s32 v8, $0x0  }
0x2bf: {  	v6 =	vld [tilespmem:s25+$0xFFFFFFD0];
	vm1 =	veq.s32 v15, v9;
	v9 =	vnsel vm0, $0x0, v8  }
0x2c0: {  	v4 =	vld.idx.msk [tilespmem:v4+s16+$0x0], $0xffff;
	v10 =	vnsel vm1, $0x0, v10;
	v9 =	vmin.u32 v9, $0x3E7  }
0x2c1: {  	v17 =	vld.idx.msk [tilespmem:v3+s14+$0x0], $0xffff;
	[tilespmem:s26+$0xFFFFFFC0] =	vst v10;
	vm0 =	veq.s32 v13, v7  }
0x2c2: {  	v14 =	vmin.u32 v14, $0x3E7;
	v7 =	vld [tilespmem:s28+$0xFFFFFFD0];
	v5 =	vnsel vm0, $0x0, v5  }
0x2c3: {  	v3 =	vld.idx.msk [tilespmem:v3+s16+$0x0], $0xffff;
	[tilespmem:s31+$0xFFFFFFC0] =	vst v5  }
0x2c4: {  	vm0 =	vgt.s32 v6, $0x0;
	v5 =	vld [tilespmem:s30+$0xFFFFFFD0]  }
0x2c5: {  	v10 =	vnsel vm0, $0x0, v6;
	v13 =	vld.idx.msk [tilespmem:v9+s14+$0x0], $0xffff  }
0x2c6: {  	v10 =	vmin.u32 v10, $0x3E7;
	v9 =	vld.idx.msk [tilespmem:v9+s16+$0x0], $0xffff  }
0x2c7: {  	v15 =	vld.idx.msk [tilespmem:v14+s14+$0x0], $0xffff;
	vm0 =	veq.s32 v17, v12;
	vm1 =	vgt.s32 v7, $0x0  }
0x2c8: {  	v14 =	vld.idx.msk [tilespmem:v14+s16+$0x0], $0xffff;
	v3 =	vnsel vm0, $0x0, v3;
	v12 =	vnsel vm1, $0x0, v7  }
0x2c9: {  	v17 =	vld [tilespmem:s21+$0xFFFFFFD4];
	[tilespmem:s26+$0x50] =	vst v3;
	v3 =	vmin.u32 v12, $0x3E7;
	vm0 =	vgt.s32 v5, $0x0  }
0x2ca: {  	v12 =	vld [tilespmem:s28+$0x54];
	vm1 =	veq.s32 v13, v8;
	v8 =	vnsel vm0, $0x0, v5  }
0x2cb: {  	v13 =	vld.idx.msk [tilespmem:v10+s14+$0x0], $0xffff;
	v9 =	vnsel vm1, $0x0, v9;
	v8 =	vmin.u32 v8, $0x3E7  }
0x2cc: {  	v10 =	vld.idx.msk [tilespmem:v10+s16+$0x0], $0xffff;
	[tilespmem:s31+$0x50] =	vst v9  }
0x2cd: {  	v9 =	vld [tilespmem:s30+$0x54]  }
0x2ce: {  	v18 =	vld.idx.msk [tilespmem:v3+s14+$0x0], $0xffff  }
0x2cf: {  	vm0 =	veq.s32 v16, v1;
	v1 =	vld.idx.msk [tilespmem:v3+s16+$0x0], $0xffff  }
0x2d0: {  	v3 =	vnsel vm0, $0x0, v4;
	vm0 =	vgt.s32 v12, $0x0;
	v4 =	vld.idx.msk [tilespmem:v8+s14+$0x0], $0xffff  }
0x2d1: {  	[tilespmem:s22+$0xFFFFFFD0] =	vst v3;
	v3 =	vnsel vm0, $0x0, v12;
	vm0 =	veq.s32 v13, v6;
	v6 =	vld.idx.msk [tilespmem:v8+s16+$0x0], $0xffff  }
0x2d2: {  	v3 =	vmin.u32 v3, $0x3E7;
	v8 =	vld [tilespmem:s23+$0xFFFFFFD4];
	v10 =	vnsel vm0, $0x0, v10  }
0x2d3: {  	v13 =	vld.idx.msk [tilespmem:v2+s14+$0x0], $0xffff;
	vm0 =	vgt.s32 v17, $0x0;
	[tilespmem:s24+$0xFFFFFFD0] =	vst v10;
	vm1 =	veq.s32 v18, v7  }
0x2d4: {  	v7 =	vnsel vm0, $0x0, v17;
	v10 =	vld [tilespmem:s25+$0xFFFFFFD4];
	v1 =	vnsel vm1, $0x0, v1  }
0x2d5: {  	v2 =	vld.idx.msk [tilespmem:v2+s16+$0x0], $0xffff;
	vm0 =	vgt.s32 v9, $0x0;
	v7 =	vmin.u32 v7, $0x3E7;
	[tilespmem:s26+$0xFFFFFFD0] =	vst v1;
	vm1 =	veq.s32 v4, v5  }
0x2d6: {  	v1 =	vnsel vm0, $0x0, v9;
	v4 =	vld [tilespmem:s28+$0xFFFFFFD4];
	v5 =	vnsel vm1, $0x0, v6  }
0x2d7: {  	vm0 =	vgt.s32 v8, $0x0;
	v1 =	vmin.u32 v1, $0x3E7;
	v6 =	vld.idx.msk [tilespmem:v3+s14+$0x0], $0xffff;
	[tilespmem:s31+$0xFFFFFFD0] =	vst v5  }
0x2d8: {  	v5 =	vnsel vm0, $0x0, v8;
	v16 =	vld [tilespmem:s30+$0xFFFFFFD4]  }
0x2d9: {  	v3 =	vld.idx.msk [tilespmem:v3+s16+$0x0], $0xffff;
	vm0 =	vgt.s32 v10, $0x0;
	v5 =	vmin.u32 v5, $0x3E7  }
0x2da: {  	v18 =	vld.idx.msk [tilespmem:v7+s14+$0x0], $0xffff;
	v19 =	vnsel vm0, $0x0, v10  }
0x2db: {  	v7 =	vld.idx.msk [tilespmem:v7+s16+$0x0], $0xffff;
	v19 =	vmin.u32 v19, $0x3E7;
	vm0 =	vgt.s32 v4, $0x0  }
0x2dc: {  	v20 =	vld.idx.msk [tilespmem:v1+s14+$0x0], $0xffff;
	v21 =	vnsel vm0, $0x0, v4  }
0x2dd: {  	v1 =	vld.idx.msk [tilespmem:v1+s16+$0x0], $0xffff;
	v21 =	vmin.u32 v21, $0x3E7;
	vm0 =	vgt.s32 v16, $0x0  }
0x2de: {  	v22 =	vld.idx.msk [tilespmem:v5+s14+$0x0], $0xffff;
	v23 =	vnsel vm0, $0x0, v16  }
0x2df: {  	v5 =	vld.idx.msk [tilespmem:v5+s16+$0x0], $0xffff;
	v23 =	vmin.u32 v23, $0x3E7  }
0x2e0: {  	v24 =	vld.idx.msk [tilespmem:v19+s14+$0x0], $0xffff  }
0x2e1: {  	vm0 =	veq.s32 v15, v11;
	v11 =	vld.idx.msk [tilespmem:v19+s16+$0x0], $0xffff  }
0x2e2: {  	v14 =	vnsel vm0, $0x0, v14;
	vm0 =	veq.s32 v13, v0;
	v0 =	vld.idx.msk [tilespmem:v21+s14+$0x0], $0xffff  }
0x2e3: {  	[tilespmem:s24+$0x54] =	vst v14;
	v2 =	vnsel vm0, $0x0, v2;
	vm0 =	veq.s32 v6, v12;
	v6 =	vld.idx.msk [tilespmem:v21+s16+$0x0], $0xffff  }
0x2e4: {  	[tilespmem:s19+$0xFFFFFFD4] =	vst v2;
	v2 =	vnsel vm0, $0x0, v3;
	vm0 =	veq.s32 v18, v17;
	v3 =	vld.idx.msk [tilespmem:v23+s14+$0x0], $0xffff  }
0x2e5: {  	[tilespmem:s26+$0x54] =	vst v2;
	v2 =	vnsel vm0, $0x0, v7;
	vm0 =	veq.s32 v20, v9;
	v7 =	vld.idx.msk [tilespmem:v23+s16+$0x0], $0xffff  }
0x2e6: {  	[tilespmem:s20+$0xFFFFFFD4] =	vst v2;
	v1 =	vnsel vm0, $0x0, v1;
	vm0 =	veq.s32 v22, v8  }
0x2e7: {  	[tilespmem:s31+$0x54] =	vst v1;
	v1 =	vnsel vm0, $0x0, v5;
	vm0 =	veq.s32 v24, v10  }
0x2e8: {  	[tilespmem:s22+$0xFFFFFFD4] =	vst v1;
	v1 =	vnsel vm0, $0x0, v11;
	vm0 =	veq.s32 v0, v4  }
0x2e9: {  	[tilespmem:s24+$0xFFFFFFD4] =	vst v1;
	v0 =	vnsel vm0, $0x0, v6;
	vm0 =	veq.s32 v3, v16  }
0x2ea: {  	[tilespmem:s26+$0xFFFFFFD4] =	vst v0;
	v0 =	vnsel vm0, $0x0, v7  }
0x2eb: {  	[tilespmem:s31+$0xFFFFFFD4] =	vst v0  }
0x2ec: {  	[hbm4b:s8+s3] =	stream.linear.scatter [tilespmem:s17], [sflag:$0x1], $0x4000, $0x38;
	[tilespmem:$0x8800] =	vst v63  }
0x2ed: {  	_ =	swait.ge [sflag:s15], $0x4000  }
0x2ee: {  	[sflag:s15] =	ssyncset.done $0x0  }
0x2ef: {  	[sflag:s15] =	ssyncadd.s32 $0xFFFFC000  }
0x2f0: {  	[tilespmem:s3], [sflag:$0x1] =	stream.linear.gather [hbm4b:s9+s3], $0x4000, $0x38;
	[tilespmem:$0x8800] =	vst v63  }
0x2f1: {  	_ =	swait.ge [sflag:s15], $0x4000  }
0x2f2: {  	[sflag:s15] =	ssyncset.done $0x0  }
0x2f3: {  	s29 =	simm.s32 $0x80;
	[sflag:s15] =	ssyncadd.s32 $0xFFFFC000  }
0x2f4: {  	v0 =	vld [tilespmem:s29+$0x0];
	_ =	sdelay $0x4  }
0x2f5: {  	vm0 =	vgt.s32 v0, $0x0  }
0x2f6: {  	v1 =	vnsel vm0, $0x0, v0  }
0x2f7: {  	v1 =	vmin.u32 v1, $0x3E7;
	_ =	sdelay $0x4  }
0x2f8: {  	v2 =	vld.idx.msk [tilespmem:v1+s14+$0x0], $0xffff  }
0x2f9: {  	v1 =	vld.idx.msk [tilespmem:v1+s16+$0x0], $0xffff  }
0x2fa: {  	v3 =	vld [tilespmem:s29+$0xFFFFFF80];
	_ =	sdelay $0x2  }
0x2fb: {  	vm0 =	veq.s32 v2, v0  }
0x2fc: {  	s19 =	simm.s32 $0x4080;
	v0 =	vnsel vm0, $0x0, v1  }
0x2fd: {  	vm0 =	vgt.s32 v3, $0x0;
	[tilespmem:s19+$0x0] =	vst v0  }
0x2fe: {  	v0 =	vnsel vm0, $0x0, v3;
	v1 =	vld [tilespmem:s29+$0x10]  }
0x2ff: {  	v0 =	vmin.u32 v0, $0x3E7;
	_ =	sdelay $0x3  }
0x300: {  	vm0 =	vgt.s32 v1, $0x0  }
0x301: {  	v2 =	vld.idx.msk [tilespmem:v0+s14+$0x0], $0xffff;
	v4 =	vnsel vm0, $0x0, v1  }
0x302: {  	v0 =	vld.idx.msk [tilespmem:v0+s16+$0x0], $0xffff;
	v4 =	vmin.u32 v4, $0x3E7;
	_ =	sdelay $0x3  }
0x303: {  	vm0 =	veq.s32 v2, v3  }
0x304: {  	v0 =	vnsel vm0, $0x0, v0;
	v2 =	vld.idx.msk [tilespmem:v4+s14+$0x0], $0xffff  }
0x305: {  	[tilespmem:s19+$0xFFFFFF80] =	vst v0;
	v0 =	vld.idx.msk [tilespmem:v4+s16+$0x0], $0xffff  }
0x306: {  	v3 =	vld [tilespmem:s29+$0xFFFFFF90];
	_ =	sdelay $0x2  }
0x307: {  	s21 =	simm.s32 $0x180;
	vm0 =	veq.s32 v2, v1  }
0x308: {  	v1 =	vld [tilespmem:s21+$0x0];
	v0 =	vnsel vm0, $0x0, v0  }
0x309: {  	vm0 =	vgt.s32 v3, $0x0;
	[tilespmem:s19+$0x10] =	vst v0  }
0x30a: {  	v0 =	vnsel vm0, $0x0, v3;
	v2 =	vld [tilespmem:s29+$0x20]  }
0x30b: {  	v0 =	vmin.u32 v0, $0x3E7;
	_ =	sdelay $0x1  }
0x30c: {  	vm0 =	vgt.s32 v1, $0x0  }
0x30d: {  	v4 =	vld [tilespmem:s21+$0xFFFFFF80];
	v5 =	vnsel vm0, $0x0, v1  }
0x30e: {  	v5 =	vmin.u32 v5, $0x3E7;
	vm0 =	vgt.s32 v2, $0x0  }
0x30f: {  	v6 =	vld.idx.msk [tilespmem:v0+s14+$0x0], $0xffff;
	v7 =	vnsel vm0, $0x0, v2  }
0x310: {  	v0 =	vld.idx.msk [tilespmem:v0+s16+$0x0], $0xffff;
	v7 =	vmin.u32 v7, $0x3E7;
	_ =	sdelay $0x1  }
0x311: {  	vm0 =	vgt.s32 v4, $0x0  }
0x312: {  	v8 =	vnsel vm0, $0x0, v4;
	v9 =	vld.idx.msk [tilespmem:v5+s14+$0x0], $0xffff  }
0x313: {  	v8 =	vmin.u32 v8, $0x3E7;
	v5 =	vld.idx.msk [tilespmem:v5+s16+$0x0], $0xffff;
	vm0 =	veq.s32 v6, v3  }
0x314: {  	v0 =	vnsel vm0, $0x0, v0;
	v3 =	vld.idx.msk [tilespmem:v7+s14+$0x0], $0xffff  }
0x315: {  	[tilespmem:s19+$0xFFFFFF90] =	vst v0;
	v0 =	vld.idx.msk [tilespmem:v7+s16+$0x0], $0xffff  }
0x316: {  	v6 =	vld [tilespmem:s29+$0xFFFFFFA0]  }
0x317: {  	vm0 =	veq.s32 v9, v1  }
0x318: {  	s20 =	simm.s32 $0x4180;
	v1 =	vld.idx.msk [tilespmem:v8+s14+$0x0], $0xffff;
	v5 =	vnsel vm0, $0x0, v5  }
0x319: {  	v7 =	vld.idx.msk [tilespmem:v8+s16+$0x0], $0xffff;
	[tilespmem:s20+$0x0] =	vst v5;
	vm0 =	veq.s32 v3, v2  }
0x31a: {  	v2 =	vld [tilespmem:s21+$0x10];
	v0 =	vnsel vm0, $0x0, v0  }
0x31b: {  	vm0 =	vgt.s32 v6, $0x0;
	[tilespmem:s19+$0x20] =	vst v0  }
0x31c: {  	v0 =	vnsel vm0, $0x0, v6;
	v3 =	vld [tilespmem:s29+$0x30]  }
0x31d: {  	vm0 =	veq.s32 v1, v4;
	v0 =	vmin.u32 v0, $0x3E7  }
0x31e: {  	v1 =	vnsel vm0, $0x0, v7  }
0x31f: {  	[tilespmem:s20+$0xFFFFFF80] =	vst v1;
	vm0 =	vgt.s32 v2, $0x0  }
0x320: {  	v1 =	vld [tilespmem:s21+$0xFFFFFF90];
	v4 =	vnsel vm0, $0x0, v2  }
0x321: {  	v4 =	vmin.u32 v4, $0x3E7;
	vm0 =	vgt.s32 v3, $0x0  }
0x322: {  	v5 =	vld.idx.msk [tilespmem:v0+s14+$0x0], $0xffff;
	v7 =	vnsel vm0, $0x0, v3  }
0x323: {  	v0 =	vld.idx.msk [tilespmem:v0+s16+$0x0], $0xffff;
	v7 =	vmin.u32 v7, $0x3E7;
	_ =	sdelay $0x1  }
0x324: {  	vm0 =	vgt.s32 v1, $0x0  }
0x325: {  	v8 =	vnsel vm0, $0x0, v1;
	v9 =	vld.idx.msk [tilespmem:v4+s14+$0x0], $0xffff  }
0x326: {  	v8 =	vmin.u32 v8, $0x3E7;
	v4 =	vld.idx.msk [tilespmem:v4+s16+$0x0], $0xffff;
	vm0 =	veq.s32 v5, v6  }
0x327: {  	v0 =	vnsel vm0, $0x0, v0;
	v5 =	vld.idx.msk [tilespmem:v7+s14+$0x0], $0xffff  }
0x328: {  	[tilespmem:s19+$0xFFFFFFA0] =	vst v0;
	v0 =	vld.idx.msk [tilespmem:v7+s16+$0x0], $0xffff  }
0x329: {  	s23 =	simm.s32 $0x280;
	v6 =	vld [tilespmem:s29+$0xFFFFFFB0]  }
0x32a: {  	v7 =	vld [tilespmem:s23+$0x0];
	vm0 =	veq.s32 v9, v2  }
0x32b: {  	v2 =	vld.idx.msk [tilespmem:v8+s14+$0x0], $0xffff;
	v4 =	vnsel vm0, $0x0, v4  }
0x32c: {  	[tilespmem:s20+$0x10] =	vst v4;
	v4 =	vld.idx.msk [tilespmem:v8+s16+$0x0], $0xffff;
	vm0 =	veq.s32 v5, v3  }
0x32d: {  	v3 =	vld [tilespmem:s21+$0x20];
	v0 =	vnsel vm0, $0x0, v0  }
0x32e: {  	vm0 =	vgt.s32 v6, $0x0;
	[tilespmem:s19+$0x30] =	vst v0  }
0x32f: {  	v0 =	vnsel vm0, $0x0, v6;
	v5 =	vld [tilespmem:s29+$0x40]  }
0x330: {  	vm0 =	vgt.s32 v7, $0x0;
	v0 =	vmin.u32 v0, $0x3E7  }
0x331: {  	v8 =	vld [tilespmem:s23+$0xFFFFFF80];
	vm1 =	veq.s32 v2, v1;
	v1 =	vnsel vm0, $0x0, v7  }
0x332: {  	v1 =	vmin.u32 v1, $0x3E7;
	v2 =	vnsel vm1, $0x0, v4;
	vm0 =	vgt.s32 v3, $0x0  }
0x333: {  	[tilespmem:s20+$0xFFFFFF90] =	vst v2;
	v4 =	vnsel vm0, $0x0, v3  }
0x334: {  	v2 =	vmin.u32 v4, $0x3E7;
	v4 =	vld [tilespmem:s21+$0xFFFFFFA0];
	vm0 =	vgt.s32 v5, $0x0  }
0x335: {  	v9 =	vld.idx.msk [tilespmem:v0+s14+$0x0], $0xffff;
	v10 =	vnsel vm0, $0x0, v5  }
0x336: {  	v0 =	vld.idx.msk [tilespmem:v0+s16+$0x0], $0xffff;
	vm0 =	vgt.s32 v8, $0x0;
	v10 =	vmin.u32 v10, $0x3E7  }
0x337: {  	v12 =	vld.idx.msk [tilespmem:v1+s14+$0x0], $0xffff;
	v11 =	vnsel vm0, $0x0, v8  }
0x338: {  	v1 =	vld.idx.msk [tilespmem:v1+s16+$0x0], $0xffff;
	v11 =	vmin.u32 v11, $0x3E7  }
0x339: {  	v13 =	vld.idx.msk [tilespmem:v2+s14+$0x0], $0xffff;
	vm0 =	vgt.s32 v4, $0x0  }
0x33a: {  	v2 =	vld.idx.msk [tilespmem:v2+s16+$0x0], $0xffff;
	v14 =	vnsel vm0, $0x0, v4  }
0x33b: {  	v14 =	vmin.u32 v14, $0x3E7;
	v15 =	vld.idx.msk [tilespmem:v10+s14+$0x0], $0xffff  }
0x33c: {  	vm0 =	veq.s32 v12, v7;
	v10 =	vld.idx.msk [tilespmem:v10+s16+$0x0], $0xffff  }
0x33d: {  	s22 =	simm.s32 $0x4280;
	v1 =	vnsel vm0, $0x0, v1;
	v7 =	vld.idx.msk [tilespmem:v11+s14+$0x0], $0xffff  }
0x33e: {  	v11 =	vld.idx.msk [tilespmem:v11+s16+$0x0], $0xffff;
	[tilespmem:s22+$0x0] =	vst v1;
	vm0 =	veq.s32 v13, v3  }
0x33f: {  	v1 =	vld [tilespmem:s23+$0x10];
	v2 =	vnsel vm0, $0x0, v2  }
0x340: {  	v3 =	vld.idx.msk [tilespmem:v14+s14+$0x0], $0xffff;
	[tilespmem:s20+$0x20] =	vst v2;
	vm0 =	veq.s32 v15, v5  }
0x341: {  	v5 =	vld [tilespmem:s21+$0x30];
	v2 =	vnsel vm0, $0x0, v10  }
0x342: {  	vm0 =	veq.s32 v7, v8;
	[tilespmem:s19+$0x40] =	vst v2;
	v2 =	vld.idx.msk [tilespmem:v14+s16+$0x0], $0xffff  }
0x343: {  	v7 =	vnsel vm0, $0x0, v11;
	v8 =	vld [tilespmem:s29+$0x50]  }
0x344: {  	vm0 =	vgt.s32 v1, $0x0;
	[tilespmem:s22+$0xFFFFFF80] =	vst v7  }
0x345: {  	v10 =	vnsel vm0, $0x0, v1;
	v7 =	vld [tilespmem:s23+$0xFFFFFF90]  }
0x346: {  	vm0 =	veq.s32 v9, v6;
	v6 =	vmin.u32 v10, $0x3E7;
	vm1 =	vgt.s32 v5, $0x0  }
0x347: {  	s25 =	simm.s32 $0x380;
	v0 =	vnsel vm0, $0x0, v0;
	vm0 =	veq.s32 v3, v4;
	v3 =	vnsel vm1, $0x0, v5  }
0x348: {  	v13 =	vld [tilespmem:s25+$0x0];
	[tilespmem:s19+$0xFFFFFFB0] =	vst v0;
	v0 =	vnsel vm0, $0x0, v2;
	v2 =	vmin.u32 v3, $0x3E7;
	vm0 =	vgt.s32 v8, $0x0  }
0x349: {  	v3 =	vld [tilespmem:s29+$0xFFFFFFC0];
	[tilespmem:s20+$0xFFFFFFA0] =	vst v0;
	v0 =	vnsel vm0, $0x0, v8  }
0x34a: {  	vm0 =	vgt.s32 v7, $0x0;
	v4 =	vld [tilespmem:s21+$0xFFFFFFB0];
	v0 =	vmin.u32 v0, $0x3E7  }
0x34b: {  	v10 =	vld.idx.msk [tilespmem:v6+s14+$0x0], $0xffff;
	v9 =	vnsel vm0, $0x0, v7  }
0x34c: {  	v6 =	vld.idx.msk [tilespmem:v6+s16+$0x0], $0xffff;
	v9 =	vmin.u32 v9, $0x3E7  }
0x34d: {  	v11 =	vld.idx.msk [tilespmem:v2+s14+$0x0], $0xffff  }
0x34e: {  	v2 =	vld.idx.msk [tilespmem:v2+s16+$0x0], $0xffff  }
0x34f: {  	v12 =	vld.idx.msk [tilespmem:v0+s14+$0x0], $0xffff  }
0x350: {  	vm0 =	veq.s32 v10, v1;
	vm1 =	vgt.s32 v4, $0x0;
	v0 =	vld.idx.msk [tilespmem:v0+s16+$0x0], $0xffff  }
0x351: {  	v6 =	vnsel vm0, $0x0, v6;
	v10 =	vnsel vm1, $0x0, v4;
	v1 =	vld.idx.msk [tilespmem:v9+s14+$0x0], $0xffff  }
0x352: {  	[tilespmem:s22+$0x10] =	vst v6;
	v6 =	vmin.u32 v10, $0x3E7;
	v9 =	vld.idx.msk [tilespmem:v9+s16+$0x0], $0xffff;
	vm0 =	veq.s32 v11, v5  }
0x353: {  	s30 =	simm.s32 $0x580;
	v5 =	vld [tilespmem:s23+$0x20];
	v2 =	vnsel vm0, $0x0, v2  }
0x354: {  	v53 =	vld [tilespmem:s30+$0x0];
	vm0 =	vgt.s32 v3, $0x0;
	[tilespmem:s20+$0x30] =	vst v2  }
0x355: {  	v2 =	vnsel vm0, $0x0, v3;
	vm0 =	veq.s32 v12, v8;
	v8 =	vld [tilespmem:s21+$0x40]  }
0x356: {  	v10 =	vld [tilespmem:s25+$0xFFFFFF80];
	v2 =	vmin.u32 v2, $0x3E7;
	v0 =	vnsel vm0, $0x0, v0;
	vm0 =	vgt.s32 v13, $0x0  }
0x357: {  	vm1 =	veq.s32 v1, v7;
	v1 =	vld.idx.msk [tilespmem:v6+s14+$0x0], $0xffff;
	v7 =	vnsel vm0, $0x0, v13  }
0x358: {  	v6 =	vld.idx.msk [tilespmem:v6+s16+$0x0], $0xffff;
	[tilespmem:s19+$0x50] =	vst v0;
	vm0 =	vgt.s32 v5, $0x0;
	v9 =	vnsel vm1, $0x0, v9;
	v7 =	vmin.u32 v7, $0x3E7  }
0x359: {  	v0 =	vld [tilespmem:s29+$0x54];
	v11 =	vnsel vm0, $0x0, v5;
	[tilespmem:s22+$0xFFFFFF90] =	vst v9  }
0x35a: {  	v9 =	vmin.u32 v11, $0x3E7;
	v11 =	vld [tilespmem:s23+$0xFFFFFFA0];
	vm0 =	vgt.s32 v8, $0x0  }
0x35b: {  	v12 =	vld.idx.msk [tilespmem:v2+s14+$0x0], $0xffff;
	v14 =	vnsel vm0, $0x0, v8  }
0x35c: {  	v2 =	vld.idx.msk [tilespmem:v2+s16+$0x0], $0xffff;
	vm0 =	vgt.s32 v10, $0x0;
	v14 =	vmin.u32 v14, $0x3E7  }
0x35d: {  	v15 =	vnsel vm0, $0x0, v10;
	v16 =	vld.idx.msk [tilespmem:v7+s14+$0x0], $0xffff  }
0x35e: {  	v15 =	vmin.u32 v15, $0x3E7;
	v7 =	vld.idx.msk [tilespmem:v7+s16+$0x0], $0xffff  }
0x35f: {  	v17 =	vld.idx.msk [tilespmem:v9+s14+$0x0], $0xffff;
	vm0 =	vgt.s32 v11, $0x0  }
0x360: {  	v9 =	vld.idx.msk [tilespmem:v9+s16+$0x0], $0xffff;
	v18 =	vnsel vm0, $0x0, v11  }
0x361: {  	v18 =	vmin.u32 v18, $0x3E7;
	v19 =	vld.idx.msk [tilespmem:v14+s14+$0x0], $0xffff  }
0x362: {  	v14 =	vld.idx.msk [tilespmem:v14+s16+$0x0], $0xffff;
	vm0 =	veq.s32 v16, v13  }
0x363: {  	s24 =	simm.s32 $0x4380;
	v13 =	vld.idx.msk [tilespmem:v15+s14+$0x0], $0xffff;
	v7 =	vnsel vm0, $0x0, v7  }
0x364: {  	v15 =	vld.idx.msk [tilespmem:v15+s16+$0x0], $0xffff;
	vm0 =	veq.s32 v17, v5;
	[tilespmem:s24+$0x0] =	vst v7  }
0x365: {  	vm1 =	vgt.s32 v0, $0x0;
	v7 =	vnsel vm0, $0x0, v9;
	v5 =	vld [tilespmem:s25+$0x10]  }
0x366: {  	v9 =	vnsel vm1, $0x0, v0;
	[tilespmem:s22+$0x20] =	vst v7;
	vm0 =	veq.s32 v19, v8;
	v8 =	vld.idx.msk [tilespmem:v18+s14+$0x0], $0xffff  }
0x367: {  	v7 =	vmin.u32 v9, $0x3E7;
	v9 =	vnsel vm0, $0x0, v14;
	v14 =	vld [tilespmem:s23+$0x30]  }
0x368: {  	vm0 =	veq.s32 v13, v10;
	[tilespmem:s20+$0x40] =	vst v9;
	v9 =	vld.idx.msk [tilespmem:v18+s16+$0x0], $0xffff  }
0x369: {  	s28 =	simm.s32 $0x480;
	v10 =	vnsel vm0, $0x0, v15;
	v13 =	vld [tilespmem:s21+$0x50]  }
0x36a: {  	v17 =	vld [tilespmem:s28+$0x0];
	vm0 =	veq.s32 v1, v4;
	[tilespmem:s24+$0xFFFFFF80] =	vst v10;
	vm1 =	vgt.s32 v5, $0x0  }
0x36b: {  	v1 =	vnsel vm0, $0x0, v6;
	v6 =	vld [tilespmem:s25+$0xFFFFFF90];
	v10 =	vnsel vm1, $0x0, v5  }
0x36c: {  	vm0 =	veq.s32 v12, v3;
	v4 =	vld.idx.msk [tilespmem:v7+s14+$0x0], $0xffff;
	v3 =	vmin.u32 v10, $0x3E7;
	vm1 =	vgt.s32 v14, $0x0  }
0x36d: {  	[tilespmem:s20+$0xFFFFFFB0] =	vst v1;
	v1 =	vnsel vm0, $0x0, v2;
	v2 =	vld.idx.msk [tilespmem:v7+s16+$0x0], $0xffff;
	vm0 =	veq.s32 v8, v11;
	v7 =	vnsel vm1, $0x0, v14  }
0x36e: {  	[tilespmem:s19+$0xFFFFFFC0] =	vst v1;
	v10 =	vld [tilespmem:s21+$0xFFFFFFC0];
	v8 =	vnsel vm0, $0x0, v9;
	v7 =	vmin.u32 v7, $0x3E7;
	vm0 =	vgt.s32 v13, $0x0  }
0x36f: {  	v1 =	vld [tilespmem:s29+$0xFFFFFFD0];
	[tilespmem:s22+$0xFFFFFFA0] =	vst v8;
	v8 =	vnsel vm0, $0x0, v13  }
0x370: {  	vm0 =	vgt.s32 v6, $0x0;
	v9 =	vld [tilespmem:s23+$0xFFFFFFB0];
	v8 =	vmin.u32 v8, $0x3E7  }
0x371: {  	v11 =	vnsel vm0, $0x0, v6;
	v12 =	vld.idx.msk [tilespmem:v3+s14+$0x0], $0xffff  }
0x372: {  	v11 =	vmin.u32 v11, $0x3E7;
	v3 =	vld.idx.msk [tilespmem:v3+s16+$0x0], $0xffff  }
0x373: {  	v15 =	vld.idx.msk [tilespmem:v7+s14+$0x0], $0xffff  }
0x374: {  	v7 =	vld.idx.msk [tilespmem:v7+s16+$0x0], $0xffff  }
0x375: {  	v16 =	vld.idx.msk [tilespmem:v8+s14+$0x0], $0xffff  }
0x376: {  	vm0 =	vgt.s32 v9, $0x0;
	v8 =	vld.idx.msk [tilespmem:v8+s16+$0x0], $0xffff;
	vm1 =	veq.s32 v12, v5  }
0x377: {  	v5 =	vnsel vm0, $0x0, v9;
	v12 =	vld.idx.msk [tilespmem:v11+s14+$0x0], $0xffff;
	v3 =	vnsel vm1, $0x0, v3  }
0x378: {  	v11 =	vld.idx.msk [tilespmem:v11+s16+$0x0], $0xffff;
	v5 =	vmin.u32 v5, $0x3E7;
	[tilespmem:s24+$0x10] =	vst v3;
	vm1 =	veq.s32 v15, v14  }
0x379: {  	vm0 =	vgt.s32 v10, $0x0;
	v14 =	vld [tilespmem:s25+$0x20];
	v7 =	vnsel vm1, $0x0, v7  }
0x37a: {  	v54 =	vld [tilespmem:s30+$0xFFFFFF80];
	v3 =	vnsel vm0, $0x0, v10;
	[tilespmem:s22+$0x30] =	vst v7  }
0x37b: {  	v3 =	vmin.u32 v3, $0x3E7;
	vm0 =	veq.s32 v16, v13;
	v7 =	vld [tilespmem:s23+$0x40]  }
0x37c: {  	v15 =	vld [tilespmem:s28+$0xFFFFFF80];
	vm1 =	vgt.s32 v1, $0x0;
	v8 =	vnsel vm0, $0x0, v8;
	vm0 =	vgt.s32 v17, $0x0  }
0x37d: {  	v13 =	vnsel vm1, $0x0, v1;
	vm1 =	veq.s32 v12, v6;
	v16 =	vld.idx.msk [tilespmem:v5+s14+$0x0], $0xffff;
	[tilespmem:s20+$0x50] =	vst v8;
	v8 =	vnsel vm0, $0x0, v17  }
0x37e: {  	v5 =	vld.idx.msk [tilespmem:v5+s16+$0x0], $0xffff;
	v11 =	vnsel vm1, $0x0, v11;
	v8 =	vmin.u32 v8, $0x3E7;
	vm0 =	vgt.s32 v14, $0x0  }
0x37f: {  	v6 =	vld [tilespmem:s21+$0x54];
	[tilespmem:s24+$0xFFFFFF90] =	vst v11;
	v12 =	vnsel vm0, $0x0, v14  }
0x380: {  	v11 =	vmin.u32 v12, $0x3E7;
	vm0 =	vgt.s32 v7, $0x0;
	v12 =	vld [tilespmem:s25+$0xFFFFFFA0]  }
0x381: {  	v18 =	vld.idx.msk [tilespmem:v3+s14+$0x0], $0xffff;
	v42 =	vnsel vm0, $0x0, v7  }
0x382: {  	v19 =	vld.idx.msk [tilespmem:v3+s16+$0x0], $0xffff;
	vm0 =	vgt.s32 v15, $0x0;
	v20 =	vmin.u32 v42, $0x3E7  }
0x383: {  	v43 =	vnsel vm0, $0x0, v15;
	v44 =	vld.idx.msk [tilespmem:v8+s14+$0x0], $0xffff  }
0x384: {  	v8 =	vld.idx.msk [tilespmem:v8+s16+$0x0], $0xffff;
	v21 =	vmin.u32 v43, $0x3E7  }
0x385: {  	v45 =	vld.idx.msk [tilespmem:v11+s14+$0x0], $0xffff;
	vm0 =	vgt.s32 v12, $0x0  }
0x386: {  	v11 =	vld.idx.msk [tilespmem:v11+s16+$0x0], $0xffff;
	v46 =	vnsel vm0, $0x0, v12  }
0x387: {  	v25 =	vld.idx.msk [tilespmem:v20+s14+$0x0], $0xffff;
	v24 =	vmin.u32 v46, $0x3E7  }
0x388: {  	v20 =	vld.idx.msk [tilespmem:v20+s16+$0x0], $0xffff;
	vm0 =	veq.s32 v44, v17  }
0x389: {  	s26 =	simm.s32 $0x4480;
	vm1 =	vgt.s32 v6, $0x0;
	v17 =	vld.idx.msk [tilespmem:v21+s14+$0x0], $0xffff;
	v8 =	vnsel vm0, $0x0, v8  }
0x38a: {  	v47 =	vnsel vm1, $0x0, v6;
	v21 =	vld.idx.msk [tilespmem:v21+s16+$0x0], $0xffff;
	[tilespmem:s26+$0x0] =	vst v8;
	vm0 =	veq.s32 v45, v14  }
0x38b: {  	v14 =	vmin.u32 v47, $0x3E7;
	v48 =	vld [tilespmem:s28+$0x10];
	v8 =	vnsel vm0, $0x0, v11  }
0x38c: {  	vm0 =	veq.s32 v25, v7;
	v7 =	vld.idx.msk [tilespmem:v24+s14+$0x0], $0xffff;
	[tilespmem:s24+$0x20] =	vst v8  }
0x38d: {  	v8 =	vnsel vm0, $0x0, v20;
	v49 =	vld [tilespmem:s25+$0x30]  }
0x38e: {  	v13 =	vmin.u32 v13, $0x3E7;
	vm0 =	veq.s32 v17, v15;
	v15 =	vld.idx.msk [tilespmem:v24+s16+$0x0], $0xffff;
	[tilespmem:s22+$0x40] =	vst v8  }
0x38f: {  	v17 =	vld [tilespmem:s23+$0x50]  }
0x390: {  	v11 =	vnsel vm0, $0x0, v21;
	vm0 =	veq.s32 v16, v9;
	v8 =	vld.idx.msk [tilespmem:v14+s14+$0x0], $0xffff;
	vm1 =	vgt.s32 v48, $0x0  }
0x391: {  	[tilespmem:s26+$0xFFFFFF80] =	vst v11;
	v5 =	vnsel vm0, $0x0, v5;
	vm0 =	veq.s32 v18, v10;
	v10 =	vld.idx.msk [tilespmem:v14+s16+$0x0], $0xffff;
	v11 =	vnsel vm1, $0x0, v48  }
0x392: {  	v9 =	vld [tilespmem:s28+$0xFFFFFF90];
	[tilespmem:s22+$0xFFFFFFB0] =	vst v5;
	v5 =	vnsel vm0, $0x0, v19;
	v14 =	vmin.u32 v11, $0x3E7;
	vm0 =	vgt.s32 v49, $0x0  }
0x393: {  	v3 =	vld.idx.msk [tilespmem:v13+s14+$0x0], $0xffff;
	[tilespmem:s20+$0xFFFFFFC0] =	vst v5;
	vm1 =	veq.s32 v7, v12;
	v5 =	vnsel vm0, $0x0, v49  }
0x394: {  	v16 =	vld [tilespmem:s23+$0xFFFFFFC0];
	v7 =	vnsel vm1, $0x0, v15;
	v5 =	vmin.u32 v5, $0x3E7  }
0x395: {  	v12 =	vld.idx.msk [tilespmem:v13+s16+$0x0], $0xffff;
	[tilespmem:s24+$0xFFFFFFA0] =	vst v7;
	vm0 =	vgt.s32 v17, $0x0  }
0x396: {  	v13 =	vld [tilespmem:s25+$0xFFFFFFB0];
	v7 =	vnsel vm0, $0x0, v17  }
0x397: {  	vm0 =	vgt.s32 v9, $0x0;
	v7 =	vmin.u32 v7, $0x3E7;
	v18 =	vld.idx.msk [tilespmem:v14+s14+$0x0], $0xffff  }
0x398: {  	v15 =	vnsel vm0, $0x0, v9;
	v14 =	vld.idx.msk [tilespmem:v14+s16+$0x0], $0xffff  }
0x399: {  	v15 =	vmin.u32 v15, $0x3E7;
	v19 =	vld.idx.msk [tilespmem:v5+s14+$0x0], $0xffff  }
0x39a: {  	v5 =	vld.idx.msk [tilespmem:v5+s16+$0x0], $0xffff  }
0x39b: {  	v11 =	vld [tilespmem:s21+$0xFFFFFFD0];
	vm0 =	vgt.s32 v13, $0x0  }
0x39c: {  	v51 =	vnsel vm0, $0x0, v13;
	v50 =	vld.idx.msk [tilespmem:v7+s14+$0x0], $0xffff;
	vm0 =	veq.s32 v18, v48  }
0x39d: {  	v7 =	vld.idx.msk [tilespmem:v7+s16+$0x0], $0xffff;
	v18 =	vmin.u32 v51, $0x3E7;
	v14 =	vnsel vm0, $0x0, v14  }
0x39e: {  	v52 =	vld.idx.msk [tilespmem:v15+s14+$0x0], $0xffff;
	vm0 =	vgt.s32 v16, $0x0;
	[tilespmem:s26+$0x10] =	vst v14;
	vm1 =	veq.s32 v19, v49  }
0x39f: {  	v14 =	vnsel vm0, $0x0, v16;
	v19 =	vld [tilespmem:s28+$0x20];
	v5 =	vnsel vm1, $0x0, v5  }
0x3a0: {  	v15 =	vld.idx.msk [tilespmem:v15+s16+$0x0], $0xffff;
	v14 =	vmin.u32 v14, $0x3E7;
	[tilespmem:s24+$0x30] =	vst v5  }
0x3a1: {  	vm1 =	vgt.s32 v11, $0x0;
	vm0 =	veq.s32 v50, v17;
	v5 =	vld [tilespmem:s25+$0x40]  }
0x3a2: {  	v17 =	vnsel vm1, $0x0, v11;
	v55 =	vld.idx.msk [tilespmem:v18+s14+$0x0], $0xffff;
	v7 =	vnsel vm0, $0x0, v7;
	vm0 =	vgt.s32 v53, $0x0  }
0x3a3: {  	v17 =	vmin.u32 v17, $0x3E7;
	[tilespmem:s22+$0x50] =	vst v7;
	v7 =	vnsel vm0, $0x0, v53;
	vm0 =	veq.s32 v52, v9;
	v9 =	vld.idx.msk [tilespmem:v18+s16+$0x0], $0xffff  }
0x3a4: {  	v56 =	vld [tilespmem:s23+$0x54];
	v7 =	vmin.u32 v7, $0x3E7;
	vm1 =	vgt.s32 v19, $0x0  }
0x3a5: {  	v57 =	vld.idx.msk [tilespmem:v14+s14+$0x0], $0xffff;
	v15 =	vnsel vm0, $0x0, v15;
	v18 =	vnsel vm1, $0x0, v19  }
0x3a6: {  	v14 =	vld.idx.msk [tilespmem:v14+s16+$0x0], $0xffff;
	[tilespmem:s26+$0xFFFFFF90] =	vst v15;
	v18 =	vmin.u32 v18, $0x3E7;
	vm0 =	vgt.s32 v5, $0x0  }
0x3a7: {  	v58 =	vld [tilespmem:s28+$0xFFFFFFA0];
	v15 =	vnsel vm0, $0x0, v5  }
0x3a8: {  	v26 =	vld.idx.msk [tilespmem:v17+s14+$0x0], $0xffff;
	v15 =	vmin.u32 v15, $0x3E7  }
0x3a9: {  	vm1 =	vgt.s32 v54, $0x0;
	v27 =	vld.idx.msk [tilespmem:v7+s16+$0x0], $0xffff  }
0x3aa: {  	v29 =	vnsel vm1, $0x0, v54;
	v7 =	vld.idx.msk [tilespmem:v7+s14+$0x0], $0xffff  }
0x3ab: {  	v29 =	vmin.u32 v29, $0x3E7;
	vm0 =	vgt.s32 v56, $0x0;
	v30 =	vld.idx.msk [tilespmem:v18+s16+$0x0], $0xffff  }
0x3ac: {  	v28 =	vnsel vm0, $0x0, v56;
	v18 =	vld.idx.msk [tilespmem:v18+s14+$0x0], $0xffff;
	vm0 =	vgt.s32 v58, $0x0  }
0x3ad: {  	v32 =	vnsel vm0, $0x0, v58;
	v31 =	vld.idx.msk [tilespmem:v15+s16+$0x0], $0xffff  }
0x3ae: {  	v32 =	vmin.u32 v32, $0x3E7;
	v15 =	vld.idx.msk [tilespmem:v15+s14+$0x0], $0xffff  }
0x3af: {  	v17 =	vld.idx.msk [tilespmem:v17+s16+$0x0], $0xffff;
	vm0 =	veq.s32 v7, v53  }
0x3b0: {  	s31 =	simm.s32 $0x4580;
	v60 =	vld.idx.msk [tilespmem:v29+s14+$0x0], $0xffff;
	v7 =	vnsel vm0, $0x0, v27  }
0x3b1: {  	vm0 =	veq.s32 v18, v19;
	[tilespmem:s31+$0x0] =	vst v7;
	v18 =	vld.idx.msk [tilespmem:v29+s16+$0x0], $0xffff  }
0x3b2: {  	v28 =	vmin.u32 v28, $0x3E7;
	v7 =	vnsel vm0, $0x0, v30;
	v19 =	vld [tilespmem:s30+$0x10]  }
0x3b3: {  	[tilespmem:s26+$0x20] =	vst v7;
	v61 =	vld.idx.msk [tilespmem:v32+s16+$0x0], $0xffff;
	vm0 =	veq.s32 v15, v5  }
0x3b4: {  	v7 =	vld [tilespmem:s28+$0x30];
	v5 =	vnsel vm0, $0x0, v31  }
0x3b5: {  	v15 =	vld.idx.msk [tilespmem:v32+s14+$0x0], $0xffff;
	vm0 =	veq.s32 v60, v54;
	[tilespmem:s24+$0x40] =	vst v5  }
0x3b6: {  	vm1 =	veq.s32 v55, v13;
	v13 =	vnsel vm0, $0x0, v18;
	v5 =	vld [tilespmem:s25+$0x50]  }
0x3b7: {  	v9 =	vnsel vm1, $0x0, v9;
	v59 =	vld.idx.msk [tilespmem:v28+s14+$0x0], $0xffff;
	vm0 =	veq.s32 v57, v16;
	[tilespmem:s31+$0xFFFFFF80] =	vst v13;
	vm1 =	vgt.s32 v19, $0x0  }
0x3b8: {  	[tilespmem:s24+$0xFFFFFFB0] =	vst v9;
	v13 =	vnsel vm0, $0x0, v14;
	v9 =	vld [tilespmem:s30+$0xFFFFFF90];
	v14 =	vnsel vm1, $0x0, v19  }
0x3b9: {  	v18 =	vld.idx.msk [tilespmem:v28+s16+$0x0], $0xffff;
	vm0 =	veq.s32 v3, v1;
	[tilespmem:s22+$0xFFFFFFC0] =	vst v13;
	v13 =	vmin.u32 v14, $0x3E7;
	vm1 =	vgt.s32 v7, $0x0  }
0x3ba: {  	v3 =	vld [tilespmem:s25+$0xFFFFFFC0];
	v12 =	vnsel vm0, $0x0, v12;
	vm0 =	veq.s32 v15, v58;
	v14 =	vnsel vm1, $0x0, v7  }
0x3bb: {  	v1 =	vld [tilespmem:s23+$0xFFFFFFD0];
	[tilespmem:s19+$0xFFFFFFD0] =	vst v12;
	v12 =	vnsel vm0, $0x0, v61;
	v14 =	vmin.u32 v14, $0x3E7;
	vm0 =	vgt.s32 v5, $0x0  }
0x3bc: {  	vm1 =	veq.s32 v4, v0;
	v0 =	vld [tilespmem:s29+$0xFFFFFFD4];
	[tilespmem:s26+$0xFFFFFFA0] =	vst v12;
	v4 =	vnsel vm0, $0x0, v5  }
0x3bd: {  	vm0 =	veq.s32 v8, v6;
	vm2 =	vgt.s32 v9, $0x0;
	v8 =	vld [tilespmem:s28+$0xFFFFFFB0];
	v62 =	vmin.u32 v4, $0x3E7  }
0x3be: {  	v2 =	vnsel vm1, $0x0, v2;
	vm1 =	veq.s32 v26, v11;
	v4 =	vnsel vm2, $0x0, v9;
	v63 =	vld.idx.msk [tilespmem:v13+s14+$0x0], $0xffff  }
0x3bf: {  	v10 =	vnsel vm0, $0x0, v10;
	vm0 =	vgt.s32 v3, $0x0;
	v16 =	vld.idx.msk [tilespmem:v13+s16+$0x0], $0xffff;
	v15 =	vmin.u32 v4, $0x3E7  }
0x3c0: {  	vm2 =	veq.s32 v59, v56;
	v13 =	vnsel vm1, $0x0, v17;
	v4 =	vnsel vm0, $0x0, v3;
	v12 =	vld.idx.msk [tilespmem:v14+s14+$0x0], $0xffff  }
0x3c1: {  	[tilespmem:s19+$0x54] =	vst v2;
	vm0 =	vgt.s32 v1, $0x0;
	v2 =	vnsel vm2, $0x0, v18;
	v6 =	vmin.u32 v4, $0x3E7;
	v14 =	vld.idx.msk [tilespmem:v14+s16+$0x0], $0xffff  }
0x3c2: {  	[tilespmem:s20+$0x54] =	vst v10;
	v4 =	vnsel vm0, $0x0, v1;
	vm0 =	vgt.s32 v0, $0x0;
	vm1 =	vgt.s32 v8, $0x0;
	v10 =	vld.idx.msk [tilespmem:v62+s14+$0x0], $0xffff  }
0x3c3: {  	[tilespmem:s22+$0x54] =	vst v2;
	v4 =	vmin.u32 v4, $0x3E7;
	v2 =	vnsel vm0, $0x0, v0;
	v18 =	vnsel vm1, $0x0, v8;
	v11 =	vld.idx.msk [tilespmem:v62+s16+$0x0], $0xffff  }
0x3c4: {  	s0 =	simm.s32 $0x680;
	s29 =	simm.s32 $0xA;
	[tilespmem:s20+$0xFFFFFFD0] =	vst v13;
	v2 =	vmin.u32 v2, $0x3E7;
	vm0 =	veq.s32 v63, v19;
	v17 =	vld.idx.msk [tilespmem:v15+s14+$0x0], $0xffff;
	v13 =	vmin.u32 v18, $0x3E7  }
.LBB2_6:
0x3c5: {  	v18 =	vld [tilespmem:s0+$0x0];
	v16 =	vnsel vm0, $0x0, v16;
	s4 =	smov.u32 s31  }
0x3c6: {  	vm0 =	veq.s32 v12, v7;
	v19 =	vld [tilespmem:s0+$0xFFFFFF80];
	[tilespmem:s31+$0x10] =	vst v16  }
0x3c7: {  	v12 =	vnsel vm0, $0x0, v14;
	v7 =	vld [tilespmem:s30+$0x20]  }
0x3c8: {  	vm0 =	veq.s32 v10, v5;
	v14 =	vld.idx.msk [tilespmem:v15+s16+$0x0], $0xffff;
	[tilespmem:s26+$0x30] =	vst v12  }
0x3c9: {  	v10 =	vnsel vm0, $0x0, v11;
	v5 =	vld [tilespmem:s28+$0x40]  }
0x3ca: {  	vm1 =	veq.s32 v17, v9;
	vm0 =	vgt.s32 v18, $0x0;
	v9 =	vld.idx.msk [tilespmem:v13+s14+$0x0], $0xffff;
	[tilespmem:s24+$0x50] =	vst v10  }
0x3cb: {  	s29 =	sadd.s32 $0x2, s29;
	vm2 =	vgt.s32 v19, $0x0;
	v10 =	vnsel vm0, $0x0, v18;
	v11 =	vld [tilespmem:s25+$0x54]  }
0x3cc: {  	p0 =	slt.u32 s29, $0x7E;
	v12 =	vnsel vm2, $0x0, v19;
	v10 =	vmin.u32 v10, $0x3E7;
	vm0 =	vgt.s32 v7, $0x0;
	v13 =	vld.idx.msk [tilespmem:v13+s16+$0x0], $0xffff  }
0x3cd: {  	v12 =	vmin.u32 v12, $0x3E7;
	v15 =	vnsel vm0, $0x0, v7;
	v16 =	vld.idx.msk [tilespmem:v6+s14+$0x0], $0xffff  }
0x3ce: {  	v14 =	vnsel vm1, $0x0, v14;
	v15 =	vmin.u32 v15, $0x3E7;
	vm0 =	vgt.s32 v5, $0x0;
	v6 =	vld.idx.msk [tilespmem:v6+s16+$0x0], $0xffff  }
0x3cf: {  	[tilespmem:s31+$0xFFFFFF90] =	vst v14;
	v14 =	vnsel vm0, $0x0, v5;
	v17 =	vld.idx.msk [tilespmem:v4+s14+$0x0], $0xffff  }
0x3d0: {  	vm0 =	veq.s32 v9, v8;
	v20 =	vld [tilespmem:s30+$0xFFFFFFA0];
	v8 =	vmin.u32 v14, $0x3E7;
	vm1 =	vgt.s32 v11, $0x0  }
0x3d1: {  	v9 =	vld.idx.msk [tilespmem:v10+s16+$0x0], $0xffff;
	v14 =	vnsel vm1, $0x0, v11  }
0x3d2: {  	v13 =	vnsel vm0, $0x0, v13;
	v10 =	vld.idx.msk [tilespmem:v10+s14+$0x0], $0xffff;
	v14 =	vmin.u32 v14, $0x3E7  }
0x3d3: {  	vm0 =	veq.s32 v16, v3;
	v21 =	vld.idx.msk [tilespmem:v15+s16+$0x0], $0xffff;
	[tilespmem:s26+$0xFFFFFFB0] =	vst v13  }
0x3d4: {  	v6 =	vnsel vm0, $0x0, v6;
	v3 =	vld.idx.msk [tilespmem:v15+s14+$0x0], $0xffff  }
0x3d5: {  	vm0 =	veq.s32 v17, v1;
	vm1 =	vgt.s32 v20, $0x0;
	v13 =	vld.idx.msk [tilespmem:v8+s16+$0x0], $0xffff;
	[tilespmem:s24+$0xFFFFFFC0] =	vst v6  }
0x3d6: {  	v1 =	vnsel vm1, $0x0, v20;
	v6 =	vld.idx.msk [tilespmem:v8+s14+$0x0], $0xffff  }
0x3d7: {  	v1 =	vmin.u32 v1, $0x3E7;
	v8 =	vld.idx.msk [tilespmem:v14+s14+$0x0], $0xffff  }
0x3d8: {  	v14 =	vld.idx.msk [tilespmem:v14+s16+$0x0], $0xffff  }
0x3d9: {  	vm1 =	veq.s32 v10, v18;
	v15 =	vld.idx.msk [tilespmem:v12+s14+$0x0], $0xffff  }
0x3da: {  	s31 =	sadd.s32 $0x100, s31;
	v9 =	vnsel vm1, $0x0, v9;
	v10 =	vld.idx.msk [tilespmem:v12+s16+$0x0], $0xffff  }
0x3db: {  	vm1 =	veq.s32 v3, v7;
	[tilespmem:s31+$0x0] =	vst v9;
	v3 =	vld [tilespmem:s28+$0xFFFFFFC0]  }
0x3dc: {  	v7 =	vnsel vm1, $0x0, v21;
	vm1 =	veq.s32 v6, v5;
	v18 =	vld [tilespmem:s0+$0x10]  }
0x3dd: {  	v5 =	vnsel vm1, $0x0, v13;
	vm1 =	veq.s32 v8, v11;
	v12 =	vld.idx.msk [tilespmem:v1+s14+$0x0], $0xffff;
	[tilespmem:s4+$0x20] =	vst v7  }
0x3de: {  	v7 =	vld [tilespmem:s30+$0x30];
	[tilespmem:s26+$0x40] =	vst v5;
	v5 =	vnsel vm1, $0x0, v14  }
0x3df: {  	vm1 =	veq.s32 v15, v19;
	v8 =	vld.idx.msk [tilespmem:v1+s16+$0x0], $0xffff;
	[tilespmem:s24+$0x54] =	vst v5  }
0x3e0: {  	v1 =	vnsel vm1, $0x0, v10;
	vm1 =	vgt.s32 v3, $0x0;
	v5 =	vld [tilespmem:s28+$0x50]  }
0x3e1: {  	[tilespmem:s31+$0xFFFFFF80] =	vst v1;
	vm2 =	vgt.s32 v18, $0x0;
	v6 =	vnsel vm1, $0x0, v3;
	v1 =	vld [tilespmem:s25+$0xFFFFFFD0]  }
0x3e2: {  	v9 =	vld [tilespmem:s0+$0xFFFFFF90];
	v10 =	vnsel vm2, $0x0, v18;
	v6 =	vmin.u32 v6, $0x3E7  }
0x3e3: {  	vm1 =	veq.s32 v12, v20;
	v10 =	vmin.u32 v10, $0x3E7;
	vm2 =	vgt.s32 v7, $0x0;
	v11 =	vld.idx.msk [tilespmem:v4+s16+$0x0], $0xffff  }
0x3e4: {  	v4 =	vnsel vm2, $0x0, v7;
	v13 =	vld [tilespmem:s21+$0xFFFFFFD4];
	s21 =	smov.u32 s23;
	s23 =	smov.u32 s25;
	s25 =	smov.u32 s28  }
0x3e5: {  	v8 =	vnsel vm1, $0x0, v8;
	s28 =	smov.u32 s30;
	s30 =	smov.u32 s0;
	v14 =	vmin.u32 v4, $0x3E7;
	vm1 =	vgt.s32 v5, $0x0;
	v17 =	vld.idx.msk [tilespmem:v2+s14+$0x0], $0xffff  }
0x3e6: {  	[tilespmem:s4+$0xFFFFFFA0] =	vst v8;
	v4 =	vnsel vm1, $0x0, v5;
	vm1 =	vgt.s32 v1, $0x0;
	v19 =	vld.idx.msk [tilespmem:v2+s16+$0x0], $0xffff  }
0x3e7: {  	vm2 =	vgt.s32 v9, $0x0;
	v8 =	vld [tilespmem:s28+$0xFFFFFFB0];
	v20 =	vmin.u32 v4, $0x3E7;
	v2 =	vnsel vm1, $0x0, v1  }
0x3e8: {  	v12 =	vnsel vm2, $0x0, v9;
	v21 =	vld.idx.msk [tilespmem:v10+s14+$0x0], $0xffff;
	v4 =	vmin.u32 v2, $0x3E7  }
0x3e9: {  	v2 =	vnsel vm0, $0x0, v11;
	v15 =	vmin.u32 v12, $0x3E7;
	v16 =	vld.idx.msk [tilespmem:v10+s16+$0x0], $0xffff;
	vm0 =	vgt.s32 v13, $0x0  }
.Ltmp2:
0x3ea: {  	v12 =	vld.idx.msk [tilespmem:v14+s14+$0x0], $0xffff;
	[tilespmem:s22+$0xFFFFFFD0] =	vst v2;
	v2 =	vnsel vm0, $0x0, v13;
	(pc) =	sbr.rel @p0 .LBB2_6-.Ltmp2, $4  }
0x3eb: {  	vm0 =	veq.s32 v17, v0;
	v0 =	vmov v13;
	v14 =	vld.idx.msk [tilespmem:v14+s16+$0x0], $0xffff;
	v2 =	vmin.u32 v2, $0x3E7  }
0x3ec: {  	v13 =	vnsel vm0, $0x0, v19;
	vm1 =	vgt.s32 v8, $0x0;
	v10 =	vld.idx.msk [tilespmem:v20+s14+$0x0], $0xffff  }
0x3ed: {  	v19 =	vnsel vm1, $0x0, v8;
	v11 =	vld.idx.msk [tilespmem:v20+s16+$0x0], $0xffff;
	[tilespmem:s19+$0xFFFFFFD4] =	vst v13;
	s19 =	smov.u32 s20;
	s20 =	smov.u32 s22;
	s22 =	smov.u32 s24  }
0x3ee: {  	s0 =	sadd.s32 $0x100, s0;
	vm0 =	veq.s32 v21, v18;
	s24 =	smov.u32 s26;
	s26 =	smov.u32 s4;
	v17 =	vld.idx.msk [tilespmem:v15+s14+$0x0], $0xffff;
	v13 =	vmin.u32 v19, $0x3E7  }
0x3ef: {  	v16 =	vnsel vm0, $0x0, v16  }
0x3f0: {  	[tilespmem:s31+$0x10] =	vst v16  }
0x3f1: {  	v16 =	vld [tilespmem:s30+$0x20];
	_ =	sdelay $0x3  }
0x3f2: {  	v15 =	vld.idx.msk [tilespmem:v15+s16+$0x0], $0xffff  }
0x3f3: {  	vm0 =	vgt.s32 v16, $0x0  }
0x3f4: {  	v18 =	vnsel vm0, $0x0, v16  }
0x3f5: {  	v18 =	vmin.u32 v18, $0x3E7  }
0x3f6: {  	vm0 =	veq.s32 v17, v9  }
0x3f7: {  	v9 =	vnsel vm0, $0x0, v15  }
0x3f8: {  	[tilespmem:s31+$0xFFFFFF90] =	vst v9  }
0x3f9: {  	v9 =	vld [tilespmem:s30+$0xFFFFFFA0]  }
0x3fa: {  	v15 =	vld.idx.msk [tilespmem:v18+s14+$0x0], $0xffff  }
0x3fb: {  	v17 =	vld.idx.msk [tilespmem:v18+s16+$0x0], $0xffff;
	_ =	sdelay $0x2  }
0x3fc: {  	vm0 =	vgt.s32 v9, $0x0  }
0x3fd: {  	v18 =	vnsel vm0, $0x0, v9;
	vm0 =	veq.s32 v15, v16  }
0x3fe: {  	v15 =	vmin.u32 v18, $0x3E7;
	v16 =	vnsel vm0, $0x0, v17  }
0x3ff: {  	[tilespmem:s31+$0x20] =	vst v16  }
0x400: {  	v16 =	vld [tilespmem:s30+$0x30];
	_ =	sdelay $0x2  }
0x401: {  	v17 =	vld.idx.msk [tilespmem:v15+s14+$0x0], $0xffff  }
0x402: {  	v15 =	vld.idx.msk [tilespmem:v15+s16+$0x0], $0xffff  }
0x403: {  	vm0 =	vgt.s32 v16, $0x0  }
0x404: {  	v18 =	vnsel vm0, $0x0, v16  }
0x405: {  	v18 =	vmin.u32 v18, $0x3E7  }
0x406: {  	vm0 =	veq.s32 v17, v9  }
0x407: {  	v9 =	vnsel vm0, $0x0, v15  }
0x408: {  	[tilespmem:s31+$0xFFFFFFA0] =	vst v9  }
0x409: {  	v9 =	vld [tilespmem:s30+$0xFFFFFFB0]  }
0x40a: {  	vm0 =	veq.s32 v12, v7;
	v7 =	vld.idx.msk [tilespmem:v18+s14+$0x0], $0xffff  }
0x40b: {  	v12 =	vnsel vm0, $0x0, v14;
	v14 =	vld.idx.msk [tilespmem:v18+s16+$0x0], $0xffff  }
0x40c: {  	[tilespmem:s26+$0x30] =	vst v12  }
0x40d: {  	v12 =	vld [tilespmem:s28+$0x40]  }
0x40e: {  	vm0 =	vgt.s32 v9, $0x0  }
0x40f: {  	v15 =	vnsel vm0, $0x0, v9;
	vm0 =	veq.s32 v7, v16  }
0x410: {  	v7 =	vmin.u32 v15, $0x3E7;
	v14 =	vnsel vm0, $0x0, v14  }
0x411: {  	[tilespmem:s31+$0x30] =	vst v14  }
0x412: {  	vm0 =	vgt.s32 v12, $0x0;
	v14 =	vld [tilespmem:s30+$0x40]  }
0x413: {  	v15 =	vld.idx.msk [tilespmem:v13+s14+$0x0], $0xffff;
	v16 =	vnsel vm0, $0x0, v12  }
0x414: {  	v13 =	vld.idx.msk [tilespmem:v13+s16+$0x0], $0xffff;
	v16 =	vmin.u32 v16, $0x3E7  }
0x415: {  	v17 =	vld.idx.msk [tilespmem:v7+s14+$0x0], $0xffff  }
0x416: {  	v7 =	vld.idx.msk [tilespmem:v7+s16+$0x0], $0xffff  }
0x417: {  	vm0 =	vgt.s32 v14, $0x0  }
0x418: {  	vm1 =	veq.s32 v15, v8;
	v8 =	vnsel vm0, $0x0, v14  }
0x419: {  	v13 =	vnsel vm1, $0x0, v13;
	v15 =	vld.idx.msk [tilespmem:v16+s16+$0x0], $0xffff;
	v8 =	vmin.u32 v8, $0x3E7  }
0x41a: {  	[tilespmem:s26+$0xFFFFFFB0] =	vst v13;
	v13 =	vld.idx.msk [tilespmem:v16+s14+$0x0], $0xffff;
	vm0 =	veq.s32 v17, v9  }
0x41b: {  	v9 =	vld [tilespmem:s28+$0xFFFFFFC0];
	v7 =	vnsel vm0, $0x0, v7  }
0x41c: {  	[tilespmem:s31+$0xFFFFFFB0] =	vst v7  }
0x41d: {  	v7 =	vld [tilespmem:s30+$0xFFFFFFC0]  }
0x41e: {  	vm0 =	veq.s32 v10, v5;
	v5 =	vld.idx.msk [tilespmem:v8+s14+$0x0], $0xffff  }
0x41f: {  	v10 =	vnsel vm0, $0x0, v11;
	vm0 =	veq.s32 v13, v12;
	v8 =	vld.idx.msk [tilespmem:v8+s16+$0x0], $0xffff  }
0x420: {  	[tilespmem:s24+$0x50] =	vst v10;
	v10 =	vnsel vm0, $0x0, v15;
	vm0 =	vgt.s32 v9, $0x0  }
0x421: {  	v11 =	vld [tilespmem:s25+$0x54];
	[tilespmem:s26+$0x40] =	vst v10;
	v10 =	vnsel vm0, $0x0, v9  }
0x422: {  	v12 =	vld [tilespmem:s28+$0x50];
	v10 =	vmin.u32 v10, $0x3E7;
	vm0 =	vgt.s32 v7, $0x0  }
0x423: {  	vm1 =	veq.s32 v5, v14;
	v5 =	vnsel vm0, $0x0, v7  }
0x424: {  	v13 =	vld.idx.msk [tilespmem:v6+s14+$0x0], $0xffff;
	v8 =	vnsel vm1, $0x0, v8;
	v5 =	vmin.u32 v5, $0x3E7  }
0x425: {  	v6 =	vld.idx.msk [tilespmem:v6+s16+$0x0], $0xffff;
	[tilespmem:s31+$0x40] =	vst v8  }
0x426: {  	vm0 =	vgt.s32 v11, $0x0;
	v8 =	vld [tilespmem:s30+$0x50]  }
0x427: {  	v14 =	vnsel vm0, $0x0, v11;
	vm0 =	vgt.s32 v12, $0x0;
	v15 =	vld.idx.msk [tilespmem:v10+s14+$0x0], $0xffff  }
0x428: {  	v16 =	vnsel vm0, $0x0, v12;
	v10 =	vld.idx.msk [tilespmem:v10+s16+$0x0], $0xffff  }
0x429: {  	vm0 =	veq.s32 v13, v3;
	v3 =	vmin.u32 v16, $0x3E7;
	v13 =	vld.idx.msk [tilespmem:v5+s14+$0x0], $0xffff  }
0x42a: {  	v6 =	vnsel vm0, $0x0, v6;
	v5 =	vld.idx.msk [tilespmem:v5+s16+$0x0], $0xffff  }
0x42b: {  	v16 =	vld.idx.msk [tilespmem:v4+s14+$0x0], $0xffff;
	[tilespmem:s24+$0xFFFFFFC0] =	vst v6;
	vm0 =	vgt.s32 v8, $0x0  }
0x42c: {  	v6 =	vld [tilespmem:s25+$0xFFFFFFD0];
	vm1 =	veq.s32 v15, v9;
	v9 =	vnsel vm0, $0x0, v8  }
0x42d: {  	v4 =	vld.idx.msk [tilespmem:v4+s16+$0x0], $0xffff;
	v10 =	vnsel vm1, $0x0, v10;
	v9 =	vmin.u32 v9, $0x3E7  }
0x42e: {  	v17 =	vld.idx.msk [tilespmem:v3+s14+$0x0], $0xffff;
	[tilespmem:s26+$0xFFFFFFC0] =	vst v10;
	vm0 =	veq.s32 v13, v7  }
0x42f: {  	v14 =	vmin.u32 v14, $0x3E7;
	v7 =	vld [tilespmem:s28+$0xFFFFFFD0];
	v5 =	vnsel vm0, $0x0, v5  }
0x430: {  	v3 =	vld.idx.msk [tilespmem:v3+s16+$0x0], $0xffff;
	[tilespmem:s31+$0xFFFFFFC0] =	vst v5  }
0x431: {  	vm0 =	vgt.s32 v6, $0x0;
	v5 =	vld [tilespmem:s30+$0xFFFFFFD0]  }
0x432: {  	v10 =	vnsel vm0, $0x0, v6;
	v13 =	vld.idx.msk [tilespmem:v9+s14+$0x0], $0xffff  }
0x433: {  	v10 =	vmin.u32 v10, $0x3E7;
	v9 =	vld.idx.msk [tilespmem:v9+s16+$0x0], $0xffff  }
0x434: {  	v15 =	vld.idx.msk [tilespmem:v14+s14+$0x0], $0xffff;
	vm0 =	veq.s32 v17, v12;
	vm1 =	vgt.s32 v7, $0x0  }
0x435: {  	v14 =	vld.idx.msk [tilespmem:v14+s16+$0x0], $0xffff;
	v3 =	vnsel vm0, $0x0, v3;
	v12 =	vnsel vm1, $0x0, v7  }
0x436: {  	v17 =	vld [tilespmem:s21+$0xFFFFFFD4];
	[tilespmem:s26+$0x50] =	vst v3;
	v3 =	vmin.u32 v12, $0x3E7;
	vm0 =	vgt.s32 v5, $0x0  }
0x437: {  	v12 =	vld [tilespmem:s28+$0x54];
	vm1 =	veq.s32 v13, v8;
	v8 =	vnsel vm0, $0x0, v5  }
0x438: {  	v13 =	vld.idx.msk [tilespmem:v10+s14+$0x0], $0xffff;
	v9 =	vnsel vm1, $0x0, v9;
	v8 =	vmin.u32 v8, $0x3E7  }
0x439: {  	v10 =	vld.idx.msk [tilespmem:v10+s16+$0x0], $0xffff;
	[tilespmem:s31+$0x50] =	vst v9  }
0x43a: {  	v9 =	vld [tilespmem:s30+$0x54]  }
0x43b: {  	v18 =	vld.idx.msk [tilespmem:v3+s14+$0x0], $0xffff  }
0x43c: {  	vm0 =	veq.s32 v16, v1;
	v1 =	vld.idx.msk [tilespmem:v3+s16+$0x0], $0xffff  }
0x43d: {  	v3 =	vnsel vm0, $0x0, v4;
	vm0 =	vgt.s32 v12, $0x0;
	v4 =	vld.idx.msk [tilespmem:v8+s14+$0x0], $0xffff  }
0x43e: {  	[tilespmem:s22+$0xFFFFFFD0] =	vst v3;
	v3 =	vnsel vm0, $0x0, v12;
	vm0 =	veq.s32 v13, v6;
	v6 =	vld.idx.msk [tilespmem:v8+s16+$0x0], $0xffff  }
0x43f: {  	v3 =	vmin.u32 v3, $0x3E7;
	v8 =	vld [tilespmem:s23+$0xFFFFFFD4];
	v10 =	vnsel vm0, $0x0, v10  }
0x440: {  	v13 =	vld.idx.msk [tilespmem:v2+s14+$0x0], $0xffff;
	vm0 =	vgt.s32 v17, $0x0;
	[tilespmem:s24+$0xFFFFFFD0] =	vst v10;
	vm1 =	veq.s32 v18, v7  }
0x441: {  	v7 =	vnsel vm0, $0x0, v17;
	v10 =	vld [tilespmem:s25+$0xFFFFFFD4];
	v1 =	vnsel vm1, $0x0, v1  }
0x442: {  	v2 =	vld.idx.msk [tilespmem:v2+s16+$0x0], $0xffff;
	vm0 =	vgt.s32 v9, $0x0;
	v7 =	vmin.u32 v7, $0x3E7;
	[tilespmem:s26+$0xFFFFFFD0] =	vst v1;
	vm1 =	veq.s32 v4, v5  }
0x443: {  	v1 =	vnsel vm0, $0x0, v9;
	v4 =	vld [tilespmem:s28+$0xFFFFFFD4];
	v5 =	vnsel vm1, $0x0, v6  }
0x444: {  	vm0 =	vgt.s32 v8, $0x0;
	v1 =	vmin.u32 v1, $0x3E7;
	v6 =	vld.idx.msk [tilespmem:v3+s14+$0x0], $0xffff;
	[tilespmem:s31+$0xFFFFFFD0] =	vst v5  }
0x445: {  	v5 =	vnsel vm0, $0x0, v8;
	v16 =	vld [tilespmem:s30+$0xFFFFFFD4]  }
0x446: {  	v3 =	vld.idx.msk [tilespmem:v3+s16+$0x0], $0xffff;
	vm0 =	vgt.s32 v10, $0x0;
	v5 =	vmin.u32 v5, $0x3E7  }
0x447: {  	v18 =	vld.idx.msk [tilespmem:v7+s14+$0x0], $0xffff;
	v19 =	vnsel vm0, $0x0, v10  }
0x448: {  	v7 =	vld.idx.msk [tilespmem:v7+s16+$0x0], $0xffff;
	v19 =	vmin.u32 v19, $0x3E7;
	vm0 =	vgt.s32 v4, $0x0  }
0x449: {  	v20 =	vld.idx.msk [tilespmem:v1+s14+$0x0], $0xffff;
	v21 =	vnsel vm0, $0x0, v4  }
0x44a: {  	v1 =	vld.idx.msk [tilespmem:v1+s16+$0x0], $0xffff;
	v21 =	vmin.u32 v21, $0x3E7;
	vm0 =	vgt.s32 v16, $0x0  }
0x44b: {  	v22 =	vld.idx.msk [tilespmem:v5+s14+$0x0], $0xffff;
	v23 =	vnsel vm0, $0x0, v16  }
0x44c: {  	v5 =	vld.idx.msk [tilespmem:v5+s16+$0x0], $0xffff;
	v23 =	vmin.u32 v23, $0x3E7  }
0x44d: {  	v24 =	vld.idx.msk [tilespmem:v19+s14+$0x0], $0xffff  }
0x44e: {  	vm0 =	veq.s32 v15, v11;
	v11 =	vld.idx.msk [tilespmem:v19+s16+$0x0], $0xffff  }
0x44f: {  	v14 =	vnsel vm0, $0x0, v14;
	vm0 =	veq.s32 v13, v0;
	v0 =	vld.idx.msk [tilespmem:v21+s14+$0x0], $0xffff  }
0x450: {  	[tilespmem:s24+$0x54] =	vst v14;
	v2 =	vnsel vm0, $0x0, v2;
	vm0 =	veq.s32 v6, v12;
	v6 =	vld.idx.msk [tilespmem:v21+s16+$0x0], $0xffff  }
0x451: {  	[tilespmem:s19+$0xFFFFFFD4] =	vst v2;
	v2 =	vnsel vm0, $0x0, v3;
	vm0 =	veq.s32 v18, v17;
	v3 =	vld.idx.msk [tilespmem:v23+s14+$0x0], $0xffff  }
0x452: {  	[tilespmem:s26+$0x54] =	vst v2;
	v2 =	vnsel vm0, $0x0, v7;
	vm0 =	veq.s32 v20, v9;
	v7 =	vld.idx.msk [tilespmem:v23+s16+$0x0], $0xffff  }
0x453: {  	[tilespmem:s20+$0xFFFFFFD4] =	vst v2;
	v1 =	vnsel vm0, $0x0, v1;
	vm0 =	veq.s32 v22, v8  }
0x454: {  	[tilespmem:s31+$0x54] =	vst v1;
	v1 =	vnsel vm0, $0x0, v5;
	vm0 =	veq.s32 v24, v10  }
0x455: {  	[tilespmem:s22+$0xFFFFFFD4] =	vst v1;
	v1 =	vnsel vm0, $0x0, v11;
	vm0 =	veq.s32 v0, v4  }
0x456: {  	[tilespmem:s24+$0xFFFFFFD4] =	vst v1;
	v0 =	vnsel vm0, $0x0, v6;
	vm0 =	veq.s32 v3, v16  }
0x457: {  	[tilespmem:s26+$0xFFFFFFD4] =	vst v0;
	v0 =	vnsel vm0, $0x0, v7  }
0x458: {  	[tilespmem:s31+$0xFFFFFFD4] =	vst v0  }
0x459: {  	[hbm4b:s10+s3] =	stream.linear.scatter [tilespmem:s17], [sflag:$0x1], $0x4000, $0x38;
	[tilespmem:$0x8800] =	vst v63  }
0x45a: {  	_ =	swait.ge [sflag:s15], $0x4000  }
0x45b: {  	[sflag:s15] =	ssyncset.done $0x0  }
0x45c: {  	[sflag:s15] =	ssyncadd.s32 $0xFFFFC000  }
0x45d: {  	[tilespmem:s3], [sflag:$0x1] =	stream.linear.gather [hbm4b:s11+s3], $0x4000, $0x38;
	[tilespmem:$0x8800] =	vst v63  }
0x45e: {  	_ =	swait.ge [sflag:s15], $0x4000  }
0x45f: {  	[sflag:s15] =	ssyncset.done $0x0  }
0x460: {  	s29 =	simm.s32 $0x80;
	[sflag:s15] =	ssyncadd.s32 $0xFFFFC000  }
0x461: {  	v0 =	vld [tilespmem:s29+$0x0];
	_ =	sdelay $0x4  }
0x462: {  	vm0 =	vgt.s32 v0, $0x0  }
0x463: {  	v1 =	vnsel vm0, $0x0, v0  }
0x464: {  	v1 =	vmin.u32 v1, $0x3E7;
	_ =	sdelay $0x4  }
0x465: {  	v2 =	vld.idx.msk [tilespmem:v1+s14+$0x0], $0xffff  }
0x466: {  	v1 =	vld.idx.msk [tilespmem:v1+s16+$0x0], $0xffff  }
0x467: {  	v3 =	vld [tilespmem:s29+$0xFFFFFF80];
	_ =	sdelay $0x2  }
0x468: {  	vm0 =	veq.s32 v2, v0  }
0x469: {  	s19 =	simm.s32 $0x4080;
	v0 =	vnsel vm0, $0x0, v1  }
0x46a: {  	vm0 =	vgt.s32 v3, $0x0;
	[tilespmem:s19+$0x0] =	vst v0  }
0x46b: {  	v0 =	vnsel vm0, $0x0, v3;
	v1 =	vld [tilespmem:s29+$0x10]  }
0x46c: {  	v0 =	vmin.u32 v0, $0x3E7;
	_ =	sdelay $0x3  }
0x46d: {  	vm0 =	vgt.s32 v1, $0x0  }
0x46e: {  	v2 =	vld.idx.msk [tilespmem:v0+s14+$0x0], $0xffff;
	v4 =	vnsel vm0, $0x0, v1  }
0x46f: {  	v0 =	vld.idx.msk [tilespmem:v0+s16+$0x0], $0xffff;
	v4 =	vmin.u32 v4, $0x3E7;
	_ =	sdelay $0x3  }
0x470: {  	vm0 =	veq.s32 v2, v3  }
0x471: {  	v0 =	vnsel vm0, $0x0, v0;
	v2 =	vld.idx.msk [tilespmem:v4+s14+$0x0], $0xffff  }
0x472: {  	[tilespmem:s19+$0xFFFFFF80] =	vst v0;
	v0 =	vld.idx.msk [tilespmem:v4+s16+$0x0], $0xffff  }
0x473: {  	v3 =	vld [tilespmem:s29+$0xFFFFFF90];
	_ =	sdelay $0x2  }
0x474: {  	s21 =	simm.s32 $0x180;
	vm0 =	veq.s32 v2, v1  }
0x475: {  	v1 =	vld [tilespmem:s21+$0x0];
	v0 =	vnsel vm0, $0x0, v0  }
0x476: {  	vm0 =	vgt.s32 v3, $0x0;
	[tilespmem:s19+$0x10] =	vst v0  }
0x477: {  	v0 =	vnsel vm0, $0x0, v3;
	v2 =	vld [tilespmem:s29+$0x20]  }
0x478: {  	v0 =	vmin.u32 v0, $0x3E7;
	_ =	sdelay $0x1  }
0x479: {  	vm0 =	vgt.s32 v1, $0x0  }
0x47a: {  	v4 =	vld [tilespmem:s21+$0xFFFFFF80];
	v5 =	vnsel vm0, $0x0, v1  }
0x47b: {  	v5 =	vmin.u32 v5, $0x3E7;
	vm0 =	vgt.s32 v2, $0x0  }
0x47c: {  	v6 =	vld.idx.msk [tilespmem:v0+s14+$0x0], $0xffff;
	v7 =	vnsel vm0, $0x0, v2  }
0x47d: {  	v0 =	vld.idx.msk [tilespmem:v0+s16+$0x0], $0xffff;
	v7 =	vmin.u32 v7, $0x3E7;
	_ =	sdelay $0x1  }
0x47e: {  	vm0 =	vgt.s32 v4, $0x0  }
0x47f: {  	v8 =	vnsel vm0, $0x0, v4;
	v9 =	vld.idx.msk [tilespmem:v5+s14+$0x0], $0xffff  }
0x480: {  	v8 =	vmin.u32 v8, $0x3E7;
	v5 =	vld.idx.msk [tilespmem:v5+s16+$0x0], $0xffff;
	vm0 =	veq.s32 v6, v3  }
0x481: {  	v0 =	vnsel vm0, $0x0, v0;
	v3 =	vld.idx.msk [tilespmem:v7+s14+$0x0], $0xffff  }
0x482: {  	[tilespmem:s19+$0xFFFFFF90] =	vst v0;
	v0 =	vld.idx.msk [tilespmem:v7+s16+$0x0], $0xffff  }
0x483: {  	v6 =	vld [tilespmem:s29+$0xFFFFFFA0]  }
0x484: {  	vm0 =	veq.s32 v9, v1  }
0x485: {  	s20 =	simm.s32 $0x4180;
	v1 =	vld.idx.msk [tilespmem:v8+s14+$0x0], $0xffff;
	v5 =	vnsel vm0, $0x0, v5  }
0x486: {  	v7 =	vld.idx.msk [tilespmem:v8+s16+$0x0], $0xffff;
	[tilespmem:s20+$0x0] =	vst v5;
	vm0 =	veq.s32 v3, v2  }
0x487: {  	v2 =	vld [tilespmem:s21+$0x10];
	v0 =	vnsel vm0, $0x0, v0  }
0x488: {  	vm0 =	vgt.s32 v6, $0x0;
	[tilespmem:s19+$0x20] =	vst v0  }
0x489: {  	v0 =	vnsel vm0, $0x0, v6;
	v3 =	vld [tilespmem:s29+$0x30]  }
0x48a: {  	vm0 =	veq.s32 v1, v4;
	v0 =	vmin.u32 v0, $0x3E7  }
0x48b: {  	v1 =	vnsel vm0, $0x0, v7  }
0x48c: {  	[tilespmem:s20+$0xFFFFFF80] =	vst v1;
	vm0 =	vgt.s32 v2, $0x0  }
0x48d: {  	v1 =	vld [tilespmem:s21+$0xFFFFFF90];
	v4 =	vnsel vm0, $0x0, v2  }
0x48e: {  	v4 =	vmin.u32 v4, $0x3E7;
	vm0 =	vgt.s32 v3, $0x0  }
0x48f: {  	v5 =	vld.idx.msk [tilespmem:v0+s14+$0x0], $0xffff;
	v7 =	vnsel vm0, $0x0, v3  }
0x490: {  	v0 =	vld.idx.msk [tilespmem:v0+s16+$0x0], $0xffff;
	v7 =	vmin.u32 v7, $0x3E7;
	_ =	sdelay $0x1  }
0x491: {  	vm0 =	vgt.s32 v1, $0x0  }
0x492: {  	v8 =	vnsel vm0, $0x0, v1;
	v9 =	vld.idx.msk [tilespmem:v4+s14+$0x0], $0xffff  }
0x493: {  	v8 =	vmin.u32 v8, $0x3E7;
	v4 =	vld.idx.msk [tilespmem:v4+s16+$0x0], $0xffff;
	vm0 =	veq.s32 v5, v6  }
0x494: {  	v0 =	vnsel vm0, $0x0, v0;
	v5 =	vld.idx.msk [tilespmem:v7+s14+$0x0], $0xffff  }
0x495: {  	[tilespmem:s19+$0xFFFFFFA0] =	vst v0;
	v0 =	vld.idx.msk [tilespmem:v7+s16+$0x0], $0xffff  }
0x496: {  	s23 =	simm.s32 $0x280;
	v6 =	vld [tilespmem:s29+$0xFFFFFFB0]  }
0x497: {  	v7 =	vld [tilespmem:s23+$0x0];
	vm0 =	veq.s32 v9, v2  }
0x498: {  	v2 =	vld.idx.msk [tilespmem:v8+s14+$0x0], $0xffff;
	v4 =	vnsel vm0, $0x0, v4  }
0x499: {  	[tilespmem:s20+$0x10] =	vst v4;
	v4 =	vld.idx.msk [tilespmem:v8+s16+$0x0], $0xffff;
	vm0 =	veq.s32 v5, v3  }
0x49a: {  	v3 =	vld [tilespmem:s21+$0x20];
	v0 =	vnsel vm0, $0x0, v0  }
0x49b: {  	vm0 =	vgt.s32 v6, $0x0;
	[tilespmem:s19+$0x30] =	vst v0  }
0x49c: {  	v0 =	vnsel vm0, $0x0, v6;
	v5 =	vld [tilespmem:s29+$0x40]  }
0x49d: {  	vm0 =	vgt.s32 v7, $0x0;
	v0 =	vmin.u32 v0, $0x3E7  }
0x49e: {  	v8 =	vld [tilespmem:s23+$0xFFFFFF80];
	vm1 =	veq.s32 v2, v1;
	v1 =	vnsel vm0, $0x0, v7  }
0x49f: {  	v1 =	vmin.u32 v1, $0x3E7;
	v2 =	vnsel vm1, $0x0, v4;
	vm0 =	vgt.s32 v3, $0x0  }
0x4a0: {  	[tilespmem:s20+$0xFFFFFF90] =	vst v2;
	v4 =	vnsel vm0, $0x0, v3  }
0x4a1: {  	v2 =	vmin.u32 v4, $0x3E7;
	v4 =	vld [tilespmem:s21+$0xFFFFFFA0];
	vm0 =	vgt.s32 v5, $0x0  }
0x4a2: {  	v9 =	vld.idx.msk [tilespmem:v0+s14+$0x0], $0xffff;
	v10 =	vnsel vm0, $0x0, v5  }
0x4a3: {  	v0 =	vld.idx.msk [tilespmem:v0+s16+$0x0], $0xffff;
	vm0 =	vgt.s32 v8, $0x0;
	v10 =	vmin.u32 v10, $0x3E7  }
0x4a4: {  	v12 =	vld.idx.msk [tilespmem:v1+s14+$0x0], $0xffff;
	v11 =	vnsel vm0, $0x0, v8  }
0x4a5: {  	v1 =	vld.idx.msk [tilespmem:v1+s16+$0x0], $0xffff;
	v11 =	vmin.u32 v11, $0x3E7  }
0x4a6: {  	v13 =	vld.idx.msk [tilespmem:v2+s14+$0x0], $0xffff;
	vm0 =	vgt.s32 v4, $0x0  }
0x4a7: {  	v2 =	vld.idx.msk [tilespmem:v2+s16+$0x0], $0xffff;
	v14 =	vnsel vm0, $0x0, v4  }
0x4a8: {  	v14 =	vmin.u32 v14, $0x3E7;
	v15 =	vld.idx.msk [tilespmem:v10+s14+$0x0], $0xffff  }
0x4a9: {  	vm0 =	veq.s32 v12, v7;
	v10 =	vld.idx.msk [tilespmem:v10+s16+$0x0], $0xffff  }
0x4aa: {  	s22 =	simm.s32 $0x4280;
	v1 =	vnsel vm0, $0x0, v1;
	v7 =	vld.idx.msk [tilespmem:v11+s14+$0x0], $0xffff  }
0x4ab: {  	v11 =	vld.idx.msk [tilespmem:v11+s16+$0x0], $0xffff;
	[tilespmem:s22+$0x0] =	vst v1;
	vm0 =	veq.s32 v13, v3  }
0x4ac: {  	v1 =	vld [tilespmem:s23+$0x10];
	v2 =	vnsel vm0, $0x0, v2  }
0x4ad: {  	v3 =	vld.idx.msk [tilespmem:v14+s14+$0x0], $0xffff;
	[tilespmem:s20+$0x20] =	vst v2;
	vm0 =	veq.s32 v15, v5  }
0x4ae: {  	v5 =	vld [tilespmem:s21+$0x30];
	v2 =	vnsel vm0, $0x0, v10  }
0x4af: {  	vm0 =	veq.s32 v7, v8;
	[tilespmem:s19+$0x40] =	vst v2;
	v2 =	vld.idx.msk [tilespmem:v14+s16+$0x0], $0xffff  }
0x4b0: {  	v7 =	vnsel vm0, $0x0, v11;
	v8 =	vld [tilespmem:s29+$0x50]  }
0x4b1: {  	vm0 =	vgt.s32 v1, $0x0;
	[tilespmem:s22+$0xFFFFFF80] =	vst v7  }
0x4b2: {  	v10 =	vnsel vm0, $0x0, v1;
	v7 =	vld [tilespmem:s23+$0xFFFFFF90]  }
0x4b3: {  	vm0 =	veq.s32 v9, v6;
	v6 =	vmin.u32 v10, $0x3E7;
	vm1 =	vgt.s32 v5, $0x0  }
0x4b4: {  	s25 =	simm.s32 $0x380;
	v0 =	vnsel vm0, $0x0, v0;
	vm0 =	veq.s32 v3, v4;
	v3 =	vnsel vm1, $0x0, v5  }
0x4b5: {  	v13 =	vld [tilespmem:s25+$0x0];
	[tilespmem:s19+$0xFFFFFFB0] =	vst v0;
	v0 =	vnsel vm0, $0x0, v2;
	v2 =	vmin.u32 v3, $0x3E7;
	vm0 =	vgt.s32 v8, $0x0  }
0x4b6: {  	v3 =	vld [tilespmem:s29+$0xFFFFFFC0];
	[tilespmem:s20+$0xFFFFFFA0] =	vst v0;
	v0 =	vnsel vm0, $0x0, v8  }
0x4b7: {  	vm0 =	vgt.s32 v7, $0x0;
	v4 =	vld [tilespmem:s21+$0xFFFFFFB0];
	v0 =	vmin.u32 v0, $0x3E7  }
0x4b8: {  	v10 =	vld.idx.msk [tilespmem:v6+s14+$0x0], $0xffff;
	v9 =	vnsel vm0, $0x0, v7  }
0x4b9: {  	v6 =	vld.idx.msk [tilespmem:v6+s16+$0x0], $0xffff;
	v9 =	vmin.u32 v9, $0x3E7  }
0x4ba: {  	v11 =	vld.idx.msk [tilespmem:v2+s14+$0x0], $0xffff  }
0x4bb: {  	v2 =	vld.idx.msk [tilespmem:v2+s16+$0x0], $0xffff  }
0x4bc: {  	v12 =	vld.idx.msk [tilespmem:v0+s14+$0x0], $0xffff  }
0x4bd: {  	vm0 =	veq.s32 v10, v1;
	vm1 =	vgt.s32 v4, $0x0;
	v0 =	vld.idx.msk [tilespmem:v0+s16+$0x0], $0xffff  }
0x4be: {  	v6 =	vnsel vm0, $0x0, v6;
	v10 =	vnsel vm1, $0x0, v4;
	v1 =	vld.idx.msk [tilespmem:v9+s14+$0x0], $0xffff  }
0x4bf: {  	[tilespmem:s22+$0x10] =	vst v6;
	v6 =	vmin.u32 v10, $0x3E7;
	v9 =	vld.idx.msk [tilespmem:v9+s16+$0x0], $0xffff;
	vm0 =	veq.s32 v11, v5  }
0x4c0: {  	s30 =	simm.s32 $0x580;
	v5 =	vld [tilespmem:s23+$0x20];
	v2 =	vnsel vm0, $0x0, v2  }
0x4c1: {  	v53 =	vld [tilespmem:s30+$0x0];
	vm0 =	vgt.s32 v3, $0x0;
	[tilespmem:s20+$0x30] =	vst v2  }
0x4c2: {  	v2 =	vnsel vm0, $0x0, v3;
	vm0 =	veq.s32 v12, v8;
	v8 =	vld [tilespmem:s21+$0x40]  }
0x4c3: {  	v10 =	vld [tilespmem:s25+$0xFFFFFF80];
	v2 =	vmin.u32 v2, $0x3E7;
	v0 =	vnsel vm0, $0x0, v0;
	vm0 =	vgt.s32 v13, $0x0  }
0x4c4: {  	vm1 =	veq.s32 v1, v7;
	v1 =	vld.idx.msk [tilespmem:v6+s14+$0x0], $0xffff;
	v7 =	vnsel vm0, $0x0, v13  }
0x4c5: {  	v6 =	vld.idx.msk [tilespmem:v6+s16+$0x0], $0xffff;
	[tilespmem:s19+$0x50] =	vst v0;
	vm0 =	vgt.s32 v5, $0x0;
	v9 =	vnsel vm1, $0x0, v9;
	v7 =	vmin.u32 v7, $0x3E7  }
0x4c6: {  	v0 =	vld [tilespmem:s29+$0x54];
	v11 =	vnsel vm0, $0x0, v5;
	[tilespmem:s22+$0xFFFFFF90] =	vst v9  }
0x4c7: {  	v9 =	vmin.u32 v11, $0x3E7;
	v11 =	vld [tilespmem:s23+$0xFFFFFFA0];
	vm0 =	vgt.s32 v8, $0x0  }
0x4c8: {  	v12 =	vld.idx.msk [tilespmem:v2+s14+$0x0], $0xffff;
	v14 =	vnsel vm0, $0x0, v8  }
0x4c9: {  	v2 =	vld.idx.msk [tilespmem:v2+s16+$0x0], $0xffff;
	vm0 =	vgt.s32 v10, $0x0;
	v14 =	vmin.u32 v14, $0x3E7  }
0x4ca: {  	v15 =	vnsel vm0, $0x0, v10;
	v16 =	vld.idx.msk [tilespmem:v7+s14+$0x0], $0xffff  }
0x4cb: {  	v15 =	vmin.u32 v15, $0x3E7;
	v7 =	vld.idx.msk [tilespmem:v7+s16+$0x0], $0xffff  }
0x4cc: {  	v17 =	vld.idx.msk [tilespmem:v9+s14+$0x0], $0xffff;
	vm0 =	vgt.s32 v11, $0x0  }
0x4cd: {  	v9 =	vld.idx.msk [tilespmem:v9+s16+$0x0], $0xffff;
	v18 =	vnsel vm0, $0x0, v11  }
0x4ce: {  	v18 =	vmin.u32 v18, $0x3E7;
	v19 =	vld.idx.msk [tilespmem:v14+s14+$0x0], $0xffff  }
0x4cf: {  	v14 =	vld.idx.msk [tilespmem:v14+s16+$0x0], $0xffff;
	vm0 =	veq.s32 v16, v13  }
0x4d0: {  	s24 =	simm.s32 $0x4380;
	v13 =	vld.idx.msk [tilespmem:v15+s14+$0x0], $0xffff;
	v7 =	vnsel vm0, $0x0, v7  }
0x4d1: {  	v15 =	vld.idx.msk [tilespmem:v15+s16+$0x0], $0xffff;
	vm0 =	veq.s32 v17, v5;
	[tilespmem:s24+$0x0] =	vst v7  }
0x4d2: {  	vm1 =	vgt.s32 v0, $0x0;
	v7 =	vnsel vm0, $0x0, v9;
	v5 =	vld [tilespmem:s25+$0x10]  }
0x4d3: {  	v9 =	vnsel vm1, $0x0, v0;
	[tilespmem:s22+$0x20] =	vst v7;
	vm0 =	veq.s32 v19, v8;
	v8 =	vld.idx.msk [tilespmem:v18+s14+$0x0], $0xffff  }
0x4d4: {  	v7 =	vmin.u32 v9, $0x3E7;
	v9 =	vnsel vm0, $0x0, v14;
	v14 =	vld [tilespmem:s23+$0x30]  }
0x4d5: {  	vm0 =	veq.s32 v13, v10;
	[tilespmem:s20+$0x40] =	vst v9;
	v9 =	vld.idx.msk [tilespmem:v18+s16+$0x0], $0xffff  }
0x4d6: {  	s28 =	simm.s32 $0x480;
	v10 =	vnsel vm0, $0x0, v15;
	v13 =	vld [tilespmem:s21+$0x50]  }
0x4d7: {  	v17 =	vld [tilespmem:s28+$0x0];
	vm0 =	veq.s32 v1, v4;
	[tilespmem:s24+$0xFFFFFF80] =	vst v10;
	vm1 =	vgt.s32 v5, $0x0  }
0x4d8: {  	v1 =	vnsel vm0, $0x0, v6;
	v6 =	vld [tilespmem:s25+$0xFFFFFF90];
	v10 =	vnsel vm1, $0x0, v5  }
0x4d9: {  	vm0 =	veq.s32 v12, v3;
	v4 =	vld.idx.msk [tilespmem:v7+s14+$0x0], $0xffff;
	v3 =	vmin.u32 v10, $0x3E7;
	vm1 =	vgt.s32 v14, $0x0  }
0x4da: {  	[tilespmem:s20+$0xFFFFFFB0] =	vst v1;
	v1 =	vnsel vm0, $0x0, v2;
	v2 =	vld.idx.msk [tilespmem:v7+s16+$0x0], $0xffff;
	vm0 =	veq.s32 v8, v11;
	v7 =	vnsel vm1, $0x0, v14  }
0x4db: {  	[tilespmem:s19+$0xFFFFFFC0] =	vst v1;
	v10 =	vld [tilespmem:s21+$0xFFFFFFC0];
	v8 =	vnsel vm0, $0x0, v9;
	v7 =	vmin.u32 v7, $0x3E7;
	vm0 =	vgt.s32 v13, $0x0  }
0x4dc: {  	v1 =	vld [tilespmem:s29+$0xFFFFFFD0];
	[tilespmem:s22+$0xFFFFFFA0] =	vst v8;
	v8 =	vnsel vm0, $0x0, v13  }
0x4dd: {  	vm0 =	vgt.s32 v6, $0x0;
	v9 =	vld [tilespmem:s23+$0xFFFFFFB0];
	v8 =	vmin.u32 v8, $0x3E7  }
0x4de: {  	v11 =	vnsel vm0, $0x0, v6;
	v12 =	vld.idx.msk [tilespmem:v3+s14+$0x0], $0xffff  }
0x4df: {  	v11 =	vmin.u32 v11, $0x3E7;
	v3 =	vld.idx.msk [tilespmem:v3+s16+$0x0], $0xffff  }
0x4e0: {  	v15 =	vld.idx.msk [tilespmem:v7+s14+$0x0], $0xffff  }
0x4e1: {  	v7 =	vld.idx.msk [tilespmem:v7+s16+$0x0], $0xffff  }
0x4e2: {  	v16 =	vld.idx.msk [tilespmem:v8+s14+$0x0], $0xffff  }
0x4e3: {  	vm0 =	vgt.s32 v9, $0x0;
	v8 =	vld.idx.msk [tilespmem:v8+s16+$0x0], $0xffff;
	vm1 =	veq.s32 v12, v5  }
0x4e4: {  	v5 =	vnsel vm0, $0x0, v9;
	v12 =	vld.idx.msk [tilespmem:v11+s14+$0x0], $0xffff;
	v3 =	vnsel vm1, $0x0, v3  }
0x4e5: {  	v11 =	vld.idx.msk [tilespmem:v11+s16+$0x0], $0xffff;
	v5 =	vmin.u32 v5, $0x3E7;
	[tilespmem:s24+$0x10] =	vst v3;
	vm1 =	veq.s32 v15, v14  }
0x4e6: {  	vm0 =	vgt.s32 v10, $0x0;
	v14 =	vld [tilespmem:s25+$0x20];
	v7 =	vnsel vm1, $0x0, v7  }
0x4e7: {  	v54 =	vld [tilespmem:s30+$0xFFFFFF80];
	v3 =	vnsel vm0, $0x0, v10;
	[tilespmem:s22+$0x30] =	vst v7  }
0x4e8: {  	v3 =	vmin.u32 v3, $0x3E7;
	vm0 =	veq.s32 v16, v13;
	v7 =	vld [tilespmem:s23+$0x40]  }
0x4e9: {  	v15 =	vld [tilespmem:s28+$0xFFFFFF80];
	vm1 =	vgt.s32 v1, $0x0;
	v8 =	vnsel vm0, $0x0, v8;
	vm0 =	vgt.s32 v17, $0x0  }
0x4ea: {  	v13 =	vnsel vm1, $0x0, v1;
	vm1 =	veq.s32 v12, v6;
	v16 =	vld.idx.msk [tilespmem:v5+s14+$0x0], $0xffff;
	[tilespmem:s20+$0x50] =	vst v8;
	v8 =	vnsel vm0, $0x0, v17  }
0x4eb: {  	v5 =	vld.idx.msk [tilespmem:v5+s16+$0x0], $0xffff;
	v11 =	vnsel vm1, $0x0, v11;
	v8 =	vmin.u32 v8, $0x3E7;
	vm0 =	vgt.s32 v14, $0x0  }
0x4ec: {  	v6 =	vld [tilespmem:s21+$0x54];
	[tilespmem:s24+$0xFFFFFF90] =	vst v11;
	v12 =	vnsel vm0, $0x0, v14  }
0x4ed: {  	v11 =	vmin.u32 v12, $0x3E7;
	vm0 =	vgt.s32 v7, $0x0;
	v12 =	vld [tilespmem:s25+$0xFFFFFFA0]  }
0x4ee: {  	v18 =	vld.idx.msk [tilespmem:v3+s14+$0x0], $0xffff;
	v42 =	vnsel vm0, $0x0, v7  }
0x4ef: {  	v19 =	vld.idx.msk [tilespmem:v3+s16+$0x0], $0xffff;
	vm0 =	vgt.s32 v15, $0x0;
	v20 =	vmin.u32 v42, $0x3E7  }
0x4f0: {  	v43 =	vnsel vm0, $0x0, v15;
	v44 =	vld.idx.msk [tilespmem:v8+s14+$0x0], $0xffff  }
0x4f1: {  	v8 =	vld.idx.msk [tilespmem:v8+s16+$0x0], $0xffff;
	v21 =	vmin.u32 v43, $0x3E7  }
0x4f2: {  	v45 =	vld.idx.msk [tilespmem:v11+s14+$0x0], $0xffff;
	vm0 =	vgt.s32 v12, $0x0  }
0x4f3: {  	v11 =	vld.idx.msk [tilespmem:v11+s16+$0x0], $0xffff;
	v46 =	vnsel vm0, $0x0, v12  }
0x4f4: {  	v25 =	vld.idx.msk [tilespmem:v20+s14+$0x0], $0xffff;
	v24 =	vmin.u32 v46, $0x3E7  }
0x4f5: {  	v20 =	vld.idx.msk [tilespmem:v20+s16+$0x0], $0xffff;
	vm0 =	veq.s32 v44, v17  }
0x4f6: {  	s26 =	simm.s32 $0x4480;
	vm1 =	vgt.s32 v6, $0x0;
	v17 =	vld.idx.msk [tilespmem:v21+s14+$0x0], $0xffff;
	v8 =	vnsel vm0, $0x0, v8  }
0x4f7: {  	v47 =	vnsel vm1, $0x0, v6;
	v21 =	vld.idx.msk [tilespmem:v21+s16+$0x0], $0xffff;
	[tilespmem:s26+$0x0] =	vst v8;
	vm0 =	veq.s32 v45, v14  }
0x4f8: {  	v14 =	vmin.u32 v47, $0x3E7;
	v48 =	vld [tilespmem:s28+$0x10];
	v8 =	vnsel vm0, $0x0, v11  }
0x4f9: {  	vm0 =	veq.s32 v25, v7;
	v7 =	vld.idx.msk [tilespmem:v24+s14+$0x0], $0xffff;
	[tilespmem:s24+$0x20] =	vst v8  }
0x4fa: {  	v8 =	vnsel vm0, $0x0, v20;
	v49 =	vld [tilespmem:s25+$0x30]  }
0x4fb: {  	v13 =	vmin.u32 v13, $0x3E7;
	vm0 =	veq.s32 v17, v15;
	v15 =	vld.idx.msk [tilespmem:v24+s16+$0x0], $0xffff;
	[tilespmem:s22+$0x40] =	vst v8  }
0x4fc: {  	v17 =	vld [tilespmem:s23+$0x50]  }
0x4fd: {  	v11 =	vnsel vm0, $0x0, v21;
	vm0 =	veq.s32 v16, v9;
	v8 =	vld.idx.msk [tilespmem:v14+s14+$0x0], $0xffff;
	vm1 =	vgt.s32 v48, $0x0  }
0x4fe: {  	[tilespmem:s26+$0xFFFFFF80] =	vst v11;
	v5 =	vnsel vm0, $0x0, v5;
	vm0 =	veq.s32 v18, v10;
	v10 =	vld.idx.msk [tilespmem:v14+s16+$0x0], $0xffff;
	v11 =	vnsel vm1, $0x0, v48  }
0x4ff: {  	v9 =	vld [tilespmem:s28+$0xFFFFFF90];
	[tilespmem:s22+$0xFFFFFFB0] =	vst v5;
	v5 =	vnsel vm0, $0x0, v19;
	v14 =	vmin.u32 v11, $0x3E7;
	vm0 =	vgt.s32 v49, $0x0  }
0x500: {  	v3 =	vld.idx.msk [tilespmem:v13+s14+$0x0], $0xffff;
	[tilespmem:s20+$0xFFFFFFC0] =	vst v5;
	vm1 =	veq.s32 v7, v12;
	v5 =	vnsel vm0, $0x0, v49  }
0x501: {  	v16 =	vld [tilespmem:s23+$0xFFFFFFC0];
	v7 =	vnsel vm1, $0x0, v15;
	v5 =	vmin.u32 v5, $0x3E7  }
0x502: {  	v12 =	vld.idx.msk [tilespmem:v13+s16+$0x0], $0xffff;
	[tilespmem:s24+$0xFFFFFFA0] =	vst v7;
	vm0 =	vgt.s32 v17, $0x0  }
0x503: {  	v13 =	vld [tilespmem:s25+$0xFFFFFFB0];
	v7 =	vnsel vm0, $0x0, v17  }
0x504: {  	vm0 =	vgt.s32 v9, $0x0;
	v7 =	vmin.u32 v7, $0x3E7;
	v18 =	vld.idx.msk [tilespmem:v14+s14+$0x0], $0xffff  }
0x505: {  	v15 =	vnsel vm0, $0x0, v9;
	v14 =	vld.idx.msk [tilespmem:v14+s16+$0x0], $0xffff  }
0x506: {  	v15 =	vmin.u32 v15, $0x3E7;
	v19 =	vld.idx.msk [tilespmem:v5+s14+$0x0], $0xffff  }
0x507: {  	v5 =	vld.idx.msk [tilespmem:v5+s16+$0x0], $0xffff  }
0x508: {  	v11 =	vld [tilespmem:s21+$0xFFFFFFD0];
	vm0 =	vgt.s32 v13, $0x0  }
0x509: {  	v51 =	vnsel vm0, $0x0, v13;
	v50 =	vld.idx.msk [tilespmem:v7+s14+$0x0], $0xffff;
	vm0 =	veq.s32 v18, v48  }
0x50a: {  	v7 =	vld.idx.msk [tilespmem:v7+s16+$0x0], $0xffff;
	v18 =	vmin.u32 v51, $0x3E7;
	v14 =	vnsel vm0, $0x0, v14  }
0x50b: {  	v52 =	vld.idx.msk [tilespmem:v15+s14+$0x0], $0xffff;
	vm0 =	vgt.s32 v16, $0x0;
	[tilespmem:s26+$0x10] =	vst v14;
	vm1 =	veq.s32 v19, v49  }
0x50c: {  	v14 =	vnsel vm0, $0x0, v16;
	v19 =	vld [tilespmem:s28+$0x20];
	v5 =	vnsel vm1, $0x0, v5  }
0x50d: {  	v15 =	vld.idx.msk [tilespmem:v15+s16+$0x0], $0xffff;
	v14 =	vmin.u32 v14, $0x3E7;
	[tilespmem:s24+$0x30] =	vst v5  }
0x50e: {  	vm1 =	vgt.s32 v11, $0x0;
	vm0 =	veq.s32 v50, v17;
	v5 =	vld [tilespmem:s25+$0x40]  }
0x50f: {  	v17 =	vnsel vm1, $0x0, v11;
	v55 =	vld.idx.msk [tilespmem:v18+s14+$0x0], $0xffff;
	v7 =	vnsel vm0, $0x0, v7;
	vm0 =	vgt.s32 v53, $0x0  }
0x510: {  	v17 =	vmin.u32 v17, $0x3E7;
	[tilespmem:s22+$0x50] =	vst v7;
	v7 =	vnsel vm0, $0x0, v53;
	vm0 =	veq.s32 v52, v9;
	v9 =	vld.idx.msk [tilespmem:v18+s16+$0x0], $0xffff  }
0x511: {  	v56 =	vld [tilespmem:s23+$0x54];
	v7 =	vmin.u32 v7, $0x3E7;
	vm1 =	vgt.s32 v19, $0x0  }
0x512: {  	v57 =	vld.idx.msk [tilespmem:v14+s14+$0x0], $0xffff;
	v15 =	vnsel vm0, $0x0, v15;
	v18 =	vnsel vm1, $0x0, v19  }
0x513: {  	v14 =	vld.idx.msk [tilespmem:v14+s16+$0x0], $0xffff;
	[tilespmem:s26+$0xFFFFFF90] =	vst v15;
	v18 =	vmin.u32 v18, $0x3E7;
	vm0 =	vgt.s32 v5, $0x0  }
0x514: {  	v58 =	vld [tilespmem:s28+$0xFFFFFFA0];
	v15 =	vnsel vm0, $0x0, v5  }
0x515: {  	v26 =	vld.idx.msk [tilespmem:v17+s14+$0x0], $0xffff;
	v15 =	vmin.u32 v15, $0x3E7  }
0x516: {  	vm1 =	vgt.s32 v54, $0x0;
	v27 =	vld.idx.msk [tilespmem:v7+s16+$0x0], $0xffff  }
0x517: {  	v29 =	vnsel vm1, $0x0, v54;
	v7 =	vld.idx.msk [tilespmem:v7+s14+$0x0], $0xffff  }
0x518: {  	v29 =	vmin.u32 v29, $0x3E7;
	vm0 =	vgt.s32 v56, $0x0;
	v30 =	vld.idx.msk [tilespmem:v18+s16+$0x0], $0xffff  }
0x519: {  	v28 =	vnsel vm0, $0x0, v56;
	v18 =	vld.idx.msk [tilespmem:v18+s14+$0x0], $0xffff;
	vm0 =	vgt.s32 v58, $0x0  }
0x51a: {  	v32 =	vnsel vm0, $0x0, v58;
	v31 =	vld.idx.msk [tilespmem:v15+s16+$0x0], $0xffff  }
0x51b: {  	v32 =	vmin.u32 v32, $0x3E7;
	v15 =	vld.idx.msk [tilespmem:v15+s14+$0x0], $0xffff  }
0x51c: {  	v17 =	vld.idx.msk [tilespmem:v17+s16+$0x0], $0xffff;
	vm0 =	veq.s32 v7, v53  }
0x51d: {  	s31 =	simm.s32 $0x4580;
	v60 =	vld.idx.msk [tilespmem:v29+s14+$0x0], $0xffff;
	v7 =	vnsel vm0, $0x0, v27  }
0x51e: {  	vm0 =	veq.s32 v18, v19;
	[tilespmem:s31+$0x0] =	vst v7;
	v18 =	vld.idx.msk [tilespmem:v29+s16+$0x0], $0xffff  }
0x51f: {  	v28 =	vmin.u32 v28, $0x3E7;
	v7 =	vnsel vm0, $0x0, v30;
	v19 =	vld [tilespmem:s30+$0x10]  }
0x520: {  	[tilespmem:s26+$0x20] =	vst v7;
	v61 =	vld.idx.msk [tilespmem:v32+s16+$0x0], $0xffff;
	vm0 =	veq.s32 v15, v5  }
0x521: {  	v7 =	vld [tilespmem:s28+$0x30];
	v5 =	vnsel vm0, $0x0, v31  }
0x522: {  	v15 =	vld.idx.msk [tilespmem:v32+s14+$0x0], $0xffff;
	vm0 =	veq.s32 v60, v54;
	[tilespmem:s24+$0x40] =	vst v5  }
0x523: {  	vm1 =	veq.s32 v55, v13;
	v13 =	vnsel vm0, $0x0, v18;
	v5 =	vld [tilespmem:s25+$0x50]  }
0x524: {  	v9 =	vnsel vm1, $0x0, v9;
	v59 =	vld.idx.msk [tilespmem:v28+s14+$0x0], $0xffff;
	vm0 =	veq.s32 v57, v16;
	[tilespmem:s31+$0xFFFFFF80] =	vst v13;
	vm1 =	vgt.s32 v19, $0x0  }
0x525: {  	[tilespmem:s24+$0xFFFFFFB0] =	vst v9;
	v13 =	vnsel vm0, $0x0, v14;
	v9 =	vld [tilespmem:s30+$0xFFFFFF90];
	v14 =	vnsel vm1, $0x0, v19  }
0x526: {  	v18 =	vld.idx.msk [tilespmem:v28+s16+$0x0], $0xffff;
	vm0 =	veq.s32 v3, v1;
	[tilespmem:s22+$0xFFFFFFC0] =	vst v13;
	v13 =	vmin.u32 v14, $0x3E7;
	vm1 =	vgt.s32 v7, $0x0  }
0x527: {  	v3 =	vld [tilespmem:s25+$0xFFFFFFC0];
	v12 =	vnsel vm0, $0x0, v12;
	vm0 =	veq.s32 v15, v58;
	v14 =	vnsel vm1, $0x0, v7  }
0x528: {  	v1 =	vld [tilespmem:s23+$0xFFFFFFD0];
	[tilespmem:s19+$0xFFFFFFD0] =	vst v12;
	v12 =	vnsel vm0, $0x0, v61;
	v14 =	vmin.u32 v14, $0x3E7;
	vm0 =	vgt.s32 v5, $0x0  }
0x529: {  	vm1 =	veq.s32 v4, v0;
	v0 =	vld [tilespmem:s29+$0xFFFFFFD4];
	[tilespmem:s26+$0xFFFFFFA0] =	vst v12;
	v4 =	vnsel vm0, $0x0, v5  }
0x52a: {  	vm0 =	veq.s32 v8, v6;
	vm2 =	vgt.s32 v9, $0x0;
	v8 =	vld [tilespmem:s28+$0xFFFFFFB0];
	v62 =	vmin.u32 v4, $0x3E7  }
0x52b: {  	v2 =	vnsel vm1, $0x0, v2;
	vm1 =	veq.s32 v26, v11;
	v4 =	vnsel vm2, $0x0, v9;
	v63 =	vld.idx.msk [tilespmem:v13+s14+$0x0], $0xffff  }
0x52c: {  	v10 =	vnsel vm0, $0x0, v10;
	vm0 =	vgt.s32 v3, $0x0;
	v16 =	vld.idx.msk [tilespmem:v13+s16+$0x0], $0xffff;
	v15 =	vmin.u32 v4, $0x3E7  }
0x52d: {  	vm2 =	veq.s32 v59, v56;
	v13 =	vnsel vm1, $0x0, v17;
	v4 =	vnsel vm0, $0x0, v3;
	v12 =	vld.idx.msk [tilespmem:v14+s14+$0x0], $0xffff  }
0x52e: {  	[tilespmem:s19+$0x54] =	vst v2;
	vm0 =	vgt.s32 v1, $0x0;
	v2 =	vnsel vm2, $0x0, v18;
	v6 =	vmin.u32 v4, $0x3E7;
	v14 =	vld.idx.msk [tilespmem:v14+s16+$0x0], $0xffff  }
0x52f: {  	[tilespmem:s20+$0x54] =	vst v10;
	v4 =	vnsel vm0, $0x0, v1;
	vm0 =	vgt.s32 v0, $0x0;
	vm1 =	vgt.s32 v8, $0x0;
	v10 =	vld.idx.msk [tilespmem:v62+s14+$0x0], $0xffff  }
0x530: {  	[tilespmem:s22+$0x54] =	vst v2;
	v4 =	vmin.u32 v4, $0x3E7;
	v2 =	vnsel vm0, $0x0, v0;
	v18 =	vnsel vm1, $0x0, v8;
	v11 =	vld.idx.msk [tilespmem:v62+s16+$0x0], $0xffff  }
0x531: {  	s0 =	simm.s32 $0x680;
	s29 =	simm.s32 $0xA;
	[tilespmem:s20+$0xFFFFFFD0] =	vst v13;
	v2 =	vmin.u32 v2, $0x3E7;
	vm0 =	veq.s32 v63, v19;
	v17 =	vld.idx.msk [tilespmem:v15+s14+$0x0], $0xffff;
	v13 =	vmin.u32 v18, $0x3E7  }
.LBB2_8:
0x532: {  	v18 =	vld [tilespmem:s0+$0x0];
	v16 =	vnsel vm0, $0x0, v16;
	s4 =	smov.u32 s31  }
0x533: {  	vm0 =	veq.s32 v12, v7;
	v19 =	vld [tilespmem:s0+$0xFFFFFF80];
	[tilespmem:s31+$0x10] =	vst v16  }
0x534: {  	v12 =	vnsel vm0, $0x0, v14;
	v7 =	vld [tilespmem:s30+$0x20]  }
0x535: {  	vm0 =	veq.s32 v10, v5;
	v14 =	vld.idx.msk [tilespmem:v15+s16+$0x0], $0xffff;
	[tilespmem:s26+$0x30] =	vst v12  }
0x536: {  	v10 =	vnsel vm0, $0x0, v11;
	v5 =	vld [tilespmem:s28+$0x40]  }
0x537: {  	vm1 =	veq.s32 v17, v9;
	vm0 =	vgt.s32 v18, $0x0;
	v9 =	vld.idx.msk [tilespmem:v13+s14+$0x0], $0xffff;
	[tilespmem:s24+$0x50] =	vst v10  }
0x538: {  	s29 =	sadd.s32 $0x2, s29;
	vm2 =	vgt.s32 v19, $0x0;
	v10 =	vnsel vm0, $0x0, v18;
	v11 =	vld [tilespmem:s25+$0x54]  }
0x539: {  	p0 =	slt.u32 s29, $0x7E;
	v12 =	vnsel vm2, $0x0, v19;
	v10 =	vmin.u32 v10, $0x3E7;
	vm0 =	vgt.s32 v7, $0x0;
	v13 =	vld.idx.msk [tilespmem:v13+s16+$0x0], $0xffff  }
0x53a: {  	v12 =	vmin.u32 v12, $0x3E7;
	v15 =	vnsel vm0, $0x0, v7;
	v16 =	vld.idx.msk [tilespmem:v6+s14+$0x0], $0xffff  }
0x53b: {  	v14 =	vnsel vm1, $0x0, v14;
	v15 =	vmin.u32 v15, $0x3E7;
	vm0 =	vgt.s32 v5, $0x0;
	v6 =	vld.idx.msk [tilespmem:v6+s16+$0x0], $0xffff  }
0x53c: {  	[tilespmem:s31+$0xFFFFFF90] =	vst v14;
	v14 =	vnsel vm0, $0x0, v5;
	v17 =	vld.idx.msk [tilespmem:v4+s14+$0x0], $0xffff  }
0x53d: {  	vm0 =	veq.s32 v9, v8;
	v20 =	vld [tilespmem:s30+$0xFFFFFFA0];
	v8 =	vmin.u32 v14, $0x3E7;
	vm1 =	vgt.s32 v11, $0x0  }
0x53e: {  	v9 =	vld.idx.msk [tilespmem:v10+s16+$0x0], $0xffff;
	v14 =	vnsel vm1, $0x0, v11  }
0x53f: {  	v13 =	vnsel vm0, $0x0, v13;
	v10 =	vld.idx.msk [tilespmem:v10+s14+$0x0], $0xffff;
	v14 =	vmin.u32 v14, $0x3E7  }
0x540: {  	vm0 =	veq.s32 v16, v3;
	v21 =	vld.idx.msk [tilespmem:v15+s16+$0x0], $0xffff;
	[tilespmem:s26+$0xFFFFFFB0] =	vst v13  }
0x541: {  	v6 =	vnsel vm0, $0x0, v6;
	v3 =	vld.idx.msk [tilespmem:v15+s14+$0x0], $0xffff  }
0x542: {  	vm0 =	veq.s32 v17, v1;
	vm1 =	vgt.s32 v20, $0x0;
	v13 =	vld.idx.msk [tilespmem:v8+s16+$0x0], $0xffff;
	[tilespmem:s24+$0xFFFFFFC0] =	vst v6  }
0x543: {  	v1 =	vnsel vm1, $0x0, v20;
	v6 =	vld.idx.msk [tilespmem:v8+s14+$0x0], $0xffff  }
0x544: {  	v1 =	vmin.u32 v1, $0x3E7;
	v8 =	vld.idx.msk [tilespmem:v14+s14+$0x0], $0xffff  }
0x545: {  	v14 =	vld.idx.msk [tilespmem:v14+s16+$0x0], $0xffff  }
0x546: {  	vm1 =	veq.s32 v10, v18;
	v15 =	vld.idx.msk [tilespmem:v12+s14+$0x0], $0xffff  }
0x547: {  	s31 =	sadd.s32 $0x100, s31;
	v9 =	vnsel vm1, $0x0, v9;
	v10 =	vld.idx.msk [tilespmem:v12+s16+$0x0], $0xffff  }
0x548: {  	vm1 =	veq.s32 v3, v7;
	[tilespmem:s31+$0x0] =	vst v9;
	v3 =	vld [tilespmem:s28+$0xFFFFFFC0]  }
0x549: {  	v7 =	vnsel vm1, $0x0, v21;
	vm1 =	veq.s32 v6, v5;
	v18 =	vld [tilespmem:s0+$0x10]  }
0x54a: {  	v5 =	vnsel vm1, $0x0, v13;
	vm1 =	veq.s32 v8, v11;
	v12 =	vld.idx.msk [tilespmem:v1+s14+$0x0], $0xffff;
	[tilespmem:s4+$0x20] =	vst v7  }
0x54b: {  	v7 =	vld [tilespmem:s30+$0x30];
	[tilespmem:s26+$0x40] =	vst v5;
	v5 =	vnsel vm1, $0x0, v14  }
0x54c: {  	vm1 =	veq.s32 v15, v19;
	v8 =	vld.idx.msk [tilespmem:v1+s16+$0x0], $0xffff;
	[tilespmem:s24+$0x54] =	vst v5  }
0x54d: {  	v1 =	vnsel vm1, $0x0, v10;
	vm1 =	vgt.s32 v3, $0x0;
	v5 =	vld [tilespmem:s28+$0x50]  }
0x54e: {  	[tilespmem:s31+$0xFFFFFF80] =	vst v1;
	vm2 =	vgt.s32 v18, $0x0;
	v6 =	vnsel vm1, $0x0, v3;
	v1 =	vld [tilespmem:s25+$0xFFFFFFD0]  }
0x54f: {  	v9 =	vld [tilespmem:s0+$0xFFFFFF90];
	v10 =	vnsel vm2, $0x0, v18;
	v6 =	vmin.u32 v6, $0x3E7  }
0x550: {  	vm1 =	veq.s32 v12, v20;
	v10 =	vmin.u32 v10, $0x3E7;
	vm2 =	vgt.s32 v7, $0x0;
	v11 =	vld.idx.msk [tilespmem:v4+s16+$0x0], $0xffff  }
0x551: {  	v4 =	vnsel vm2, $0x0, v7;
	v13 =	vld [tilespmem:s21+$0xFFFFFFD4];
	s21 =	smov.u32 s23;
	s23 =	smov.u32 s25;
	s25 =	smov.u32 s28  }
0x552: {  	v8 =	vnsel vm1, $0x0, v8;
	s28 =	smov.u32 s30;
	s30 =	smov.u32 s0;
	v14 =	vmin.u32 v4, $0x3E7;
	vm1 =	vgt.s32 v5, $0x0;
	v17 =	vld.idx.msk [tilespmem:v2+s14+$0x0], $0xffff  }
0x553: {  	[tilespmem:s4+$0xFFFFFFA0] =	vst v8;
	v4 =	vnsel vm1, $0x0, v5;
	vm1 =	vgt.s32 v1, $0x0;
	v19 =	vld.idx.msk [tilespmem:v2+s16+$0x0], $0xffff  }
0x554: {  	vm2 =	vgt.s32 v9, $0x0;
	v8 =	vld [tilespmem:s28+$0xFFFFFFB0];
	v20 =	vmin.u32 v4, $0x3E7;
	v2 =	vnsel vm1, $0x0, v1  }
0x555: {  	v12 =	vnsel vm2, $0x0, v9;
	v21 =	vld.idx.msk [tilespmem:v10+s14+$0x0], $0xffff;
	v4 =	vmin.u32 v2, $0x3E7  }
0x556: {  	v2 =	vnsel vm0, $0x0, v11;
	v15 =	vmin.u32 v12, $0x3E7;
	v16 =	vld.idx.msk [tilespmem:v10+s16+$0x0], $0xffff;
	vm0 =	vgt.s32 v13, $0x0  }
.Ltmp3:
0x557: {  	v12 =	vld.idx.msk [tilespmem:v14+s14+$0x0], $0xffff;
	[tilespmem:s22+$0xFFFFFFD0] =	vst v2;
	v2 =	vnsel vm0, $0x0, v13;
	(pc) =	sbr.rel @p0 .LBB2_8-.Ltmp3, $4  }
0x558: {  	vm0 =	veq.s32 v17, v0;
	v0 =	vmov v13;
	v14 =	vld.idx.msk [tilespmem:v14+s16+$0x0], $0xffff;
	v2 =	vmin.u32 v2, $0x3E7  }
0x559: {  	v13 =	vnsel vm0, $0x0, v19;
	vm1 =	vgt.s32 v8, $0x0;
	v10 =	vld.idx.msk [tilespmem:v20+s14+$0x0], $0xffff  }
0x55a: {  	v19 =	vnsel vm1, $0x0, v8;
	v11 =	vld.idx.msk [tilespmem:v20+s16+$0x0], $0xffff;
	[tilespmem:s19+$0xFFFFFFD4] =	vst v13;
	s19 =	smov.u32 s20;
	s20 =	smov.u32 s22;
	s22 =	smov.u32 s24  }
0x55b: {  	s0 =	sadd.s32 $0x100, s0;
	vm0 =	veq.s32 v21, v18;
	s24 =	smov.u32 s26;
	s26 =	smov.u32 s4;
	v17 =	vld.idx.msk [tilespmem:v15+s14+$0x0], $0xffff;
	v13 =	vmin.u32 v19, $0x3E7  }
0x55c: {  	v16 =	vnsel vm0, $0x0, v16  }
0x55d: {  	[tilespmem:s31+$0x10] =	vst v16  }
0x55e: {  	v16 =	vld [tilespmem:s30+$0x20];
	_ =	sdelay $0x2  }
0x55f: {  	v15 =	vld.idx.msk [tilespmem:v15+s16+$0x0], $0xffff;
	_ =	sdelay $0x1  }
0x560: {  	vm4 =	vgt.s32 v16, $0x0  }
0x561: {  	v18 =	vnsel vm4, $0x0, v16  }
0x562: {  	vm5 =	veq.s32 v17, v9;
	v18 =	vmin.u32 v18, $0x3E7  }
0x563: {  	v9 =	vnsel vm5, $0x0, v15  }
0x564: {  	[tilespmem:s31+$0xFFFFFF90] =	vst v9  }
0x565: {  	v9 =	vld [tilespmem:s30+$0xFFFFFFA0];
	_ =	sdelay $0x1  }
0x566: {  	v30 =	vld.idx.msk [tilespmem:v18+s14+$0x0], $0xffff  }
0x567: {  	v31 =	vld.idx.msk [tilespmem:v18+s16+$0x0], $0xffff;
	_ =	sdelay $0x1  }
0x568: {  	vm6 =	vgt.s32 v9, $0x0  }
0x569: {  	v32 =	vnsel vm6, $0x0, v9  }
0x56a: {  	v33 =	vmin.u32 v32, $0x3E7;
	vm7 =	veq.s32 v30, v16  }
0x56b: {  	v16 =	vnsel vm7, $0x0, v31  }
0x56c: {  	[tilespmem:s31+$0x20] =	vst v16  }
0x56d: {  	v16 =	vld [tilespmem:s30+$0x30];
	_ =	sdelay $0x1  }
0x56e: {  	v34 =	vld.idx.msk [tilespmem:v33+s14+$0x0], $0xffff  }
0x56f: {  	v15 =	vld.idx.msk [tilespmem:v33+s16+$0x0], $0xffff;
	_ =	sdelay $0x1  }
0x570: {  	vm8 =	vgt.s32 v16, $0x0  }
0x571: {  	v35 =	vnsel vm8, $0x0, v16  }
0x572: {  	vm9 =	veq.s32 v34, v9;
	v18 =	vmin.u32 v35, $0x3E7  }
0x573: {  	v9 =	vnsel vm9, $0x0, v15  }
0x574: {  	v40 =	vld.idx.msk [tilespmem:v13+s14+$0x0], $0xffff;
	[tilespmem:s31+$0xFFFFFFA0] =	vst v9  }
0x575: {  	v9 =	vld [tilespmem:s30+$0xFFFFFFB0]  }
0x576: {  	v42 =	vld.idx.msk [tilespmem:v13+s16+$0x0], $0xffff  }
0x577: {  	v36 =	vld.idx.msk [tilespmem:v18+s14+$0x0], $0xffff  }
0x578: {  	v37 =	vld.idx.msk [tilespmem:v18+s16+$0x0], $0xffff;
	_ =	sdelay $0x1  }
0x579: {  	vm11 =	vgt.s32 v9, $0x0  }
0x57a: {  	vm10 =	veq.s32 v12, v7;
	vm1 =	veq.s32 v40, v8;
	v38 =	vnsel vm11, $0x0, v9  }
0x57b: {  	v13 =	vnsel vm1, $0x0, v42;
	v39 =	vmin.u32 v38, $0x3E7;
	vm12 =	veq.s32 v36, v16  }
0x57c: {  	v12 =	vnsel vm10, $0x0, v14;
	[tilespmem:s26+$0xFFFFFFB0] =	vst v13;
	v14 =	vnsel vm12, $0x0, v37  }
0x57d: {  	v47 =	vld [tilespmem:s28+$0xFFFFFFC0];
	[tilespmem:s31+$0x30] =	vst v14  }
0x57e: {  	v14 =	vld [tilespmem:s30+$0x40];
	_ =	sdelay $0x1  }
0x57f: {  	v43 =	vld.idx.msk [tilespmem:v39+s14+$0x0], $0xffff  }
0x580: {  	[tilespmem:s26+$0x30] =	vst v12;
	v7 =	vld.idx.msk [tilespmem:v39+s16+$0x0], $0xffff  }
0x581: {  	v12 =	vld [tilespmem:s28+$0x40];
	vm4 =	veq.s32 v10, v5;
	vm6 =	vgt.s32 v47, $0x0  }
0x582: {  	v10 =	vnsel vm4, $0x0, v11;
	v51 =	vnsel vm6, $0x0, v47;
	vm14 =	vgt.s32 v14, $0x0  }
0x583: {  	[tilespmem:s24+$0x50] =	vst v10;
	v10 =	vmin.u32 v51, $0x3E7;
	v44 =	vnsel vm14, $0x0, v14  }
0x584: {  	v54 =	vld.idx.msk [tilespmem:v6+s14+$0x0], $0xffff;
	vm15 =	veq.s32 v43, v9;
	v8 =	vmin.u32 v44, $0x3E7  }
0x585: {  	v55 =	vld.idx.msk [tilespmem:v6+s16+$0x0], $0xffff;
	v7 =	vnsel vm15, $0x0, v7  }
0x586: {  	vm13 =	vgt.s32 v12, $0x0;
	[tilespmem:s31+$0xFFFFFFB0] =	vst v7  }
0x587: {  	v41 =	vnsel vm13, $0x0, v12;
	v7 =	vld [tilespmem:s30+$0xFFFFFFC0]  }
0x588: {  	v57 =	vld.idx.msk [tilespmem:v10+s14+$0x0], $0xffff;
	v16 =	vmin.u32 v41, $0x3E7  }
0x589: {  	vm11 =	veq.s32 v54, v3;
	v48 =	vld.idx.msk [tilespmem:v8+s14+$0x0], $0xffff  }
0x58a: {  	v6 =	vnsel vm11, $0x0, v55;
	v8 =	vld.idx.msk [tilespmem:v8+s16+$0x0], $0xffff  }
0x58b: {  	v10 =	vld.idx.msk [tilespmem:v10+s16+$0x0], $0xffff;
	[tilespmem:s24+$0xFFFFFFC0] =	vst v6  }
0x58c: {  	v6 =	vld [tilespmem:s25+$0xFFFFFFD0];
	vm7 =	vgt.s32 v7, $0x0  }
0x58d: {  	v46 =	vld.idx.msk [tilespmem:v16+s14+$0x0], $0xffff;
	v53 =	vnsel vm7, $0x0, v7  }
0x58e: {  	v45 =	vld.idx.msk [tilespmem:v16+s16+$0x0], $0xffff;
	v5 =	vmin.u32 v53, $0x3E7;
	vm8 =	veq.s32 v48, v14  }
0x58f: {  	vm13 =	veq.s32 v57, v47;
	v8 =	vnsel vm8, $0x0, v8  }
0x590: {  	v10 =	vnsel vm13, $0x0, v10;
	[tilespmem:s31+$0x40] =	vst v8  }
0x591: {  	[tilespmem:s26+$0xFFFFFFC0] =	vst v10;
	v8 =	vld [tilespmem:s30+$0x50]  }
0x592: {  	v24 =	vld [tilespmem:s28+$0xFFFFFFD0];
	vm5 =	veq.s32 v46, v12  }
0x593: {  	vm15 =	vgt.s32 v6, $0x0;
	v49 =	vnsel vm5, $0x0, v45;
	v60 =	vld.idx.msk [tilespmem:v5+s14+$0x0], $0xffff  }
0x594: {  	v25 =	vnsel vm15, $0x0, v6;
	[tilespmem:s26+$0x40] =	vst v49;
	v5 =	vld.idx.msk [tilespmem:v5+s16+$0x0], $0xffff  }
0x595: {  	v10 =	vmin.u32 v25, $0x3E7;
	v52 =	vld [tilespmem:s28+$0x50]  }
0x596: {  	v61 =	vld.idx.msk [tilespmem:v4+s14+$0x0], $0xffff;
	vm12 =	vgt.s32 v8, $0x0  }
0x597: {  	v27 =	vld.idx.msk [tilespmem:v4+s16+$0x0], $0xffff;
	vm5 =	vgt.s32 v24, $0x0;
	v62 =	vnsel vm12, $0x0, v8  }
0x598: {  	v29 =	vld [tilespmem:s21+$0xFFFFFFD4];
	v28 =	vnsel vm5, $0x0, v24;
	vm14 =	veq.s32 v60, v7;
	v9 =	vmin.u32 v62, $0x3E7  }
0x599: {  	v50 =	vld [tilespmem:s25+$0x54];
	v30 =	vmin.u32 v28, $0x3E7;
	v5 =	vnsel vm14, $0x0, v5  }
0x59a: {  	v33 =	vld.idx.msk [tilespmem:v10+s14+$0x0], $0xffff;
	vm10 =	vgt.s32 v52, $0x0;
	[tilespmem:s31+$0xFFFFFFC0] =	vst v5  }
0x59b: {  	v58 =	vnsel vm10, $0x0, v52;
	v5 =	vld [tilespmem:s30+$0xFFFFFFD0]  }
0x59c: {  	v10 =	vld.idx.msk [tilespmem:v10+s16+$0x0], $0xffff;
	v59 =	vmin.u32 v58, $0x3E7  }
0x59d: {  	v26 =	vld.idx.msk [tilespmem:v9+s14+$0x0], $0xffff  }
0x59e: {  	v34 =	vld.idx.msk [tilespmem:v30+s14+$0x0], $0xffff  }
0x59f: {  	v35 =	vld.idx.msk [tilespmem:v30+s16+$0x0], $0xffff  }
0x5a0: {  	v41 =	vld.idx.msk [tilespmem:v2+s14+$0x0], $0xffff;
	vm6 =	vgt.s32 v5, $0x0  }
0x5a1: {  	v23 =	vld.idx.msk [tilespmem:v59+s14+$0x0], $0xffff;
	v32 =	vnsel vm6, $0x0, v5  }
0x5a2: {  	vm10 =	veq.s32 v33, v6;
	v3 =	vld.idx.msk [tilespmem:v59+s16+$0x0], $0xffff;
	vm7 =	veq.s32 v26, v8;
	v8 =	vmin.u32 v32, $0x3E7  }
0x5a3: {  	v43 =	vld.idx.msk [tilespmem:v2+s16+$0x0], $0xffff;
	v10 =	vnsel vm10, $0x0, v10;
	vm12 =	veq.s32 v34, v24  }
0x5a4: {  	vm8 =	veq.s32 v61, v1;
	[tilespmem:s24+$0xFFFFFFD0] =	vst v10;
	v1 =	vnsel vm12, $0x0, v35;
	v9 =	vld.idx.msk [tilespmem:v9+s16+$0x0], $0xffff  }
0x5a5: {  	vm9 =	vgt.s32 v50, $0x0;
	v10 =	vld [tilespmem:s25+$0xFFFFFFD4];
	[tilespmem:s26+$0xFFFFFFD0] =	vst v1  }
0x5a6: {  	v56 =	vnsel vm9, $0x0, v50;
	vm4 =	veq.s32 v23, v52;
	v45 =	vld [tilespmem:s28+$0xFFFFFFD4]  }
0x5a7: {  	vm11 =	vgt.s32 v29, $0x0;
	v14 =	vmin.u32 v56, $0x3E7;
	v3 =	vnsel vm4, $0x0, v3;
	v37 =	vld.idx.msk [tilespmem:v8+s14+$0x0], $0xffff  }
0x5a8: {  	v42 =	vnsel vm11, $0x0, v29;
	v36 =	vnsel vm8, $0x0, v27;
	[tilespmem:s26+$0x50] =	vst v3;
	v39 =	vld.idx.msk [tilespmem:v8+s16+$0x0], $0xffff  }
0x5a9: {  	[tilespmem:s22+$0xFFFFFFD0] =	vst v36;
	v7 =	vmin.u32 v42, $0x3E7;
	v31 =	vld [tilespmem:s28+$0x54];
	v9 =	vnsel vm7, $0x0, v9  }
0x5aa: {  	v40 =	vld [tilespmem:s23+$0xFFFFFFD4];
	vm4 =	vgt.s32 v10, $0x0;
	[tilespmem:s31+$0x50] =	vst v9  }
0x5ab: {  	v19 =	vnsel vm4, $0x0, v10;
	v9 =	vld [tilespmem:s30+$0x54]  }
0x5ac: {  	v63 =	vld.idx.msk [tilespmem:v14+s14+$0x0], $0xffff;
	v19 =	vmin.u32 v19, $0x3E7;
	vm5 =	vgt.s32 v45, $0x0;
	vm14 =	veq.s32 v37, v5  }
0x5ad: {  	v14 =	vld.idx.msk [tilespmem:v14+s16+$0x0], $0xffff;
	v21 =	vnsel vm5, $0x0, v45;
	v5 =	vnsel vm14, $0x0, v39  }
0x5ae: {  	v49 =	vld.idx.msk [tilespmem:v7+s14+$0x0], $0xffff;
	vm9 =	vgt.s32 v31, $0x0;
	v21 =	vmin.u32 v21, $0x3E7;
	[tilespmem:s31+$0xFFFFFFD0] =	vst v5  }
0x5af: {  	v38 =	vnsel vm9, $0x0, v31;
	v48 =	vld [tilespmem:s30+$0xFFFFFFD4]  }
0x5b0: {  	v7 =	vld.idx.msk [tilespmem:v7+s16+$0x0], $0xffff;
	v3 =	vmin.u32 v38, $0x3E7;
	vm13 =	vgt.s32 v9, $0x0  }
0x5b1: {  	v24 =	vld.idx.msk [tilespmem:v19+s14+$0x0], $0xffff;
	v44 =	vnsel vm13, $0x0, v9  }
0x5b2: {  	vm15 =	vgt.s32 v40, $0x0;
	vm7 =	veq.s32 v63, v50;
	v50 =	vld.idx.msk [tilespmem:v19+s16+$0x0], $0xffff;
	v1 =	vmin.u32 v44, $0x3E7  }
0x5b3: {  	v47 =	vnsel vm15, $0x0, v40;
	v52 =	vld.idx.msk [tilespmem:v21+s14+$0x0], $0xffff  }
0x5b4: {  	v54 =	vld.idx.msk [tilespmem:v21+s16+$0x0], $0xffff;
	v5 =	vmin.u32 v47, $0x3E7;
	vm6 =	vgt.s32 v48, $0x0  }
0x5b5: {  	v46 =	vld.idx.msk [tilespmem:v3+s14+$0x0], $0xffff;
	v23 =	vnsel vm6, $0x0, v48  }
0x5b6: {  	v3 =	vld.idx.msk [tilespmem:v3+s16+$0x0], $0xffff;
	v23 =	vmin.u32 v23, $0x3E7  }
0x5b7: {  	v20 =	vld.idx.msk [tilespmem:v1+s14+$0x0], $0xffff  }
0x5b8: {  	vm8 =	veq.s32 v41, v0;
	v1 =	vld.idx.msk [tilespmem:v1+s16+$0x0], $0xffff  }
0x5b9: {  	v53 =	vnsel vm8, $0x0, v43;
	vm10 =	veq.s32 v49, v29;
	v22 =	vld.idx.msk [tilespmem:v5+s14+$0x0], $0xffff  }
0x5ba: {  	[tilespmem:s19+$0xFFFFFFD4] =	vst v53;
	v57 =	vnsel vm10, $0x0, v7;
	v5 =	vld.idx.msk [tilespmem:v5+s16+$0x0], $0xffff  }
0x5bb: {  	[tilespmem:s20+$0xFFFFFFD4] =	vst v57;
	v51 =	vnsel vm7, $0x0, v14;
	vm13 =	veq.s32 v24, v10;
	v56 =	vld.idx.msk [tilespmem:v23+s14+$0x0], $0xffff  }
0x5bc: {  	[tilespmem:s24+$0x54] =	vst v51;
	vm9 =	veq.s32 v46, v31;
	v61 =	vnsel vm13, $0x0, v50;
	v58 =	vld.idx.msk [tilespmem:v23+s16+$0x0], $0xffff  }
0x5bd: {  	v55 =	vnsel vm9, $0x0, v3;
	vm14 =	veq.s32 v52, v45;
	[tilespmem:s24+$0xFFFFFFD4] =	vst v61  }
0x5be: {  	[tilespmem:s26+$0x54] =	vst v55;
	v62 =	vnsel vm14, $0x0, v54;
	vm11 =	veq.s32 v20, v9  }
0x5bf: {  	[tilespmem:s26+$0xFFFFFFD4] =	vst v62;
	v59 =	vnsel vm11, $0x0, v1;
	vm12 =	veq.s32 v22, v40  }
0x5c0: {  	s18 =	sadd.s32 $0x1, s18;
	[tilespmem:s31+$0x54] =	vst v59;
	v60 =	vnsel vm12, $0x0, v5;
	vm15 =	veq.s32 v56, v48  }
0x5c1: {  	p0 =	sne.s32 s18, s13;
	[tilespmem:s22+$0xFFFFFFD4] =	vst v60;
	v63 =	vnsel vm15, $0x0, v58  }
.Ltmp4:
0x5c2: {  	[tilespmem:s31+$0xFFFFFFD4] =	vst v63;
	(pc) =	sbr.rel @p0 .LBB2_1-.Ltmp4, $4  }
0x5c3: {  	[hbm4b:s12+s3] =	stream.linear.scatter [tilespmem:s17], [sflag:$0x1], $0x4000, $0x38;
	[tilespmem:$0x8800] =	vst v63  }
0x5c4: {  	_ =	swait.ge [sflag:s15], $0x4000  }
0x5c5: {  	[sflag:s15] =	ssyncset.done $0x0  }
0x5c6: {  	[sflag:s15] =	ssyncadd.s32 $0xFFFFC000  }
0x5c7: {  	_ =	sfence.sel $0x180000  }
0x5c8: {  	[bflag:$0x0] =	sbarrier.arrive $0xFFFF  }
0x5c9: {  	_ =	strace $0x90000047  }
0x5ca: {  	s0 =	stileid.u32;
	[bflag:$0x2] =	sbarrier.arrive $0xFFFF  }
0x5cb: {  	p0 =	sne.s32 s0, $0x0;
	s0 =	rddreg [dreg:$0x3]  }
0x5cc: {  	s0 =	sadd.s32 @!p0 $0x100000, s0  }
0x5cd: {  	[sflag:s0] =	ssyncadd.tile.s32 @!p0 $0x1;
	_ =	shalt  }
.Lfunc_end2:
_tile_overlayer_lowered:
.L_overlay_start_2:
0x5ce: {  	(tag) =	ssettag $0x2  }
0x5cf: {  	s0 =	rddreg [dreg:$0x0];
	s2 =	stileid.u32  }
0x5d0: {  	s1 =	rddreg [dreg:$0x1];
	p0 =	sne.s32 s2, $0x0  }
0x5d1: {  	s3 =	rddreg [dreg:$0x2];
	[bflag:$0x3] =	sbarrier.arrive $0xFFFF;
	s2 =	simm.s32 @!p0 $0x1C01  }
0x5d2: {  	[timem:s3], [sflag:s2] =	dma.local @!p0 [hbm:s0], s1  }
0x5d3: {  	s0 =	simm.s32 @!p0 $0x1  }
0x5d4: {  	_ =	swait.ge @!p0 [sflag:s0], s1  }
0x5d5: {  	s1 =	ssub.s32 @!p0 $0x0, s1;
	[sflag:s0] =	ssyncset.done @!p0 $0x0  }
0x5d6: {  	[sflag:s0] =	ssyncadd.s32 @!p0 s1  }
0x5d7: {  	[bflag:$0x3] =	sbarrier.arrive $0xFFFF  }
0x5d8: {  	_ =	shalt  }

</sc_bundles>
